<compile_context>
chip_gen: v7x
topology: tpu7x:2x2x1
jax: 0.10.2.dev20260603
libtpu: 0.0.44.dev20260713+nightly
codegen_flags: <defaults>
</compile_context>

<pallas_src>
import functools

import jax
import jax.numpy as jnp
from jax import lax
from jax.experimental import pallas as pl
from jax.experimental.pallas import tpu as pltpu
from jax.experimental.pallas import tpu_sc as plsc

NBLK = 4
N = 10000
E = 65536
NG = 64
D = 1024
CK = 128
NCHUNK = D // CK
RT = 1000
NRT = N // RT
NSC = 2
NSUB = 16
EG = 128
EGRP = E // NSUB // EG
DEG_W = 128
DEG_GRP = E // (NSC * NSUB) // EG
NP = 10240
RPT = NP // NSUB


def _deg_body(dst_hbm, ones_hbm, zeros_hbm, out_hbm, ones_v, idx_v, acc_sh):
    core = lax.axis_index("c")
    sub = lax.axis_index("s")
    pltpu.sync_copy(ones_hbm, ones_v)
    pltpu.sync_copy(zeros_hbm, acc_sh.at[pl.ds(sub * RPT, RPT)])
    plsc.subcore_barrier()
    base = (core * NSUB + sub) * (E // (NSC * NSUB))

    def body(g, carry):
        pltpu.sync_copy(dst_hbm.at[pl.ds(base + g * EG, EG)], idx_v)
        pltpu.sync_copy(ones_v, acc_sh.at[idx_v], add=True)
        return carry

    lax.fori_loop(0, DEG_GRP, body, 0)
    plsc.subcore_barrier()
    pltpu.sync_copy(acc_sh.at[pl.ds(sub * RPT, RPT)],
                    out_hbm.at[core, pl.ds(sub * RPT, RPT)])


@functools.cache
def _sc_kernels():
    mesh = plsc.VectorSubcoreMesh(core_axis_name="c", subcore_axis_name="s")
    deg = pl.kernel(
        _deg_body,
        out_type=jax.ShapeDtypeStruct((NSC, NP, DEG_W), jnp.float32),
        mesh=mesh,
        scratch_types=[
            pltpu.VMEM((EG, DEG_W), jnp.float32),
            pltpu.VMEM((EG,), jnp.int32),
            pltpu.VMEM_SHARED((NP, DEG_W), jnp.float32),
        ],
    )
    edge = pl.kernel(
        _edge_body,
        out_type=jax.ShapeDtypeStruct((NCHUNK, NP, CK), jnp.float32),
        mesh=mesh,
        scratch_types=[
            pltpu.VMEM((EG, CK), jnp.float32),
            pltpu.VMEM((EG, CK), jnp.float32),
            pltpu.VMEM((EGRP, EG), jnp.int32),
            pltpu.VMEM((EGRP, EG), jnp.int32),
            pltpu.VMEM((EGRP, EG), jnp.int32),
            pltpu.VMEM_SHARED((NP, CK), jnp.float32),
            pltpu.SemaphoreType.DMA,
            pltpu.SemaphoreType.DMA,
        ],
    )
    return deg, edge


def _edge_body(xws_hbm, src_hbm, dst_hbm, acc_hbm,
               rows0_v, rows1_v, idxs_v, idxo_v, idxd_v, acc_sh, sem0, sem1):
    core = lax.axis_index("c")
    sub = lax.axis_index("s")
    pltpu.sync_copy(src_hbm.at[sub], idxs_v)
    pltpu.sync_copy(dst_hbm.at[sub], idxd_v)

    def chunk(cc, carry):
        chunk_id = core * (NCHUNK // NSC) + cc
        off = chunk_id * NP

        def obody(g, inner):
            for j in range(EG // 16):
                sl = pl.ds(j * 16, 16)
                idxo_v[g, sl] = idxs_v[g, sl] + off
            return inner

        lax.fori_loop(0, EGRP, obody, 0)
        pltpu.sync_copy(xws_hbm.at[pl.ds(off + sub * RPT, RPT)],
                        acc_sh.at[pl.ds(sub * RPT, RPT)])
        plsc.subcore_barrier()

        pltpu.async_copy(xws_hbm.at[idxo_v.at[0]], rows0_v, sem0)

        def g_body(p, inner):
            g0 = 2 * p
            pltpu.async_copy(xws_hbm.at[idxo_v.at[g0 + 1]], rows1_v, sem1)
            pltpu.make_async_copy(xws_hbm.at[idxo_v.at[g0]],
                                  rows0_v, sem0).wait()
            pltpu.sync_copy(rows0_v, acc_sh.at[idxd_v.at[g0]], add=True)

            @pl.when(p + 1 < EGRP // 2)
            def _():
                pltpu.async_copy(xws_hbm.at[idxo_v.at[g0 + 2]], rows0_v, sem0)

            pltpu.make_async_copy(xws_hbm.at[idxo_v.at[g0 + 1]],
                                  rows1_v, sem1).wait()
            pltpu.sync_copy(rows1_v, acc_sh.at[idxd_v.at[g0 + 1]], add=True)
            return inner

        lax.fori_loop(0, EGRP // 2, g_body, 0)
        plsc.subcore_barrier()
        pltpu.sync_copy(acc_sh.at[pl.ds(sub * RPT, RPT)],
                        acc_hbm.at[chunk_id, pl.ds(sub * RPT, RPT)])
        plsc.subcore_barrier()
        return carry

    lax.fori_loop(0, NCHUNK // NSC, chunk, 0)



def _pre_body(degp_ref, dis_ref):
    deg = degp_ref[0, :, 0:1] + degp_ref[1, :, 0:1] + 1.0
    dis_ref[...] = lax.rsqrt(deg)


_pre_kernel = pl.pallas_call(
    _pre_body,
    grid=(NRT,),
    in_specs=[
        pl.BlockSpec((NSC, RT, DEG_W), lambda m: (0, m, 0)),
    ],
    out_specs=pl.BlockSpec((RT, 1), lambda m: (m, 0)),
    out_shape=jax.ShapeDtypeStruct((N, 1), jnp.float32),
)


def _mm_body(h_ref, dis_ref, w_ref, out_ref):
    hs = h_ref[...] * dis_ref[...]
    acc = jnp.dot(hs, w_ref[...], preferred_element_type=jnp.float32)
    for c in range(NCHUNK):
        out_ref[c, :, :] = acc[:, c * CK:(c + 1) * CK]


_mm_kernel = pl.pallas_call(
    _mm_body,
    grid=(NRT,),
    in_specs=[
        pl.BlockSpec((RT, D), lambda m: (m, 0)),
        pl.BlockSpec((RT, 1), lambda m: (m, 0)),
        pl.BlockSpec((D, D), lambda m: (0, 0)),
    ],
    out_specs=pl.BlockSpec((NCHUNK, RT, CK), lambda m: (0, m, 0)),
    out_shape=jax.ShapeDtypeStruct((NCHUNK, NP, CK), jnp.float32),
)


def _ep_body(h_ref, acc_ref, dis_ref, b_ref, hn_ref):
    dis = dis_ref[...]
    for c in range(NCHUNK):
        sl = slice(c * CK, (c + 1) * CK)
        conv = dis * acc_ref[c, :, :] + b_ref[c, :].reshape(1, CK)
        hn_ref[:, sl] = jnp.maximum(h_ref[:, sl] + conv, 0.0)


_ep_kernel = pl.pallas_call(
    _ep_body,
    grid=(NRT,),
    in_specs=[
        pl.BlockSpec((RT, D), lambda m: (m, 0)),
        pl.BlockSpec((NCHUNK, RT, CK), lambda m: (0, m, 0)),
        pl.BlockSpec((RT, 1), lambda m: (m, 0)),
        pl.BlockSpec((NCHUNK, CK), lambda m: (0, 0)),
    ],
    out_specs=pl.BlockSpec((RT, D), lambda m: (m, 0)),
    out_shape=jax.ShapeDtypeStruct((N, D), jnp.float32),
)


def _pool_body(h_ref, batch_ref, wr_ref, br_ref, out_ref, sums_ref, cnts_ref):
    m = pl.program_id(0)

    @pl.when(m == 0)
    def _init():
        sums_ref[...] = jnp.zeros((NG, D), jnp.float32)
        cnts_ref[...] = jnp.zeros((NG, 1), jnp.float32)

    oh = (lax.broadcasted_iota(jnp.int32, (RT, NG), 1)
          == batch_ref[...]).astype(jnp.float32)
    dn = (((0,), (0,)), ((), ()))
    sums_ref[...] += lax.dot_general(oh, h_ref[...], dn,
                                     preferred_element_type=jnp.float32)
    cnts_ref[...] += lax.dot_general(oh, jnp.ones((RT, 1), jnp.float32), dn,
                                     preferred_element_type=jnp.float32)

    @pl.when(m == NRT - 1)
    def _fin():
        mean = sums_ref[...] / jnp.maximum(cnts_ref[...], 1.0)
        out_ref[...] = jnp.dot(mean, wr_ref[...],
                               preferred_element_type=jnp.float32) \
            + br_ref[...]


_pool_kernel = pl.pallas_call(
    _pool_body,
    grid=(NRT,),
    in_specs=[
        pl.BlockSpec((RT, D), lambda m: (m, 0)),
        pl.BlockSpec((RT, 1), lambda m: (m, 0)),
        pl.BlockSpec((D, 2), lambda m: (0, 0)),
        pl.BlockSpec((1, 2), lambda m: (0, 0)),
    ],
    out_specs=pl.BlockSpec((NG, 2), lambda m: (0, 0)),
    out_shape=jax.ShapeDtypeStruct((NG, 2), jnp.float32),
    scratch_shapes=[
        pltpu.VMEM((NG, D), jnp.float32),
        pltpu.VMEM((NG, 1), jnp.float32),
    ],
)



def kernel(x, edge_index, batch, Wc, bc, Wr, br):
    ei = edge_index.astype(jnp.int32)
    src = ei[0].reshape(NSUB, EGRP, EG)
    dst = ei[1].reshape(NSUB, EGRP, EG)
    dst_flat = ei[1]
    batch2d = batch.astype(jnp.int32).reshape(N, 1)
    zeros_dw = jnp.zeros((RPT, DEG_W), jnp.float32)
    ones_deg = jnp.ones((EG, DEG_W), jnp.float32)

    deg_kernel, edge_kernel = _sc_kernels()
    degp = deg_kernel(dst_flat, ones_deg, zeros_dw)
    dis = _pre_kernel(degp)
    h = x
    for i in range(NBLK):
        xws = _mm_kernel(h, dis, Wc[i])
        acc = edge_kernel(xws.reshape(NCHUNK * NP, CK), src, dst)
        h = _ep_kernel(h, acc, dis, bc[i].reshape(NCHUNK, CK))
    return _pool_kernel(h, batch2d, Wr, br.reshape(1, 2))

# --- scband reference (transcript-rebuilt; emitter-appended) ---
"""Pipeline reference for scband-model-87608742904231 (READ-ONLY COPY).

The authoritative reference and input builder live on the scoring server;
editing this copy changes nothing except your own understanding.
"""

import jax, jax.numpy as jnp
import numpy as np

NUM_BLOCKS = 4
D = 1024
N_NODES = 10000
N_EDGES = 65536
NUM_GRAPHS = 64


def setup_inputs(seed: int = 0) -> dict:
    key = jax.random.key(seed)
    k = jax.random.split(key, 8)
    x = jax.random.normal(k[0], (N_NODES, D), dtype=jnp.float32)
    edge_index = jax.random.randint(k[1], (2, N_EDGES), 0, N_NODES, dtype=jnp.int64)
    batch = jnp.sort(jax.random.randint(k[2], (N_NODES,), 0, NUM_GRAPHS, dtype=jnp.int64))
    Wc = jax.random.normal(k[3], (NUM_BLOCKS, D, D), dtype=jnp.float32) * 0.02
    bc = jnp.zeros((NUM_BLOCKS, D), dtype=jnp.float32)
    Wr = jax.random.normal(k[4], (D, 2), dtype=jnp.float32) * 0.02
    br = jnp.zeros((2,), dtype=jnp.float32)
    return {"x": x, "edge_index": edge_index, "batch": batch, "Wc": Wc, "bc": bc, "Wr": Wr, "br": br}


def _gcn_conv(h, src, dst, W, b, n_nodes):
    # GCNConv: symmetric normalization with self-loops
    loop = jnp.arange(n_nodes, dtype=src.dtype)
    s = jnp.concatenate([src, loop])
    d = jnp.concatenate([dst, loop])
    deg = jnp.zeros((n_nodes,), dtype=h.dtype).at[d].add(1.0)
    dis = jnp.where(deg > 0, 1.0 / jnp.sqrt(deg), 0.0)
    norm = dis[s] * dis[d]
    xw = h @ W
    msg = jnp.take(xw, s, axis=0) * norm[:, None]
    out = jnp.zeros_like(xw).at[d].add(msg)
    return out + b


def reference(x, edge_index, batch, Wc, bc, Wr, br):
    n_nodes = x.shape[0]
    src = edge_index[0]
    dst = edge_index[1]
    h = x
    for i in range(NUM_BLOCKS):
        # GCNBlock: act(dropout(x + conv(x, edge_index))); dropout is identity in eval mode
        h = jax.nn.relu(h + _gcn_conv(h, src, dst, Wc[i], bc[i], n_nodes))
    # global_mean_pool over batch ids
    sums = jax.ops.segment_sum(h, batch, num_segments=NUM_GRAPHS)
    counts = jax.ops.segment_sum(jnp.ones((n_nodes,), dtype=h.dtype), batch, num_segments=NUM_GRAPHS)
    mean = sums / jnp.clip(counts, 1.0)[:, None]
    out = mean @ Wr + br
    return out

if __name__ == "__main__":
    import jax
    _d = setup_inputs()
    print(jax.jit(kernel)(*tuple(_d.values())))

</pallas_src>

<mosaic_0001>
#map = affine_map<(d0, d1) -> (0, 0)>
#map1 = affine_map<(d0, d1) -> (0, 0, 0)>
module attributes {stable_mosaic.version = 14 : i64} {
  func.func @_edge_body(%arg0: i32, %arg1: i32, %arg2: memref<81920x128xf32, #tpu.memory_space<hbm>>, %arg3: memref<16x32x128xi32, #tpu.memory_space<hbm>>, %arg4: memref<16x32x128xi32, #tpu.memory_space<hbm>>, %arg5: memref<8x10240x128xf32, #tpu.memory_space<hbm>>, %arg6: memref<128x128xf32, #tpu.memory_space<vmem>>, %arg7: memref<128x128xf32, #tpu.memory_space<vmem>>, %arg8: memref<32x128xi32, #tpu.memory_space<vmem>>, %arg9: memref<32x128xi32, #tpu.memory_space<vmem>>, %arg10: memref<32x128xi32, #tpu.memory_space<vmem>>, %arg11: memref<10240x128xf32, #tpu.memory_space<vmem_shared>>, %arg12: memref<!tpu.dma_semaphore, #tpu.memory_space<semaphore_mem>>, %arg13: memref<!tpu.dma_semaphore, #tpu.memory_space<semaphore_mem>>) attributes {dimension_semantics = [#tpu.dimension_semantics<core_parallel>, #tpu.dimension_semantics<subcore_parallel>], iteration_bounds = array<i64: 2, 16>, scalar_prefetch = 0 : i64, scratch_operands = 8 : i64, tpu.core_type = #tpu.core_type<sc_vector_subcore>, window_params = [{transform_indices = #map}, {transform_indices = #map1}, {transform_indices = #map1}, {transform_indices = #map1}]} {
    "tpu.region"() ({
      %run_scoped3A = tpu.sem_alloc : memref<!tpu.dma_semaphore, #tpu.memory_space<semaphore_mem>>
      %dma_start3A = arith.constant 0 : i32
      %dma_start3A_5 = arith.constant 0 : i32
      %dma_start3A_6 = tpu.memref_slice %arg3[%arg1, %dma_start3A, %dma_start3A_5] : memref<16x32x128xi32, #tpu.memory_space<hbm>> -> memref<1x32x128xi32, #tpu.memory_space<hbm>>
      %dma_start3A_7 = tpu.memref_squeeze %dma_start3A_6 : memref<1x32x128xi32, #tpu.memory_space<hbm>> -> memref<32x128xi32, #tpu.memory_space<hbm>>
      %dma_start3A_8 = arith.constant 0 : i32
      %dma_start3A_9 = arith.constant 0 : i32
      %dma_start3A_10 = tpu.memref_slice %arg3[%arg1, %dma_start3A_8, %dma_start3A_9] : memref<16x32x128xi32, #tpu.memory_space<hbm>> -> memref<1x32x128xi32, #tpu.memory_space<hbm>>
      %dma_start3A_11 = tpu.memref_squeeze %dma_start3A_10 : memref<1x32x128xi32, #tpu.memory_space<hbm>> -> memref<32x128xi32, #tpu.memory_space<hbm>>
      tpu.enqueue_dma source(%dma_start3A_11 : memref<32x128xi32, #tpu.memory_space<hbm>>) target(%arg8 : memref<32x128xi32, #tpu.memory_space<vmem>>) target_semaphore(%run_scoped3A : memref<!tpu.dma_semaphore, #tpu.memory_space<semaphore_mem>>)
      %dma_wait3A = arith.constant 0 : i32
      %dma_wait3A_12 = arith.constant 0 : i32
      %dma_wait3A_13 = tpu.memref_slice %arg3[%arg1, %dma_wait3A, %dma_wait3A_12] : memref<16x32x128xi32, #tpu.memory_space<hbm>> -> memref<1x32x128xi32, #tpu.memory_space<hbm>>
      %dma_wait3A_14 = tpu.memref_squeeze %dma_wait3A_13 : memref<1x32x128xi32, #tpu.memory_space<hbm>> -> memref<32x128xi32, #tpu.memory_space<hbm>>
      %dma_wait3A_15 = arith.constant 0 : i32
      %dma_wait3A_16 = arith.constant 0 : i32
      %dma_wait3A_17 = tpu.memref_slice %arg3[%arg1, %dma_wait3A_15, %dma_wait3A_16] : memref<16x32x128xi32, #tpu.memory_space<hbm>> -> memref<1x32x128xi32, #tpu.memory_space<hbm>>
      %dma_wait3A_18 = tpu.memref_squeeze %dma_wait3A_17 : memref<1x32x128xi32, #tpu.memory_space<hbm>> -> memref<32x128xi32, #tpu.memory_space<hbm>>
      tpu.wait_dma2 semaphore(%run_scoped3A : memref<!tpu.dma_semaphore, #tpu.memory_space<semaphore_mem>>) src(%dma_wait3A_18 : memref<32x128xi32, #tpu.memory_space<hbm>>) dst(%arg8 : memref<32x128xi32, #tpu.memory_space<vmem>>)
      tpu.yield
    }) : () -> ()
    "tpu.region"() ({
      %run_scoped3A = tpu.sem_alloc : memref<!tpu.dma_semaphore, #tpu.memory_space<semaphore_mem>>
      %dma_start3A = arith.constant 0 : i32
      %dma_start3A_5 = arith.constant 0 : i32
      %dma_start3A_6 = tpu.memref_slice %arg4[%arg1, %dma_start3A, %dma_start3A_5] : memref<16x32x128xi32, #tpu.memory_space<hbm>> -> memref<1x32x128xi32, #tpu.memory_space<hbm>>
      %dma_start3A_7 = tpu.memref_squeeze %dma_start3A_6 : memref<1x32x128xi32, #tpu.memory_space<hbm>> -> memref<32x128xi32, #tpu.memory_space<hbm>>
      %dma_start3A_8 = arith.constant 0 : i32
      %dma_start3A_9 = arith.constant 0 : i32
      %dma_start3A_10 = tpu.memref_slice %arg4[%arg1, %dma_start3A_8, %dma_start3A_9] : memref<16x32x128xi32, #tpu.memory_space<hbm>> -> memref<1x32x128xi32, #tpu.memory_space<hbm>>
      %dma_start3A_11 = tpu.memref_squeeze %dma_start3A_10 : memref<1x32x128xi32, #tpu.memory_space<hbm>> -> memref<32x128xi32, #tpu.memory_space<hbm>>
      tpu.enqueue_dma source(%dma_start3A_11 : memref<32x128xi32, #tpu.memory_space<hbm>>) target(%arg10 : memref<32x128xi32, #tpu.memory_space<vmem>>) target_semaphore(%run_scoped3A : memref<!tpu.dma_semaphore, #tpu.memory_space<semaphore_mem>>)
      %dma_wait3A = arith.constant 0 : i32
      %dma_wait3A_12 = arith.constant 0 : i32
      %dma_wait3A_13 = tpu.memref_slice %arg4[%arg1, %dma_wait3A, %dma_wait3A_12] : memref<16x32x128xi32, #tpu.memory_space<hbm>> -> memref<1x32x128xi32, #tpu.memory_space<hbm>>
      %dma_wait3A_14 = tpu.memref_squeeze %dma_wait3A_13 : memref<1x32x128xi32, #tpu.memory_space<hbm>> -> memref<32x128xi32, #tpu.memory_space<hbm>>
      %dma_wait3A_15 = arith.constant 0 : i32
      %dma_wait3A_16 = arith.constant 0 : i32
      %dma_wait3A_17 = tpu.memref_slice %arg4[%arg1, %dma_wait3A_15, %dma_wait3A_16] : memref<16x32x128xi32, #tpu.memory_space<hbm>> -> memref<1x32x128xi32, #tpu.memory_space<hbm>>
      %dma_wait3A_18 = tpu.memref_squeeze %dma_wait3A_17 : memref<1x32x128xi32, #tpu.memory_space<hbm>> -> memref<32x128xi32, #tpu.memory_space<hbm>>
      tpu.wait_dma2 semaphore(%run_scoped3A : memref<!tpu.dma_semaphore, #tpu.memory_space<semaphore_mem>>) src(%dma_wait3A_18 : memref<32x128xi32, #tpu.memory_space<hbm>>) dst(%arg10 : memref<32x128xi32, #tpu.memory_space<vmem>>)
      tpu.yield
    }) : () -> ()
    %scan3A = arith.constant 0 : i32
    %scan3A_0 = arith.constant 0 : i32
    %scan3A_1 = arith.constant 4 : i32
    %scan3A_2 = arith.addi %scan3A_0, %scan3A_1 : i32
    %scan3A_3 = arith.constant 1 : i32
    scf.for %scan3A_5 = %scan3A_0 to %scan3A_2 step %scan3A_3  : i32 {
      %mul3A = arith.constant 4 : i32
      %mul3A_6 = arith.muli %arg0, %mul3A : i32
      %add3A = arith.addi %mul3A_6, %scan3A_5 : i32
      %mul3A_7 = arith.constant 10240 : i32
      %mul3A_8 = arith.muli %add3A, %mul3A_7 : i32
      %scan3A_9 = arith.constant 0 : i32
      %scan3A_10 = arith.constant 0 : i32
      %scan3A_11 = arith.constant 32 : i32
      %scan3A_12 = arith.addi %scan3A_10, %scan3A_11 : i32
      %scan3A_13 = arith.constant 1 : i32
      scf.for %scan3A_38 = %scan3A_10 to %scan3A_12 step %scan3A_13  : i32 {
        %get3A = arith.index_cast %scan3A_38 : i32 to index
        %get3A_39 = arith.constant 0 : index
        %get3A_40 = tpu.vector_load %arg8[%get3A, %get3A_39] {strides = array<i32>} : memref<32x128xi32, #tpu.memory_space<vmem>>, vector<1x16xi32>,
        %get3A_41 = vector.shape_cast %get3A_40 : vector<1x16xi32> to vector<16xi32>
        %add3A_42 = vector.broadcast %mul3A_8 : i32 to vector<16xi32>
        %add3A_43 = arith.addi %get3A_41, %add3A_42 : vector<16xi32>
        %swap3A = arith.index_cast %scan3A_38 : i32 to index
        %swap3A_44 = arith.constant 0 : index
        %swap3A_45 = tpu.vector_load %arg9[%swap3A, %swap3A_44] {strides = array<i32>} : memref<32x128xi32, #tpu.memory_space<vmem>>, vector<1x16xi32>,
        %swap3A_46 = vector.shape_cast %swap3A_45 : vector<1x16xi32> to vector<16xi32>
        %swap3A_47 = vector.shape_cast %add3A_43 : vector<16xi32> to vector<1x16xi32>
        tpu.vector_store %arg9[%swap3A, %swap3A_44], %swap3A_47 {strides = array<i32>} : memref<32x128xi32, #tpu.memory_space<vmem>>, vector<1x16xi32>,
        %get3A_48 = arith.index_cast %scan3A_38 : i32 to index
        %get3A_49 = arith.constant 16 : index
        %get3A_50 = tpu.vector_load %arg8[%get3A_48, %get3A_49] {strides = array<i32>} : memref<32x128xi32, #tpu.memory_space<vmem>>, vector<1x16xi32>,
        %get3A_51 = vector.shape_cast %get3A_50 : vector<1x16xi32> to vector<16xi32>
        %add3A_52 = vector.broadcast %mul3A_8 : i32 to vector<16xi32>
        %add3A_53 = arith.addi %get3A_51, %add3A_52 : vector<16xi32>
        %swap3A_54 = arith.index_cast %scan3A_38 : i32 to index
        %swap3A_55 = arith.constant 16 : index
        %swap3A_56 = tpu.vector_load %arg9[%swap3A_54, %swap3A_55] {strides = array<i32>} : memref<32x128xi32, #tpu.memory_space<vmem>>, vector<1x16xi32>,
        %swap3A_57 = vector.shape_cast %swap3A_56 : vector<1x16xi32> to vector<16xi32>
        %swap3A_58 = vector.shape_cast %add3A_53 : vector<16xi32> to vector<1x16xi32>
        tpu.vector_store %arg9[%swap3A_54, %swap3A_55], %swap3A_58 {strides = array<i32>} : memref<32x128xi32, #tpu.memory_space<vmem>>, vector<1x16xi32>,
        %get3A_59 = arith.index_cast %scan3A_38 : i32 to index
        %get3A_60 = arith.constant 32 : index
        %get3A_61 = tpu.vector_load %arg8[%get3A_59, %get3A_60] {strides = array<i32>} : memref<32x128xi32, #tpu.memory_space<vmem>>, vector<1x16xi32>,
        %get3A_62 = vector.shape_cast %get3A_61 : vector<1x16xi32> to vector<16xi32>
        %add3A_63 = vector.broadcast %mul3A_8 : i32 to vector<16xi32>
        %add3A_64 = arith.addi %get3A_62, %add3A_63 : vector<16xi32>
        %swap3A_65 = arith.index_cast %scan3A_38 : i32 to index
        %swap3A_66 = arith.constant 32 : index
        %swap3A_67 = tpu.vector_load %arg9[%swap3A_65, %swap3A_66] {strides = array<i32>} : memref<32x128xi32, #tpu.memory_space<vmem>>, vector<1x16xi32>,
        %swap3A_68 = vector.shape_cast %swap3A_67 : vector<1x16xi32> to vector<16xi32>
        %swap3A_69 = vector.shape_cast %add3A_64 : vector<16xi32> to vector<1x16xi32>
        tpu.vector_store %arg9[%swap3A_65, %swap3A_66], %swap3A_69 {strides = array<i32>} : memref<32x128xi32, #tpu.memory_space<vmem>>, vector<1x16xi32>,
        %get3A_70 = arith.index_cast %scan3A_38 : i32 to index
        %get3A_71 = arith.constant 48 : index
        %get3A_72 = tpu.vector_load %arg8[%get3A_70, %get3A_71] {strides = array<i32>} : memref<32x128xi32, #tpu.memory_space<vmem>>, vector<1x16xi32>,
        %get3A_73 = vector.shape_cast %get3A_72 : vector<1x16xi32> to vector<16xi32>
        %add3A_74 = vector.broadcast %mul3A_8 : i32 to vector<16xi32>
        %add3A_75 = arith.addi %get3A_73, %add3A_74 : vector<16xi32>
        %swap3A_76 = arith.index_cast %scan3A_38 : i32 to index
        %swap3A_77 = arith.constant 48 : index
        %swap3A_78 = tpu.vector_load %arg9[%swap3A_76, %swap3A_77] {strides = array<i32>} : memref<32x128xi32, #tpu.memory_space<vmem>>, vector<1x16xi32>,
        %swap3A_79 = vector.shape_cast %swap3A_78 : vector<1x16xi32> to vector<16xi32>
        %swap3A_80 = vector.shape_cast %add3A_75 : vector<16xi32> to vector<1x16xi32>
        tpu.vector_store %arg9[%swap3A_76, %swap3A_77], %swap3A_80 {strides = array<i32>} : memref<32x128xi32, #tpu.memory_space<vmem>>, vector<1x16xi32>,
        %get3A_81 = arith.index_cast %scan3A_38 : i32 to index
        %get3A_82 = arith.constant 64 : index
        %get3A_83 = tpu.vector_load %arg8[%get3A_81, %get3A_82] {strides = array<i32>} : memref<32x128xi32, #tpu.memory_space<vmem>>, vector<1x16xi32>,
        %get3A_84 = vector.shape_cast %get3A_83 : vector<1x16xi32> to vector<16xi32>
        %add3A_85 = vector.broadcast %mul3A_8 : i32 to vector<16xi32>
        %add3A_86 = arith.addi %get3A_84, %add3A_85 : vector<16xi32>
        %swap3A_87 = arith.index_cast %scan3A_38 : i32 to index
        %swap3A_88 = arith.constant 64 : index
        %swap3A_89 = tpu.vector_load %arg9[%swap3A_87, %swap3A_88] {strides = array<i32>} : memref<32x128xi32, #tpu.memory_space<vmem>>, vector<1x16xi32>,
        %swap3A_90 = vector.shape_cast %swap3A_89 : vector<1x16xi32> to vector<16xi32>
        %swap3A_91 = vector.shape_cast %add3A_86 : vector<16xi32> to vector<1x16xi32>
        tpu.vector_store %arg9[%swap3A_87, %swap3A_88], %swap3A_91 {strides = array<i32>} : memref<32x128xi32, #tpu.memory_space<vmem>>, vector<1x16xi32>,
        %get3A_92 = arith.index_cast %scan3A_38 : i32 to index
        %get3A_93 = arith.constant 80 : index
        %get3A_94 = tpu.vector_load %arg8[%get3A_92, %get3A_93] {strides = array<i32>} : memref<32x128xi32, #tpu.memory_space<vmem>>, vector<1x16xi32>,
        %get3A_95 = vector.shape_cast %get3A_94 : vector<1x16xi32> to vector<16xi32>
        %add3A_96 = vector.broadcast %mul3A_8 : i32 to vector<16xi32>
        %add3A_97 = arith.addi %get3A_95, %add3A_96 : vector<16xi32>
        %swap3A_98 = arith.index_cast %scan3A_38 : i32 to index
        %swap3A_99 = arith.constant 80 : index
        %swap3A_100 = tpu.vector_load %arg9[%swap3A_98, %swap3A_99] {strides = array<i32>} : memref<32x128xi32, #tpu.memory_space<vmem>>, vector<1x16xi32>,
        %swap3A_101 = vector.shape_cast %swap3A_100 : vector<1x16xi32> to vector<16xi32>
        %swap3A_102 = vector.shape_cast %add3A_97 : vector<16xi32> to vector<1x16xi32>
        tpu.vector_store %arg9[%swap3A_98, %swap3A_99], %swap3A_102 {strides = array<i32>} : memref<32x128xi32, #tpu.memory_space<vmem>>, vector<1x16xi32>,
        %get3A_103 = arith.index_cast %scan3A_38 : i32 to index
        %get3A_104 = arith.constant 96 : index
        %get3A_105 = tpu.vector_load %arg8[%get3A_103, %get3A_104] {strides = array<i32>} : memref<32x128xi32, #tpu.memory_space<vmem>>, vector<1x16xi32>,
        %get3A_106 = vector.shape_cast %get3A_105 : vector<1x16xi32> to vector<16xi32>
        %add3A_107 = vector.broadcast %mul3A_8 : i32 to vector<16xi32>
        %add3A_108 = arith.addi %get3A_106, %add3A_107 : vector<16xi32>
        %swap3A_109 = arith.index_cast %scan3A_38 : i32 to index
        %swap3A_110 = arith.constant 96 : index
        %swap3A_111 = tpu.vector_load %arg9[%swap3A_109, %swap3A_110] {strides = array<i32>} : memref<32x128xi32, #tpu.memory_space<vmem>>, vector<1x16xi32>,
        %swap3A_112 = vector.shape_cast %swap3A_111 : vector<1x16xi32> to vector<16xi32>
        %swap3A_113 = vector.shape_cast %add3A_108 : vector<16xi32> to vector<1x16xi32>
        tpu.vector_store %arg9[%swap3A_109, %swap3A_110], %swap3A_113 {strides = array<i32>} : memref<32x128xi32, #tpu.memory_space<vmem>>, vector<1x16xi32>,
        %get3A_114 = arith.index_cast %scan3A_38 : i32 to index
        %get3A_115 = arith.constant 112 : index
        %get3A_116 = tpu.vector_load %arg8[%get3A_114, %get3A_115] {strides = array<i32>} : memref<32x128xi32, #tpu.memory_space<vmem>>, vector<1x16xi32>,
        %get3A_117 = vector.shape_cast %get3A_116 : vector<1x16xi32> to vector<16xi32>
        %add3A_118 = vector.broadcast %mul3A_8 : i32 to vector<16xi32>
        %add3A_119 = arith.addi %get3A_117, %add3A_118 : vector<16xi32>
        %swap3A_120 = arith.index_cast %scan3A_38 : i32 to index
        %swap3A_121 = arith.constant 112 : index
        %swap3A_122 = tpu.vector_load %arg9[%swap3A_120, %swap3A_121] {strides = array<i32>} : memref<32x128xi32, #tpu.memory_space<vmem>>, vector<1x16xi32>,
        %swap3A_123 = vector.shape_cast %swap3A_122 : vector<1x16xi32> to vector<16xi32>
        %swap3A_124 = vector.shape_cast %add3A_119 : vector<16xi32> to vector<1x16xi32>
        tpu.vector_store %arg9[%swap3A_120, %swap3A_121], %swap3A_124 {strides = array<i32>} : memref<32x128xi32, #tpu.memory_space<vmem>>, vector<1x16xi32>,
      }
      %scan3A_14 = arith.constant 32 : i32
      %mul3A_15 = arith.constant 640 : i32
      %mul3A_16 = arith.muli %arg1, %mul3A_15 : i32
      %add3A_17 = arith.addi %mul3A_8, %mul3A_16 : i32
      %mul3A_18 = arith.constant 640 : i32
      %mul3A_19 = arith.muli %arg1, %mul3A_18 : i32
      "tpu.region"() ({
        %run_scoped3A = tpu.sem_alloc : memref<!tpu.dma_semaphore, #tpu.memory_space<semaphore_mem>>
        %dma_start3A_38 = arith.constant 0 : i32
        %dma_start3A_39 = tpu.memref_slice %arg11[%mul3A_19, %dma_start3A_38] : memref<10240x128xf32, #tpu.memory_space<vmem_shared>> -> memref<640x128xf32, #tpu.memory_space<vmem_shared>>
        %dma_start3A_40 = arith.constant 0 : i32
        %dma_start3A_41 = tpu.memref_slice %arg2[%add3A_17, %dma_start3A_40] : memref<81920x128xf32, #tpu.memory_space<hbm>> -> memref<640x128xf32, #tpu.memory_space<hbm>>
        tpu.enqueue_dma source(%dma_start3A_41 : memref<640x128xf32, #tpu.memory_space<hbm>>) target(%dma_start3A_39 : memref<640x128xf32, #tpu.memory_space<vmem_shared>>) target_semaphore(%run_scoped3A : memref<!tpu.dma_semaphore, #tpu.memory_space<semaphore_mem>>)
        %dma_wait3A = arith.constant 0 : i32
        %dma_wait3A_42 = tpu.memref_slice %arg11[%mul3A_19, %dma_wait3A] : memref<10240x128xf32, #tpu.memory_space<vmem_shared>> -> memref<640x128xf32, #tpu.memory_space<vmem_shared>>
        %dma_wait3A_43 = arith.constant 0 : i32
        %dma_wait3A_44 = tpu.memref_slice %arg2[%add3A_17, %dma_wait3A_43] : memref<81920x128xf32, #tpu.memory_space<hbm>> -> memref<640x128xf32, #tpu.memory_space<hbm>>
        tpu.wait_dma2 semaphore(%run_scoped3A : memref<!tpu.dma_semaphore, #tpu.memory_space<semaphore_mem>>) src(%dma_wait3A_44 : memref<640x128xf32, #tpu.memory_space<hbm>>) dst(%dma_wait3A_42 : memref<640x128xf32, #tpu.memory_space<vmem_shared>>)
        tpu.yield
      }) : () -> ()
      %barrier3A = arith.constant 0 : index
      tpu.barrier barrier_id(%barrier3A)
      %dma_start3A = arith.constant 0 : i32
      %dma_start3A_20 = arith.constant 0 : i32
      %dma_start3A_21 = tpu.memref_slice %arg9[%dma_start3A, %dma_start3A_20] : memref<32x128xi32, #tpu.memory_space<vmem>> -> memref<1x128xi32, #tpu.memory_space<vmem>>
      %dma_start3A_22 = tpu.memref_squeeze %dma_start3A_21 : memref<1x128xi32, #tpu.memory_space<vmem>> -> memref<128xi32, #tpu.memory_space<vmem>>
      %dma_start3A_23 = arith.constant 0 : i32
      %dma_start3A_24 = arith.constant 0 : i32
      %dma_start3A_25 = tpu.memref_slice %arg2[%dma_start3A_23, %dma_start3A_24] : memref<81920x128xf32, #tpu.memory_space<hbm>> -> memref<81920x128xf32, #tpu.memory_space<hbm>>
      tpu.enqueue_indirect_dma source(%dma_start3A_25 : memref<81920x128xf32, #tpu.memory_space<hbm>>) target(%arg6 : memref<128x128xf32, #tpu.memory_space<vmem>>) offsets(%dma_start3A_22 : memref<128xi32, #tpu.memory_space<vmem>>) semaphore(%arg12 : memref<!tpu.dma_semaphore, #tpu.memory_space<semaphore_mem>>)
      %scan3A_26 = arith.constant 0 : i32
      %scan3A_27 = arith.constant 0 : i32
      %scan3A_28 = arith.constant 16 : i32
      %scan3A_29 = arith.addi %scan3A_27, %scan3A_28 : i32
      %scan3A_30 = arith.constant 1 : i32
      scf.for %scan3A_38 = %scan3A_27 to %scan3A_29 step %scan3A_30  : i32 {
        %mul3A_39 = arith.constant 2 : i32
        %mul3A_40 = arith.muli %mul3A_39, %scan3A_38 : i32
        %add3A_41 = arith.constant 1 : i32
        %add3A_42 = arith.addi %mul3A_40, %add3A_41 : i32
        %dma_start3A_43 = arith.constant 0 : i32
        %dma_start3A_44 = tpu.memref_slice %arg9[%add3A_42, %dma_start3A_43] : memref<32x128xi32, #tpu.memory_space<vmem>> -> memref<1x128xi32, #tpu.memory_space<vmem>>
        %dma_start3A_45 = tpu.memref_squeeze %dma_start3A_44 : memref<1x128xi32, #tpu.memory_space<vmem>> -> memref<128xi32, #tpu.memory_space<vmem>>
        %dma_start3A_46 = arith.constant 0 : i32
        %dma_start3A_47 = arith.constant 0 : i32
        %dma_start3A_48 = tpu.memref_slice %arg2[%dma_start3A_46, %dma_start3A_47] : memref<81920x128xf32, #tpu.memory_space<hbm>> -> memref<81920x128xf32, #tpu.memory_space<hbm>>
        tpu.enqueue_indirect_dma source(%dma_start3A_48 : memref<81920x128xf32, #tpu.memory_space<hbm>>) target(%arg7 : memref<128x128xf32, #tpu.memory_space<vmem>>) offsets(%dma_start3A_45 : memref<128xi32, #tpu.memory_space<vmem>>) semaphore(%arg13 : memref<!tpu.dma_semaphore, #tpu.memory_space<semaphore_mem>>)
        %dma_wait3A = arith.constant 0 : i32
        %dma_wait3A_49 = tpu.memref_slice %arg9[%mul3A_40, %dma_wait3A] : memref<32x128xi32, #tpu.memory_space<vmem>> -> memref<1x128xi32, #tpu.memory_space<vmem>>
        %dma_wait3A_50 = tpu.memref_squeeze %dma_wait3A_49 : memref<1x128xi32, #tpu.memory_space<vmem>> -> memref<128xi32, #tpu.memory_space<vmem>>
        %dma_wait3A_51 = arith.constant 0 : i32
        %dma_wait3A_52 = arith.constant 0 : i32
        %dma_wait3A_53 = tpu.memref_slice %arg2[%dma_wait3A_51, %dma_wait3A_52] : memref<81920x128xf32, #tpu.memory_space<hbm>> -> memref<81920x128xf32, #tpu.memory_space<hbm>>
        tpu.wait_indirect_dma semaphore(%arg12 : memref<!tpu.dma_semaphore, #tpu.memory_space<semaphore_mem>>) src(%dma_wait3A_53 : memref<81920x128xf32, #tpu.memory_space<hbm>>) dst(%arg6 : memref<128x128xf32, #tpu.memory_space<vmem>>)
        "tpu.region"() ({
          %run_scoped3A = tpu.sem_alloc : memref<!tpu.dma_semaphore, #tpu.memory_space<semaphore_mem>>
          %dma_start3A_68 = arith.constant 0 : i32
          %dma_start3A_69 = tpu.memref_slice %arg10[%mul3A_40, %dma_start3A_68] : memref<32x128xi32, #tpu.memory_space<vmem>> -> memref<1x128xi32, #tpu.memory_space<vmem>>
          %dma_start3A_70 = tpu.memref_squeeze %dma_start3A_69 : memref<1x128xi32, #tpu.memory_space<vmem>> -> memref<128xi32, #tpu.memory_space<vmem>>
          %dma_start3A_71 = arith.constant 0 : i32
          %dma_start3A_72 = arith.constant 0 : i32
          %dma_start3A_73 = tpu.memref_slice %arg11[%dma_start3A_71, %dma_start3A_72] : memref<10240x128xf32, #tpu.memory_space<vmem_shared>> -> memref<10240x128xf32, #tpu.memory_space<vmem_shared>>
          tpu.enqueue_indirect_dma source(%arg6 : memref<128x128xf32, #tpu.memory_space<vmem>>) target(%dma_start3A_73 : memref<10240x128xf32, #tpu.memory_space<vmem_shared>>) offsets(%dma_start3A_70 : memref<128xi32, #tpu.memory_space<vmem>>) semaphore(%run_scoped3A : memref<!tpu.dma_semaphore, #tpu.memory_space<semaphore_mem>>) {add = true}
          %dma_wait3A_74 = arith.constant 0 : i32
          %dma_wait3A_75 = tpu.memref_slice %arg10[%mul3A_40, %dma_wait3A_74] : memref<32x128xi32, #tpu.memory_space<vmem>> -> memref<1x128xi32, #tpu.memory_space<vmem>>
          %dma_wait3A_76 = tpu.memref_squeeze %dma_wait3A_75 : memref<1x128xi32, #tpu.memory_space<vmem>> -> memref<128xi32, #tpu.memory_space<vmem>>
          %dma_wait3A_77 = arith.constant 0 : i32
          %dma_wait3A_78 = arith.constant 0 : i32
          %dma_wait3A_79 = tpu.memref_slice %arg11[%dma_wait3A_77, %dma_wait3A_78] : memref<10240x128xf32, #tpu.memory_space<vmem_shared>> -> memref<10240x128xf32, #tpu.memory_space<vmem_shared>>
          tpu.wait_indirect_dma semaphore(%run_scoped3A : memref<!tpu.dma_semaphore, #tpu.memory_space<semaphore_mem>>) src(%arg6 : memref<128x128xf32, #tpu.memory_space<vmem>>) dst(%dma_wait3A_79 : memref<10240x128xf32, #tpu.memory_space<vmem_shared>>)
          tpu.yield
        }) : () -> ()
        %add3A_54 = arith.constant 1 : i32
        %add3A_55 = arith.addi %scan3A_38, %add3A_54 : i32
        %lt3A = arith.constant 16 : i32
        %lt3A_56 = arith.cmpi slt, %add3A_55, %lt3A : i32
        %convert_element_type3A = arith.extui %lt3A_56 : i1 to i32
        %cond3A = arith.constant 0 : i32
        %cond3A_57 = arith.cmpi ne, %convert_element_type3A, %cond3A : i32
        scf.if %cond3A_57 {
          %add3A_68 = arith.constant 2 : i32
          %add3A_69 = arith.addi %mul3A_40, %add3A_68 : i32
          %dma_start3A_70 = arith.constant 0 : i32
          %dma_start3A_71 = tpu.memref_slice %arg9[%add3A_69, %dma_start3A_70] : memref<32x128xi32, #tpu.memory_space<vmem>> -> memref<1x128xi32, #tpu.memory_space<vmem>>
          %dma_start3A_72 = tpu.memref_squeeze %dma_start3A_71 : memref<1x128xi32, #tpu.memory_space<vmem>> -> memref<128xi32, #tpu.memory_space<vmem>>
          %dma_start3A_73 = arith.constant 0 : i32
          %dma_start3A_74 = arith.constant 0 : i32
          %dma_start3A_75 = tpu.memref_slice %arg2[%dma_start3A_73, %dma_start3A_74] : memref<81920x128xf32, #tpu.memory_space<hbm>> -> memref<81920x128xf32, #tpu.memory_space<hbm>>
          tpu.enqueue_indirect_dma source(%dma_start3A_75 : memref<81920x128xf32, #tpu.memory_space<hbm>>) target(%arg6 : memref<128x128xf32, #tpu.memory_space<vmem>>) offsets(%dma_start3A_72 : memref<128xi32, #tpu.memory_space<vmem>>) semaphore(%arg12 : memref<!tpu.dma_semaphore, #tpu.memory_space<semaphore_mem>>)
        } else {
        }
        %add3A_58 = arith.constant 1 : i32
        %add3A_59 = arith.addi %mul3A_40, %add3A_58 : i32
        %dma_wait3A_60 = arith.constant 0 : i32
        %dma_wait3A_61 = tpu.memref_slice %arg9[%add3A_59, %dma_wait3A_60] : memref<32x128xi32, #tpu.memory_space<vmem>> -> memref<1x128xi32, #tpu.memory_space<vmem>>
        %dma_wait3A_62 = tpu.memref_squeeze %dma_wait3A_61 : memref<1x128xi32, #tpu.memory_space<vmem>> -> memref<128xi32, #tpu.memory_space<vmem>>
        %dma_wait3A_63 = arith.constant 0 : i32
        %dma_wait3A_64 = arith.constant 0 : i32
        %dma_wait3A_65 = tpu.memref_slice %arg2[%dma_wait3A_63, %dma_wait3A_64] : memref<81920x128xf32, #tpu.memory_space<hbm>> -> memref<81920x128xf32, #tpu.memory_space<hbm>>
        tpu.wait_indirect_dma semaphore(%arg13 : memref<!tpu.dma_semaphore, #tpu.memory_space<semaphore_mem>>) src(%dma_wait3A_65 : memref<81920x128xf32, #tpu.memory_space<hbm>>) dst(%arg7 : memref<128x128xf32, #tpu.memory_space<vmem>>)
        %add3A_66 = arith.constant 1 : i32
        %add3A_67 = arith.addi %mul3A_40, %add3A_66 : i32
        "tpu.region"() ({
          %run_scoped3A = tpu.sem_alloc : memref<!tpu.dma_semaphore, #tpu.memory_space<semaphore_mem>>
          %dma_start3A_68 = arith.constant 0 : i32
          %dma_start3A_69 = tpu.memref_slice %arg10[%add3A_67, %dma_start3A_68] : memref<32x128xi32, #tpu.memory_space<vmem>> -> memref<1x128xi32, #tpu.memory_space<vmem>>
          %dma_start3A_70 = tpu.memref_squeeze %dma_start3A_69 : memref<1x128xi32, #tpu.memory_space<vmem>> -> memref<128xi32, #tpu.memory_space<vmem>>
          %dma_start3A_71 = arith.constant 0 : i32
          %dma_start3A_72 = arith.constant 0 : i32
          %dma_start3A_73 = tpu.memref_slice %arg11[%dma_start3A_71, %dma_start3A_72] : memref<10240x128xf32, #tpu.memory_space<vmem_shared>> -> memref<10240x128xf32, #tpu.memory_space<vmem_shared>>
          tpu.enqueue_indirect_dma source(%arg7 : memref<128x128xf32, #tpu.memory_space<vmem>>) target(%dma_start3A_73 : memref<10240x128xf32, #tpu.memory_space<vmem_shared>>) offsets(%dma_start3A_70 : memref<128xi32, #tpu.memory_space<vmem>>) semaphore(%run_scoped3A : memref<!tpu.dma_semaphore, #tpu.memory_space<semaphore_mem>>) {add = true}
          %dma_wait3A_74 = arith.constant 0 : i32
          %dma_wait3A_75 = tpu.memref_slice %arg10[%add3A_67, %dma_wait3A_74] : memref<32x128xi32, #tpu.memory_space<vmem>> -> memref<1x128xi32, #tpu.memory_space<vmem>>
          %dma_wait3A_76 = tpu.memref_squeeze %dma_wait3A_75 : memref<1x128xi32, #tpu.memory_space<vmem>> -> memref<128xi32, #tpu.memory_space<vmem>>
          %dma_wait3A_77 = arith.constant 0 : i32
          %dma_wait3A_78 = arith.constant 0 : i32
          %dma_wait3A_79 = tpu.memref_slice %arg11[%dma_wait3A_77, %dma_wait3A_78] : memref<10240x128xf32, #tpu.memory_space<vmem_shared>> -> memref<10240x128xf32, #tpu.memory_space<vmem_shared>>
          tpu.wait_indirect_dma semaphore(%run_scoped3A : memref<!tpu.dma_semaphore, #tpu.memory_space<semaphore_mem>>) src(%arg7 : memref<128x128xf32, #tpu.memory_space<vmem>>) dst(%dma_wait3A_79 : memref<10240x128xf32, #tpu.memory_space<vmem_shared>>)
          tpu.yield
        }) : () -> ()
      }
      %scan3A_31 = arith.constant 16 : i32
      %barrier3A_32 = arith.constant 0 : index
      tpu.barrier barrier_id(%barrier3A_32)
      %mul3A_33 = arith.constant 640 : i32
      %mul3A_34 = arith.muli %arg1, %mul3A_33 : i32
      %mul3A_35 = arith.constant 640 : i32
      %mul3A_36 = arith.muli %arg1, %mul3A_35 : i32
      "tpu.region"() ({
        %run_scoped3A = tpu.sem_alloc : memref<!tpu.dma_semaphore, #tpu.memory_space<semaphore_mem>>
        %dma_start3A_38 = arith.constant 0 : i32
        %dma_start3A_39 = tpu.memref_slice %arg5[%add3A, %mul3A_36, %dma_start3A_38] : memref<8x10240x128xf32, #tpu.memory_space<hbm>> -> memref<1x640x128xf32, #tpu.memory_space<hbm>>
        %dma_start3A_40 = tpu.memref_squeeze %dma_start3A_39 : memref<1x640x128xf32, #tpu.memory_space<hbm>> -> memref<640x128xf32, #tpu.memory_space<hbm>>
        %dma_start3A_41 = arith.constant 0 : i32
        %dma_start3A_42 = tpu.memref_slice %arg11[%mul3A_34, %dma_start3A_41] : memref<10240x128xf32, #tpu.memory_space<vmem_shared>> -> memref<640x128xf32, #tpu.memory_space<vmem_shared>>
        tpu.enqueue_dma source(%dma_start3A_42 : memref<640x128xf32, #tpu.memory_space<vmem_shared>>) target(%dma_start3A_40 : memref<640x128xf32, #tpu.memory_space<hbm>>) target_semaphore(%run_scoped3A : memref<!tpu.dma_semaphore, #tpu.memory_space<semaphore_mem>>)
        %dma_wait3A = arith.constant 0 : i32
        %dma_wait3A_43 = tpu.memref_slice %arg5[%add3A, %mul3A_36, %dma_wait3A] : memref<8x10240x128xf32, #tpu.memory_space<hbm>> -> memref<1x640x128xf32, #tpu.memory_space<hbm>>
        %dma_wait3A_44 = tpu.memref_squeeze %dma_wait3A_43 : memref<1x640x128xf32, #tpu.memory_space<hbm>> -> memref<640x128xf32, #tpu.memory_space<hbm>>
        %dma_wait3A_45 = arith.constant 0 : i32
        %dma_wait3A_46 = tpu.memref_slice %arg11[%mul3A_34, %dma_wait3A_45] : memref<10240x128xf32, #tpu.memory_space<vmem_shared>> -> memref<640x128xf32, #tpu.memory_space<vmem_shared>>
        tpu.wait_dma2 semaphore(%run_scoped3A : memref<!tpu.dma_semaphore, #tpu.memory_space<semaphore_mem>>) src(%dma_wait3A_46 : memref<640x128xf32, #tpu.memory_space<vmem_shared>>) dst(%dma_wait3A_44 : memref<640x128xf32, #tpu.memory_space<hbm>>)
        tpu.yield
      }) : () -> ()
      %barrier3A_37 = arith.constant 0 : index
      tpu.barrier barrier_id(%barrier3A_37)
    }
    %scan3A_4 = arith.constant 4 : i32
    return
  }
}

#map = affine_map<(d0, d1) -> (0, 0)>
#map1 = affine_map<(d0, d1) -> (0, 0, 0)>
module attributes {stable_mosaic.version = 14 : i64} {
  func.func @_edge_body(%arg0: i32, %arg1: i32, %arg2: memref<81920x128xf32, #tpu.memory_space<hbm>>, %arg3: memref<16x32x128xi32, #tpu.memory_space<hbm>>, %arg4: memref<16x32x128xi32, #tpu.memory_space<hbm>>, %arg5: memref<8x10240x128xf32, #tpu.memory_space<hbm>>, %arg6: memref<128x128xf32, #tpu.memory_space<vmem>>, %arg7: memref<128x128xf32, #tpu.memory_space<vmem>>, %arg8: memref<32x128xi32, #tpu.memory_space<vmem>>, %arg9: memref<32x128xi32, #tpu.memory_space<vmem>>, %arg10: memref<32x128xi32, #tpu.memory_space<vmem>>, %arg11: memref<10240x128xf32, #tpu.memory_space<vmem_shared>>, %arg12: memref<!tpu.dma_semaphore, #tpu.memory_space<semaphore_mem>>, %arg13: memref<!tpu.dma_semaphore, #tpu.memory_space<semaphore_mem>>) attributes {dimension_semantics = [#tpu.dimension_semantics<core_parallel>, #tpu.dimension_semantics<subcore_parallel>], iteration_bounds = array<i64: 2, 16>, scalar_prefetch = 0 : i64, scratch_operands = 8 : i64, tpu.core_type = #tpu.core_type<sc_vector_subcore>, window_params = [{transform_indices = #map}, {transform_indices = #map1}, {transform_indices = #map1}, {transform_indices = #map1}]} {
    "tpu.region"() ({
      %run_scoped3A = tpu.sem_alloc : memref<!tpu.dma_semaphore, #tpu.memory_space<semaphore_mem>>
      %dma_start3A = arith.constant 0 : i32
      %dma_start3A_5 = arith.constant 0 : i32
      %dma_start3A_6 = tpu.memref_slice %arg3[%arg1, %dma_start3A, %dma_start3A_5] : memref<16x32x128xi32, #tpu.memory_space<hbm>> -> memref<1x32x128xi32, #tpu.memory_space<hbm>>
      %dma_start3A_7 = tpu.memref_squeeze %dma_start3A_6 : memref<1x32x128xi32, #tpu.memory_space<hbm>> -> memref<32x128xi32, #tpu.memory_space<hbm>>
      %dma_start3A_8 = arith.constant 0 : i32
      %dma_start3A_9 = arith.constant 0 : i32
      %dma_start3A_10 = tpu.memref_slice %arg3[%arg1, %dma_start3A_8, %dma_start3A_9] : memref<16x32x128xi32, #tpu.memory_space<hbm>> -> memref<1x32x128xi32, #tpu.memory_space<hbm>>
      %dma_start3A_11 = tpu.memref_squeeze %dma_start3A_10 : memref<1x32x128xi32, #tpu.memory_space<hbm>> -> memref<32x128xi32, #tpu.memory_space<hbm>>
      tpu.enqueue_dma source(%dma_start3A_11 : memref<32x128xi32, #tpu.memory_space<hbm>>) target(%arg8 : memref<32x128xi32, #tpu.memory_space<vmem>>) target_semaphore(%run_scoped3A : memref<!tpu.dma_semaphore, #tpu.memory_space<semaphore_mem>>)
      %dma_wait3A = arith.constant 0 : i32
      %dma_wait3A_12 = arith.constant 0 : i32
      %dma_wait3A_13 = tpu.memref_slice %arg3[%arg1, %dma_wait3A, %dma_wait3A_12] : memref<16x32x128xi32, #tpu.memory_space<hbm>> -> memref<1x32x128xi32, #tpu.memory_space<hbm>>
      %dma_wait3A_14 = tpu.memref_squeeze %dma_wait3A_13 : memref<1x32x128xi32, #tpu.memory_space<hbm>> -> memref<32x128xi32, #tpu.memory_space<hbm>>
      %dma_wait3A_15 = arith.constant 0 : i32
      %dma_wait3A_16 = arith.constant 0 : i32
      %dma_wait3A_17 = tpu.memref_slice %arg3[%arg1, %dma_wait3A_15, %dma_wait3A_16] : memref<16x32x128xi32, #tpu.memory_space<hbm>> -> memref<1x32x128xi32, #tpu.memory_space<hbm>>
      %dma_wait3A_18 = tpu.memref_squeeze %dma_wait3A_17 : memref<1x32x128xi32, #tpu.memory_space<hbm>> -> memref<32x128xi32, #tpu.memory_space<hbm>>
      tpu.wait_dma2 semaphore(%run_scoped3A : memref<!tpu.dma_semaphore, #tpu.memory_space<semaphore_mem>>) src(%dma_wait3A_18 : memref<32x128xi32, #tpu.memory_space<hbm>>) dst(%arg8 : memref<32x128xi32, #tpu.memory_space<vmem>>)
      tpu.yield
    }) : () -> ()
    "tpu.region"() ({
      %run_scoped3A = tpu.sem_alloc : memref<!tpu.dma_semaphore, #tpu.memory_space<semaphore_mem>>
      %dma_start3A = arith.constant 0 : i32
      %dma_start3A_5 = arith.constant 0 : i32
      %dma_start3A_6 = tpu.memref_slice %arg4[%arg1, %dma_start3A, %dma_start3A_5] : memref<16x32x128xi32, #tpu.memory_space<hbm>> -> memref<1x32x128xi32, #tpu.memory_space<hbm>>
      %dma_start3A_7 = tpu.memref_squeeze %dma_start3A_6 : memref<1x32x128xi32, #tpu.memory_space<hbm>> -> memref<32x128xi32, #tpu.memory_space<hbm>>
      %dma_start3A_8 = arith.constant 0 : i32
      %dma_start3A_9 = arith.constant 0 : i32
      %dma_start3A_10 = tpu.memref_slice %arg4[%arg1, %dma_start3A_8, %dma_start3A_9] : memref<16x32x128xi32, #tpu.memory_space<hbm>> -> memref<1x32x128xi32, #tpu.memory_space<hbm>>
      %dma_start3A_11 = tpu.memref_squeeze %dma_start3A_10 : memref<1x32x128xi32, #tpu.memory_space<hbm>> -> memref<32x128xi32, #tpu.memory_space<hbm>>
      tpu.enqueue_dma source(%dma_start3A_11 : memref<32x128xi32, #tpu.memory_space<hbm>>) target(%arg10 : memref<32x128xi32, #tpu.memory_space<vmem>>) target_semaphore(%run_scoped3A : memref<!tpu.dma_semaphore, #tpu.memory_space<semaphore_mem>>)
      %dma_wait3A = arith.constant 0 : i32
      %dma_wait3A_12 = arith.constant 0 : i32
      %dma_wait3A_13 = tpu.memref_slice %arg4[%arg1, %dma_wait3A, %dma_wait3A_12] : memref<16x32x128xi32, #tpu.memory_space<hbm>> -> memref<1x32x128xi32, #tpu.memory_space<hbm>>
      %dma_wait3A_14 = tpu.memref_squeeze %dma_wait3A_13 : memref<1x32x128xi32, #tpu.memory_space<hbm>> -> memref<32x128xi32, #tpu.memory_space<hbm>>
      %dma_wait3A_15 = arith.constant 0 : i32
      %dma_wait3A_16 = arith.constant 0 : i32
      %dma_wait3A_17 = tpu.memref_slice %arg4[%arg1, %dma_wait3A_15, %dma_wait3A_16] : memref<16x32x128xi32, #tpu.memory_space<hbm>> -> memref<1x32x128xi32, #tpu.memory_space<hbm>>
      %dma_wait3A_18 = tpu.memref_squeeze %dma_wait3A_17 : memref<1x32x128xi32, #tpu.memory_space<hbm>> -> memref<32x128xi32, #tpu.memory_space<hbm>>
      tpu.wait_dma2 semaphore(%run_scoped3A : memref<!tpu.dma_semaphore, #tpu.memory_space<semaphore_mem>>) src(%dma_wait3A_18 : memref<32x128xi32, #tpu.memory_space<hbm>>) dst(%arg10 : memref<32x128xi32, #tpu.memory_space<vmem>>)
      tpu.yield
    }) : () -> ()
    %scan3A = arith.constant 0 : i32
    %scan3A_0 = arith.constant 0 : i32
    %scan3A_1 = arith.constant 4 : i32
    %scan3A_2 = arith.addi %scan3A_0, %scan3A_1 : i32
    %scan3A_3 = arith.constant 1 : i32
    scf.for %scan3A_5 = %scan3A_0 to %scan3A_2 step %scan3A_3  : i32 {
      %mul3A = arith.constant 4 : i32
      %mul3A_6 = arith.muli %arg0, %mul3A : i32
      %add3A = arith.addi %mul3A_6, %scan3A_5 : i32
      %mul3A_7 = arith.constant 10240 : i32
      %mul3A_8 = arith.muli %add3A, %mul3A_7 : i32
      %scan3A_9 = arith.constant 0 : i32
      %scan3A_10 = arith.constant 0 : i32
      %scan3A_11 = arith.constant 32 : i32
      %scan3A_12 = arith.addi %scan3A_10, %scan3A_11 : i32
      %scan3A_13 = arith.constant 1 : i32
      scf.for %scan3A_38 = %scan3A_10 to %scan3A_12 step %scan3A_13  : i32 {
        %get3A = arith.index_cast %scan3A_38 : i32 to index
        %get3A_39 = arith.constant 0 : index
        %get3A_40 = tpu.vector_load %arg8[%get3A, %get3A_39] {strides = array<i32>} : memref<32x128xi32, #tpu.memory_space<vmem>>, vector<1x16xi32>,
        %get3A_41 = vector.shape_cast %get3A_40 : vector<1x16xi32> to vector<16xi32>
        %add3A_42 = vector.broadcast %mul3A_8 : i32 to vector<16xi32>
        %add3A_43 = arith.addi %get3A_41, %add3A_42 : vector<16xi32>
        %swap3A = arith.index_cast %scan3A_38 : i32 to index
        %swap3A_44 = arith.constant 0 : index
        %swap3A_45 = tpu.vector_load %arg9[%swap3A, %swap3A_44] {strides = array<i32>} : memref<32x128xi32, #tpu.memory_space<vmem>>, vector<1x16xi32>,
        %swap3A_46 = vector.shape_cast %swap3A_45 : vector<1x16xi32> to vector<16xi32>
        %swap3A_47 = vector.shape_cast %add3A_43 : vector<16xi32> to vector<1x16xi32>
        tpu.vector_store %arg9[%swap3A, %swap3A_44], %swap3A_47 {strides = array<i32>} : memref<32x128xi32, #tpu.memory_space<vmem>>, vector<1x16xi32>,
        %get3A_48 = arith.index_cast %scan3A_38 : i32 to index
        %get3A_49 = arith.constant 16 : index
        %get3A_50 = tpu.vector_load %arg8[%get3A_48, %get3A_49] {strides = array<i32>} : memref<32x128xi32, #tpu.memory_space<vmem>>, vector<1x16xi32>,
        %get3A_51 = vector.shape_cast %get3A_50 : vector<1x16xi32> to vector<16xi32>
        %add3A_52 = vector.broadcast %mul3A_8 : i32 to vector<16xi32>
        %add3A_53 = arith.addi %get3A_51, %add3A_52 : vector<16xi32>
        %swap3A_54 = arith.index_cast %scan3A_38 : i32 to index
        %swap3A_55 = arith.constant 16 : index
        %swap3A_56 = tpu.vector_load %arg9[%swap3A_54, %swap3A_55] {strides = array<i32>} : memref<32x128xi32, #tpu.memory_space<vmem>>, vector<1x16xi32>,
        %swap3A_57 = vector.shape_cast %swap3A_56 : vector<1x16xi32> to vector<16xi32>
        %swap3A_58 = vector.shape_cast %add3A_53 : vector<16xi32> to vector<1x16xi32>
        tpu.vector_store %arg9[%swap3A_54, %swap3A_55], %swap3A_58 {strides = array<i32>} : memref<32x128xi32, #tpu.memory_space<vmem>>, vector<1x16xi32>,
        %get3A_59 = arith.index_cast %scan3A_38 : i32 to index
        %get3A_60 = arith.constant 32 : index
        %get3A_61 = tpu.vector_load %arg8[%get3A_59, %get3A_60] {strides = array<i32>} : memref<32x128xi32, #tpu.memory_space<vmem>>, vector<1x16xi32>,
        %get3A_62 = vector.shape_cast %get3A_61 : vector<1x16xi32> to vector<16xi32>
        %add3A_63 = vector.broadcast %mul3A_8 : i32 to vector<16xi32>
        %add3A_64 = arith.addi %get3A_62, %add3A_63 : vector<16xi32>
        %swap3A_65 = arith.index_cast %scan3A_38 : i32 to index
        %swap3A_66 = arith.constant 32 : index
        %swap3A_67 = tpu.vector_load %arg9[%swap3A_65, %swap3A_66] {strides = array<i32>} : memref<32x128xi32, #tpu.memory_space<vmem>>, vector<1x16xi32>,
        %swap3A_68 = vector.shape_cast %swap3A_67 : vector<1x16xi32> to vector<16xi32>
        %swap3A_69 = vector.shape_cast %add3A_64 : vector<16xi32> to vector<1x16xi32>
        tpu.vector_store %arg9[%swap3A_65, %swap3A_66], %swap3A_69 {strides = array<i32>} : memref<32x128xi32, #tpu.memory_space<vmem>>, vector<1x16xi32>,
        %get3A_70 = arith.index_cast %scan3A_38 : i32 to index
        %get3A_71 = arith.constant 48 : index
        %get3A_72 = tpu.vector_load %arg8[%get3A_70, %get3A_71] {strides = array<i32>} : memref<32x128xi32, #tpu.memory_space<vmem>>, vector<1x16xi32>,
        %get3A_73 = vector.shape_cast %get3A_72 : vector<1x16xi32> to vector<16xi32>
        %add3A_74 = vector.broadcast %mul3A_8 : i32 to vector<16xi32>
        %add3A_75 = arith.addi %get3A_73, %add3A_74 : vector<16xi32>
        %swap3A_76 = arith.index_cast %scan3A_38 : i32 to index
        %swap3A_77 = arith.constant 48 : index
        %swap3A_78 = tpu.vector_load %arg9[%swap3A_76, %swap3A_77] {strides = array<i32>} : memref<32x128xi32, #tpu.memory_space<vmem>>, vector<1x16xi32>,
        %swap3A_79 = vector.shape_cast %swap3A_78 : vector<1x16xi32> to vector<16xi32>
        %swap3A_80 = vector.shape_cast %add3A_75 : vector<16xi32> to vector<1x16xi32>
        tpu.vector_store %arg9[%swap3A_76, %swap3A_77], %swap3A_80 {strides = array<i32>} : memref<32x128xi32, #tpu.memory_space<vmem>>, vector<1x16xi32>,
        %get3A_81 = arith.index_cast %scan3A_38 : i32 to index
        %get3A_82 = arith.constant 64 : index
        %get3A_83 = tpu.vector_load %arg8[%get3A_81, %get3A_82] {strides = array<i32>} : memref<32x128xi32, #tpu.memory_space<vmem>>, vector<1x16xi32>,
        %get3A_84 = vector.shape_cast %get3A_83 : vector<1x16xi32> to vector<16xi32>
        %add3A_85 = vector.broadcast %mul3A_8 : i32 to vector<16xi32>
        %add3A_86 = arith.addi %get3A_84, %add3A_85 : vector<16xi32>
        %swap3A_87 = arith.index_cast %scan3A_38 : i32 to index
        %swap3A_88 = arith.constant 64 : index
        %swap3A_89 = tpu.vector_load %arg9[%swap3A_87, %swap3A_88] {strides = array<i32>} : memref<32x128xi32, #tpu.memory_space<vmem>>, vector<1x16xi32>,
        %swap3A_90 = vector.shape_cast %swap3A_89 : vector<1x16xi32> to vector<16xi32>
        %swap3A_91 = vector.shape_cast %add3A_86 : vector<16xi32> to vector<1x16xi32>
        tpu.vector_store %arg9[%swap3A_87, %swap3A_88], %swap3A_91 {strides = array<i32>} : memref<32x128xi32, #tpu.memory_space<vmem>>, vector<1x16xi32>,
        %get3A_92 = arith.index_cast %scan3A_38 : i32 to index
        %get3A_93 = arith.constant 80 : index
        %get3A_94 = tpu.vector_load %arg8[%get3A_92, %get3A_93] {strides = array<i32>} : memref<32x128xi32, #tpu.memory_space<vmem>>, vector<1x16xi32>,
        %get3A_95 = vector.shape_cast %get3A_94 : vector<1x16xi32> to vector<16xi32>
        %add3A_96 = vector.broadcast %mul3A_8 : i32 to vector<16xi32>
        %add3A_97 = arith.addi %get3A_95, %add3A_96 : vector<16xi32>
        %swap3A_98 = arith.index_cast %scan3A_38 : i32 to index
        %swap3A_99 = arith.constant 80 : index
        %swap3A_100 = tpu.vector_load %arg9[%swap3A_98, %swap3A_99] {strides = array<i32>} : memref<32x128xi32, #tpu.memory_space<vmem>>, vector<1x16xi32>,
        %swap3A_101 = vector.shape_cast %swap3A_100 : vector<1x16xi32> to vector<16xi32>
        %swap3A_102 = vector.shape_cast %add3A_97 : vector<16xi32> to vector<1x16xi32>
        tpu.vector_store %arg9[%swap3A_98, %swap3A_99], %swap3A_102 {strides = array<i32>} : memref<32x128xi32, #tpu.memory_space<vmem>>, vector<1x16xi32>,
        %get3A_103 = arith.index_cast %scan3A_38 : i32 to index
        %get3A_104 = arith.constant 96 : index
        %get3A_105 = tpu.vector_load %arg8[%get3A_103, %get3A_104] {strides = array<i32>} : memref<32x128xi32, #tpu.memory_space<vmem>>, vector<1x16xi32>,
        %get3A_106 = vector.shape_cast %get3A_105 : vector<1x16xi32> to vector<16xi32>
        %add3A_107 = vector.broadcast %mul3A_8 : i32 to vector<16xi32>
        %add3A_108 = arith.addi %get3A_106, %add3A_107 : vector<16xi32>
        %swap3A_109 = arith.index_cast %scan3A_38 : i32 to index
        %swap3A_110 = arith.constant 96 : index
        %swap3A_111 = tpu.vector_load %arg9[%swap3A_109, %swap3A_110] {strides = array<i32>} : memref<32x128xi32, #tpu.memory_space<vmem>>, vector<1x16xi32>,
        %swap3A_112 = vector.shape_cast %swap3A_111 : vector<1x16xi32> to vector<16xi32>
        %swap3A_113 = vector.shape_cast %add3A_108 : vector<16xi32> to vector<1x16xi32>
        tpu.vector_store %arg9[%swap3A_109, %swap3A_110], %swap3A_113 {strides = array<i32>} : memref<32x128xi32, #tpu.memory_space<vmem>>, vector<1x16xi32>,
        %get3A_114 = arith.index_cast %scan3A_38 : i32 to index
        %get3A_115 = arith.constant 112 : index
        %get3A_116 = tpu.vector_load %arg8[%get3A_114, %get3A_115] {strides = array<i32>} : memref<32x128xi32, #tpu.memory_space<vmem>>, vector<1x16xi32>,
        %get3A_117 = vector.shape_cast %get3A_116 : vector<1x16xi32> to vector<16xi32>
        %add3A_118 = vector.broadcast %mul3A_8 : i32 to vector<16xi32>
        %add3A_119 = arith.addi %get3A_117, %add3A_118 : vector<16xi32>
        %swap3A_120 = arith.index_cast %scan3A_38 : i32 to index
        %swap3A_121 = arith.constant 112 : index
        %swap3A_122 = tpu.vector_load %arg9[%swap3A_120, %swap3A_121] {strides = array<i32>} : memref<32x128xi32, #tpu.memory_space<vmem>>, vector<1x16xi32>,
        %swap3A_123 = vector.shape_cast %swap3A_122 : vector<1x16xi32> to vector<16xi32>
        %swap3A_124 = vector.shape_cast %add3A_119 : vector<16xi32> to vector<1x16xi32>
        tpu.vector_store %arg9[%swap3A_120, %swap3A_121], %swap3A_124 {strides = array<i32>} : memref<32x128xi32, #tpu.memory_space<vmem>>, vector<1x16xi32>,
      }
      %scan3A_14 = arith.constant 32 : i32
      %mul3A_15 = arith.constant 640 : i32
      %mul3A_16 = arith.muli %arg1, %mul3A_15 : i32
      %add3A_17 = arith.addi %mul3A_8, %mul3A_16 : i32
      %mul3A_18 = arith.constant 640 : i32
      %mul3A_19 = arith.muli %arg1, %mul3A_18 : i32
      "tpu.region"() ({
        %run_scoped3A = tpu.sem_alloc : memref<!tpu.dma_semaphore, #tpu.memory_space<semaphore_mem>>
        %dma_start3A_38 = arith.constant 0 : i32
        %dma_start3A_39 = tpu.memref_slice %arg11[%mul3A_19, %dma_start3A_38] : memref<10240x128xf32, #tpu.memory_space<vmem_shared>> -> memref<640x128xf32, #tpu.memory_space<vmem_shared>>
        %dma_start3A_40 = arith.constant 0 : i32
        %dma_start3A_41 = tpu.memref_slice %arg2[%add3A_17, %dma_start3A_40] : memref<81920x128xf32, #tpu.memory_space<hbm>> -> memref<640x128xf32, #tpu.memory_space<hbm>>
        tpu.enqueue_dma source(%dma_start3A_41 : memref<640x128xf32, #tpu.memory_space<hbm>>) target(%dma_start3A_39 : memref<640x128xf32, #tpu.memory_space<vmem_shared>>) target_semaphore(%run_scoped3A : memref<!tpu.dma_semaphore, #tpu.memory_space<semaphore_mem>>)
        %dma_wait3A = arith.constant 0 : i32
        %dma_wait3A_42 = tpu.memref_slice %arg11[%mul3A_19, %dma_wait3A] : memref<10240x128xf32, #tpu.memory_space<vmem_shared>> -> memref<640x128xf32, #tpu.memory_space<vmem_shared>>
        %dma_wait3A_43 = arith.constant 0 : i32
        %dma_wait3A_44 = tpu.memref_slice %arg2[%add3A_17, %dma_wait3A_43] : memref<81920x128xf32, #tpu.memory_space<hbm>> -> memref<640x128xf32, #tpu.memory_space<hbm>>
        tpu.wait_dma2 semaphore(%run_scoped3A : memref<!tpu.dma_semaphore, #tpu.memory_space<semaphore_mem>>) src(%dma_wait3A_44 : memref<640x128xf32, #tpu.memory_space<hbm>>) dst(%dma_wait3A_42 : memref<640x128xf32, #tpu.memory_space<vmem_shared>>)
        tpu.yield
      }) : () -> ()
      %barrier3A = arith.constant 0 : index
      tpu.barrier barrier_id(%barrier3A)
      %dma_start3A = arith.constant 0 : i32
      %dma_start3A_20 = arith.constant 0 : i32
      %dma_start3A_21 = tpu.memref_slice %arg9[%dma_start3A, %dma_start3A_20] : memref<32x128xi32, #tpu.memory_space<vmem>> -> memref<1x128xi32, #tpu.memory_space<vmem>>
      %dma_start3A_22 = tpu.memref_squeeze %dma_start3A_21 : memref<1x128xi32, #tpu.memory_space<vmem>> -> memref<128xi32, #tpu.memory_space<vmem>>
      %dma_start3A_23 = arith.constant 0 : i32
      %dma_start3A_24 = arith.constant 0 : i32
      %dma_start3A_25 = tpu.memref_slice %arg2[%dma_start3A_23, %dma_start3A_24] : memref<81920x128xf32, #tpu.memory_space<hbm>> -> memref<81920x128xf32, #tpu.memory_space<hbm>>
      tpu.enqueue_indirect_dma source(%dma_start3A_25 : memref<81920x128xf32, #tpu.memory_space<hbm>>) target(%arg6 : memref<128x128xf32, #tpu.memory_space<vmem>>) offsets(%dma_start3A_22 : memref<128xi32, #tpu.memory_space<vmem>>) semaphore(%arg12 : memref<!tpu.dma_semaphore, #tpu.memory_space<semaphore_mem>>)
      %scan3A_26 = arith.constant 0 : i32
      %scan3A_27 = arith.constant 0 : i32
      %scan3A_28 = arith.constant 16 : i32
      %scan3A_29 = arith.addi %scan3A_27, %scan3A_28 : i32
      %scan3A_30 = arith.constant 1 : i32
      scf.for %scan3A_38 = %scan3A_27 to %scan3A_29 step %scan3A_30  : i32 {
        %mul3A_39 = arith.constant 2 : i32
        %mul3A_40 = arith.muli %mul3A_39, %scan3A_38 : i32
        %add3A_41 = arith.constant 1 : i32
        %add3A_42 = arith.addi %mul3A_40, %add3A_41 : i32
        %dma_start3A_43 = arith.constant 0 : i32
        %dma_start3A_44 = tpu.memref_slice %arg9[%add3A_42, %dma_start3A_43] : memref<32x128xi32, #tpu.memory_space<vmem>> -> memref<1x128xi32, #tpu.memory_space<vmem>>
        %dma_start3A_45 = tpu.memref_squeeze %dma_start3A_44 : memref<1x128xi32, #tpu.memory_space<vmem>> -> memref<128xi32, #tpu.memory_space<vmem>>
        %dma_start3A_46 = arith.constant 0 : i32
        %dma_start3A_47 = arith.constant 0 : i32
        %dma_start3A_48 = tpu.memref_slice %arg2[%dma_start3A_46, %dma_start3A_47] : memref<81920x128xf32, #tpu.memory_space<hbm>> -> memref<81920x128xf32, #tpu.memory_space<hbm>>
        tpu.enqueue_indirect_dma source(%dma_start3A_48 : memref<81920x128xf32, #tpu.memory_space<hbm>>) target(%arg7 : memref<128x128xf32, #tpu.memory_space<vmem>>) offsets(%dma_start3A_45 : memref<128xi32, #tpu.memory_space<vmem>>) semaphore(%arg13 : memref<!tpu.dma_semaphore, #tpu.memory_space<semaphore_mem>>)
        %dma_wait3A = arith.constant 0 : i32
        %dma_wait3A_49 = tpu.memref_slice %arg9[%mul3A_40, %dma_wait3A] : memref<32x128xi32, #tpu.memory_space<vmem>> -> memref<1x128xi32, #tpu.memory_space<vmem>>
        %dma_wait3A_50 = tpu.memref_squeeze %dma_wait3A_49 : memref<1x128xi32, #tpu.memory_space<vmem>> -> memref<128xi32, #tpu.memory_space<vmem>>
        %dma_wait3A_51 = arith.constant 0 : i32
        %dma_wait3A_52 = arith.constant 0 : i32
        %dma_wait3A_53 = tpu.memref_slice %arg2[%dma_wait3A_51, %dma_wait3A_52] : memref<81920x128xf32, #tpu.memory_space<hbm>> -> memref<81920x128xf32, #tpu.memory_space<hbm>>
        tpu.wait_indirect_dma semaphore(%arg12 : memref<!tpu.dma_semaphore, #tpu.memory_space<semaphore_mem>>) src(%dma_wait3A_53 : memref<81920x128xf32, #tpu.memory_space<hbm>>) dst(%arg6 : memref<128x128xf32, #tpu.memory_space<vmem>>)
        "tpu.region"() ({
          %run_scoped3A = tpu.sem_alloc : memref<!tpu.dma_semaphore, #tpu.memory_space<semaphore_mem>>
          %dma_start3A_68 = arith.constant 0 : i32
          %dma_start3A_69 = tpu.memref_slice %arg10[%mul3A_40, %dma_start3A_68] : memref<32x128xi32, #tpu.memory_space<vmem>> -> memref<1x128xi32, #tpu.memory_space<vmem>>
          %dma_start3A_70 = tpu.memref_squeeze %dma_start3A_69 : memref<1x128xi32, #tpu.memory_space<vmem>> -> memref<128xi32, #tpu.memory_space<vmem>>
          %dma_start3A_71 = arith.constant 0 : i32
          %dma_start3A_72 = arith.constant 0 : i32
          %dma_start3A_73 = tpu.memref_slice %arg11[%dma_start3A_71, %dma_start3A_72] : memref<10240x128xf32, #tpu.memory_space<vmem_shared>> -> memref<10240x128xf32, #tpu.memory_space<vmem_shared>>
          tpu.enqueue_indirect_dma source(%arg6 : memref<128x128xf32, #tpu.memory_space<vmem>>) target(%dma_start3A_73 : memref<10240x128xf32, #tpu.memory_space<vmem_shared>>) offsets(%dma_start3A_70 : memref<128xi32, #tpu.memory_space<vmem>>) semaphore(%run_scoped3A : memref<!tpu.dma_semaphore, #tpu.memory_space<semaphore_mem>>) {add = true}
          %dma_wait3A_74 = arith.constant 0 : i32
          %dma_wait3A_75 = tpu.memref_slice %arg10[%mul3A_40, %dma_wait3A_74] : memref<32x128xi32, #tpu.memory_space<vmem>> -> memref<1x128xi32, #tpu.memory_space<vmem>>
          %dma_wait3A_76 = tpu.memref_squeeze %dma_wait3A_75 : memref<1x128xi32, #tpu.memory_space<vmem>> -> memref<128xi32, #tpu.memory_space<vmem>>
          %dma_wait3A_77 = arith.constant 0 : i32
          %dma_wait3A_78 = arith.constant 0 : i32
          %dma_wait3A_79 = tpu.memref_slice %arg11[%dma_wait3A_77, %dma_wait3A_78] : memref<10240x128xf32, #tpu.memory_space<vmem_shared>> -> memref<10240x128xf32, #tpu.memory_space<vmem_shared>>
          tpu.wait_indirect_dma semaphore(%run_scoped3A : memref<!tpu.dma_semaphore, #tpu.memory_space<semaphore_mem>>) src(%arg6 : memref<128x128xf32, #tpu.memory_space<vmem>>) dst(%dma_wait3A_79 : memref<10240x128xf32, #tpu.memory_space<vmem_shared>>)
          tpu.yield
        }) : () -> ()
        %add3A_54 = arith.constant 1 : i32
        %add3A_55 = arith.addi %scan3A_38, %add3A_54 : i32
        %lt3A = arith.constant 16 : i32
        %lt3A_56 = arith.cmpi slt, %add3A_55, %lt3A : i32
        %convert_element_type3A = arith.extui %lt3A_56 : i1 to i32
        %cond3A = arith.constant 0 : i32
        %cond3A_57 = arith.cmpi ne, %convert_element_type3A, %cond3A : i32
        scf.if %cond3A_57 {
          %add3A_68 = arith.constant 2 : i32
          %add3A_69 = arith.addi %mul3A_40, %add3A_68 : i32
          %dma_start3A_70 = arith.constant 0 : i32
          %dma_start3A_71 = tpu.memref_slice %arg9[%add3A_69, %dma_start3A_70] : memref<32x128xi32, #tpu.memory_space<vmem>> -> memref<1x128xi32, #tpu.memory_space<vmem>>
          %dma_start3A_72 = tpu.memref_squeeze %dma_start3A_71 : memref<1x128xi32, #tpu.memory_space<vmem>> -> memref<128xi32, #tpu.memory_space<vmem>>
          %dma_start3A_73 = arith.constant 0 : i32
          %dma_start3A_74 = arith.constant 0 : i32
          %dma_start3A_75 = tpu.memref_slice %arg2[%dma_start3A_73, %dma_start3A_74] : memref<81920x128xf32, #tpu.memory_space<hbm>> -> memref<81920x128xf32, #tpu.memory_space<hbm>>
          tpu.enqueue_indirect_dma source(%dma_start3A_75 : memref<81920x128xf32, #tpu.memory_space<hbm>>) target(%arg6 : memref<128x128xf32, #tpu.memory_space<vmem>>) offsets(%dma_start3A_72 : memref<128xi32, #tpu.memory_space<vmem>>) semaphore(%arg12 : memref<!tpu.dma_semaphore, #tpu.memory_space<semaphore_mem>>)
        } else {
        }
        %add3A_58 = arith.constant 1 : i32
        %add3A_59 = arith.addi %mul3A_40, %add3A_58 : i32
        %dma_wait3A_60 = arith.constant 0 : i32
        %dma_wait3A_61 = tpu.memref_slice %arg9[%add3A_59, %dma_wait3A_60] : memref<32x128xi32, #tpu.memory_space<vmem>> -> memref<1x128xi32, #tpu.memory_space<vmem>>
        %dma_wait3A_62 = tpu.memref_squeeze %dma_wait3A_61 : memref<1x128xi32, #tpu.memory_space<vmem>> -> memref<128xi32, #tpu.memory_space<vmem>>
        %dma_wait3A_63 = arith.constant 0 : i32
        %dma_wait3A_64 = arith.constant 0 : i32
        %dma_wait3A_65 = tpu.memref_slice %arg2[%dma_wait3A_63, %dma_wait3A_64] : memref<81920x128xf32, #tpu.memory_space<hbm>> -> memref<81920x128xf32, #tpu.memory_space<hbm>>
        tpu.wait_indirect_dma semaphore(%arg13 : memref<!tpu.dma_semaphore, #tpu.memory_space<semaphore_mem>>) src(%dma_wait3A_65 : memref<81920x128xf32, #tpu.memory_space<hbm>>) dst(%arg7 : memref<128x128xf32, #tpu.memory_space<vmem>>)
        %add3A_66 = arith.constant 1 : i32
        %add3A_67 = arith.addi %mul3A_40, %add3A_66 : i32
        "tpu.region"() ({
          %run_scoped3A = tpu.sem_alloc : memref<!tpu.dma_semaphore, #tpu.memory_space<semaphore_mem>>
          %dma_start3A_68 = arith.constant 0 : i32
          %dma_start3A_69 = tpu.memref_slice %arg10[%add3A_67, %dma_start3A_68] : memref<32x128xi32, #tpu.memory_space<vmem>> -> memref<1x128xi32, #tpu.memory_space<vmem>>
          %dma_start3A_70 = tpu.memref_squeeze %dma_start3A_69 : memref<1x128xi32, #tpu.memory_space<vmem>> -> memref<128xi32, #tpu.memory_space<vmem>>
          %dma_start3A_71 = arith.constant 0 : i32
          %dma_start3A_72 = arith.constant 0 : i32
          %dma_start3A_73 = tpu.memref_slice %arg11[%dma_start3A_71, %dma_start3A_72] : memref<10240x128xf32, #tpu.memory_space<vmem_shared>> -> memref<10240x128xf32, #tpu.memory_space<vmem_shared>>
          tpu.enqueue_indirect_dma source(%arg7 : memref<128x128xf32, #tpu.memory_space<vmem>>) target(%dma_start3A_73 : memref<10240x128xf32, #tpu.memory_space<vmem_shared>>) offsets(%dma_start3A_70 : memref<128xi32, #tpu.memory_space<vmem>>) semaphore(%run_scoped3A : memref<!tpu.dma_semaphore, #tpu.memory_space<semaphore_mem>>) {add = true}
          %dma_wait3A_74 = arith.constant 0 : i32
          %dma_wait3A_75 = tpu.memref_slice %arg10[%add3A_67, %dma_wait3A_74] : memref<32x128xi32, #tpu.memory_space<vmem>> -> memref<1x128xi32, #tpu.memory_space<vmem>>
          %dma_wait3A_76 = tpu.memref_squeeze %dma_wait3A_75 : memref<1x128xi32, #tpu.memory_space<vmem>> -> memref<128xi32, #tpu.memory_space<vmem>>
          %dma_wait3A_77 = arith.constant 0 : i32
          %dma_wait3A_78 = arith.constant 0 : i32
          %dma_wait3A_79 = tpu.memref_slice %arg11[%dma_wait3A_77, %dma_wait3A_78] : memref<10240x128xf32, #tpu.memory_space<vmem_shared>> -> memref<10240x128xf32, #tpu.memory_space<vmem_shared>>
          tpu.wait_indirect_dma semaphore(%run_scoped3A : memref<!tpu.dma_semaphore, #tpu.memory_space<semaphore_mem>>) src(%arg7 : memref<128x128xf32, #tpu.memory_space<vmem>>) dst(%dma_wait3A_79 : memref<10240x128xf32, #tpu.memory_space<vmem_shared>>)
          tpu.yield
        }) : () -> ()
      }
      %scan3A_31 = arith.constant 16 : i32
      %barrier3A_32 = arith.constant 0 : index
      tpu.barrier barrier_id(%barrier3A_32)
      %mul3A_33 = arith.constant 640 : i32
      %mul3A_34 = arith.muli %arg1, %mul3A_33 : i32
      %mul3A_35 = arith.constant 640 : i32
      %mul3A_36 = arith.muli %arg1, %mul3A_35 : i32
      "tpu.region"() ({
        %run_scoped3A = tpu.sem_alloc : memref<!tpu.dma_semaphore, #tpu.memory_space<semaphore_mem>>
        %dma_start3A_38 = arith.constant 0 : i32
        %dma_start3A_39 = tpu.memref_slice %arg5[%add3A, %mul3A_36, %dma_start3A_38] : memref<8x10240x128xf32, #tpu.memory_space<hbm>> -> memref<1x640x128xf32, #tpu.memory_space<hbm>>
        %dma_start3A_40 = tpu.memref_squeeze %dma_start3A_39 : memref<1x640x128xf32, #tpu.memory_space<hbm>> -> memref<640x128xf32, #tpu.memory_space<hbm>>
        %dma_start3A_41 = arith.constant 0 : i32
        %dma_start3A_42 = tpu.memref_slice %arg11[%mul3A_34, %dma_start3A_41] : memref<10240x128xf32, #tpu.memory_space<vmem_shared>> -> memref<640x128xf32, #tpu.memory_space<vmem_shared>>
        tpu.enqueue_dma source(%dma_start3A_42 : memref<640x128xf32, #tpu.memory_space<vmem_shared>>) target(%dma_start3A_40 : memref<640x128xf32, #tpu.memory_space<hbm>>) target_semaphore(%run_scoped3A : memref<!tpu.dma_semaphore, #tpu.memory_space<semaphore_mem>>)
        %dma_wait3A = arith.constant 0 : i32
        %dma_wait3A_43 = tpu.memref_slice %arg5[%add3A, %mul3A_36, %dma_wait3A] : memref<8x10240x128xf32, #tpu.memory_space<hbm>> -> memref<1x640x128xf32, #tpu.memory_space<hbm>>
        %dma_wait3A_44 = tpu.memref_squeeze %dma_wait3A_43 : memref<1x640x128xf32, #tpu.memory_space<hbm>> -> memref<640x128xf32, #tpu.memory_space<hbm>>
        %dma_wait3A_45 = arith.constant 0 : i32
        %dma_wait3A_46 = tpu.memref_slice %arg11[%mul3A_34, %dma_wait3A_45] : memref<10240x128xf32, #tpu.memory_space<vmem_shared>> -> memref<640x128xf32, #tpu.memory_space<vmem_shared>>
        tpu.wait_dma2 semaphore(%run_scoped3A : memref<!tpu.dma_semaphore, #tpu.memory_space<semaphore_mem>>) src(%dma_wait3A_46 : memref<640x128xf32, #tpu.memory_space<vmem_shared>>) dst(%dma_wait3A_44 : memref<640x128xf32, #tpu.memory_space<hbm>>)
        tpu.yield
      }) : () -> ()
      %barrier3A_37 = arith.constant 0 : index
      tpu.barrier barrier_id(%barrier3A_37)
    }
    %scan3A_4 = arith.constant 4 : i32
    return
  }
}

#map = affine_map<(d0, d1) -> (0, 0)>
#map1 = affine_map<(d0, d1) -> (0, 0, 0)>
module attributes {stable_mosaic.version = 14 : i64} {
  func.func @_edge_body(%arg0: i32, %arg1: i32, %arg2: memref<81920x128xf32, #tpu.memory_space<hbm>>, %arg3: memref<16x32x128xi32, #tpu.memory_space<hbm>>, %arg4: memref<16x32x128xi32, #tpu.memory_space<hbm>>, %arg5: memref<8x10240x128xf32, #tpu.memory_space<hbm>>, %arg6: memref<128x128xf32, #tpu.memory_space<vmem>>, %arg7: memref<128x128xf32, #tpu.memory_space<vmem>>, %arg8: memref<32x128xi32, #tpu.memory_space<vmem>>, %arg9: memref<32x128xi32, #tpu.memory_space<vmem>>, %arg10: memref<32x128xi32, #tpu.memory_space<vmem>>, %arg11: memref<10240x128xf32, #tpu.memory_space<vmem_shared>>, %arg12: memref<!tpu.dma_semaphore, #tpu.memory_space<semaphore_mem>>, %arg13: memref<!tpu.dma_semaphore, #tpu.memory_space<semaphore_mem>>) attributes {dimension_semantics = [#tpu.dimension_semantics<core_parallel>, #tpu.dimension_semantics<subcore_parallel>], iteration_bounds = array<i64: 2, 16>, scalar_prefetch = 0 : i64, scratch_operands = 8 : i64, tpu.core_type = #tpu.core_type<sc_vector_subcore>, window_params = [{transform_indices = #map}, {transform_indices = #map1}, {transform_indices = #map1}, {transform_indices = #map1}]} {
    "tpu.region"() ({
      %run_scoped3A = tpu.sem_alloc : memref<!tpu.dma_semaphore, #tpu.memory_space<semaphore_mem>>
      %dma_start3A = arith.constant 0 : i32
      %dma_start3A_5 = arith.constant 0 : i32
      %dma_start3A_6 = tpu.memref_slice %arg3[%arg1, %dma_start3A, %dma_start3A_5] : memref<16x32x128xi32, #tpu.memory_space<hbm>> -> memref<1x32x128xi32, #tpu.memory_space<hbm>>
      %dma_start3A_7 = tpu.memref_squeeze %dma_start3A_6 : memref<1x32x128xi32, #tpu.memory_space<hbm>> -> memref<32x128xi32, #tpu.memory_space<hbm>>
      %dma_start3A_8 = arith.constant 0 : i32
      %dma_start3A_9 = arith.constant 0 : i32
      %dma_start3A_10 = tpu.memref_slice %arg3[%arg1, %dma_start3A_8, %dma_start3A_9] : memref<16x32x128xi32, #tpu.memory_space<hbm>> -> memref<1x32x128xi32, #tpu.memory_space<hbm>>
      %dma_start3A_11 = tpu.memref_squeeze %dma_start3A_10 : memref<1x32x128xi32, #tpu.memory_space<hbm>> -> memref<32x128xi32, #tpu.memory_space<hbm>>
      tpu.enqueue_dma source(%dma_start3A_11 : memref<32x128xi32, #tpu.memory_space<hbm>>) target(%arg8 : memref<32x128xi32, #tpu.memory_space<vmem>>) target_semaphore(%run_scoped3A : memref<!tpu.dma_semaphore, #tpu.memory_space<semaphore_mem>>)
      %dma_wait3A = arith.constant 0 : i32
      %dma_wait3A_12 = arith.constant 0 : i32
      %dma_wait3A_13 = tpu.memref_slice %arg3[%arg1, %dma_wait3A, %dma_wait3A_12] : memref<16x32x128xi32, #tpu.memory_space<hbm>> -> memref<1x32x128xi32, #tpu.memory_space<hbm>>
      %dma_wait3A_14 = tpu.memref_squeeze %dma_wait3A_13 : memref<1x32x128xi32, #tpu.memory_space<hbm>> -> memref<32x128xi32, #tpu.memory_space<hbm>>
      %dma_wait3A_15 = arith.constant 0 : i32
      %dma_wait3A_16 = arith.constant 0 : i32
      %dma_wait3A_17 = tpu.memref_slice %arg3[%arg1, %dma_wait3A_15, %dma_wait3A_16] : memref<16x32x128xi32, #tpu.memory_space<hbm>> -> memref<1x32x128xi32, #tpu.memory_space<hbm>>
      %dma_wait3A_18 = tpu.memref_squeeze %dma_wait3A_17 : memref<1x32x128xi32, #tpu.memory_space<hbm>> -> memref<32x128xi32, #tpu.memory_space<hbm>>
      tpu.wait_dma2 semaphore(%run_scoped3A : memref<!tpu.dma_semaphore, #tpu.memory_space<semaphore_mem>>) src(%dma_wait3A_18 : memref<32x128xi32, #tpu.memory_space<hbm>>) dst(%arg8 : memref<32x128xi32, #tpu.memory_space<vmem>>)
      tpu.yield
    }) : () -> ()
    "tpu.region"() ({
      %run_scoped3A = tpu.sem_alloc : memref<!tpu.dma_semaphore, #tpu.memory_space<semaphore_mem>>
      %dma_start3A = arith.constant 0 : i32
      %dma_start3A_5 = arith.constant 0 : i32
      %dma_start3A_6 = tpu.memref_slice %arg4[%arg1, %dma_start3A, %dma_start3A_5] : memref<16x32x128xi32, #tpu.memory_space<hbm>> -> memref<1x32x128xi32, #tpu.memory_space<hbm>>
      %dma_start3A_7 = tpu.memref_squeeze %dma_start3A_6 : memref<1x32x128xi32, #tpu.memory_space<hbm>> -> memref<32x128xi32, #tpu.memory_space<hbm>>
      %dma_start3A_8 = arith.constant 0 : i32
      %dma_start3A_9 = arith.constant 0 : i32
      %dma_start3A_10 = tpu.memref_slice %arg4[%arg1, %dma_start3A_8, %dma_start3A_9] : memref<16x32x128xi32, #tpu.memory_space<hbm>> -> memref<1x32x128xi32, #tpu.memory_space<hbm>>
      %dma_start3A_11 = tpu.memref_squeeze %dma_start3A_10 : memref<1x32x128xi32, #tpu.memory_space<hbm>> -> memref<32x128xi32, #tpu.memory_space<hbm>>
      tpu.enqueue_dma source(%dma_start3A_11 : memref<32x128xi32, #tpu.memory_space<hbm>>) target(%arg10 : memref<32x128xi32, #tpu.memory_space<vmem>>) target_semaphore(%run_scoped3A : memref<!tpu.dma_semaphore, #tpu.memory_space<semaphore_mem>>)
      %dma_wait3A = arith.constant 0 : i32
      %dma_wait3A_12 = arith.constant 0 : i32
      %dma_wait3A_13 = tpu.memref_slice %arg4[%arg1, %dma_wait3A, %dma_wait3A_12] : memref<16x32x128xi32, #tpu.memory_space<hbm>> -> memref<1x32x128xi32, #tpu.memory_space<hbm>>
      %dma_wait3A_14 = tpu.memref_squeeze %dma_wait3A_13 : memref<1x32x128xi32, #tpu.memory_space<hbm>> -> memref<32x128xi32, #tpu.memory_space<hbm>>
      %dma_wait3A_15 = arith.constant 0 : i32
      %dma_wait3A_16 = arith.constant 0 : i32
      %dma_wait3A_17 = tpu.memref_slice %arg4[%arg1, %dma_wait3A_15, %dma_wait3A_16] : memref<16x32x128xi32, #tpu.memory_space<hbm>> -> memref<1x32x128xi32, #tpu.memory_space<hbm>>
      %dma_wait3A_18 = tpu.memref_squeeze %dma_wait3A_17 : memref<1x32x128xi32, #tpu.memory_space<hbm>> -> memref<32x128xi32, #tpu.memory_space<hbm>>
      tpu.wait_dma2 semaphore(%run_scoped3A : memref<!tpu.dma_semaphore, #tpu.memory_space<semaphore_mem>>) src(%dma_wait3A_18 : memref<32x128xi32, #tpu.memory_space<hbm>>) dst(%arg10 : memref<32x128xi32, #tpu.memory_space<vmem>>)
      tpu.yield
    }) : () -> ()
    %scan3A = arith.constant 0 : i32
    %scan3A_0 = arith.constant 0 : i32
    %scan3A_1 = arith.constant 4 : i32
    %scan3A_2 = arith.addi %scan3A_0, %scan3A_1 : i32
    %scan3A_3 = arith.constant 1 : i32
    scf.for %scan3A_5 = %scan3A_0 to %scan3A_2 step %scan3A_3  : i32 {
      %mul3A = arith.constant 4 : i32
      %mul3A_6 = arith.muli %arg0, %mul3A : i32
      %add3A = arith.addi %mul3A_6, %scan3A_5 : i32
      %mul3A_7 = arith.constant 10240 : i32
      %mul3A_8 = arith.muli %add3A, %mul3A_7 : i32
      %scan3A_9 = arith.constant 0 : i32
      %scan3A_10 = arith.constant 0 : i32
      %scan3A_11 = arith.constant 32 : i32
      %scan3A_12 = arith.addi %scan3A_10, %scan3A_11 : i32
      %scan3A_13 = arith.constant 1 : i32
      scf.for %scan3A_38 = %scan3A_10 to %scan3A_12 step %scan3A_13  : i32 {
        %get3A = arith.index_cast %scan3A_38 : i32 to index
        %get3A_39 = arith.constant 0 : index
        %get3A_40 = tpu.vector_load %arg8[%get3A, %get3A_39] {strides = array<i32>} : memref<32x128xi32, #tpu.memory_space<vmem>>, vector<1x16xi32>,
        %get3A_41 = vector.shape_cast %get3A_40 : vector<1x16xi32> to vector<16xi32>
        %add3A_42 = vector.broadcast %mul3A_8 : i32 to vector<16xi32>
        %add3A_43 = arith.addi %get3A_41, %add3A_42 : vector<16xi32>
        %swap3A = arith.index_cast %scan3A_38 : i32 to index
        %swap3A_44 = arith.constant 0 : index
        %swap3A_45 = tpu.vector_load %arg9[%swap3A, %swap3A_44] {strides = array<i32>} : memref<32x128xi32, #tpu.memory_space<vmem>>, vector<1x16xi32>,
        %swap3A_46 = vector.shape_cast %swap3A_45 : vector<1x16xi32> to vector<16xi32>
        %swap3A_47 = vector.shape_cast %add3A_43 : vector<16xi32> to vector<1x16xi32>
        tpu.vector_store %arg9[%swap3A, %swap3A_44], %swap3A_47 {strides = array<i32>} : memref<32x128xi32, #tpu.memory_space<vmem>>, vector<1x16xi32>,
        %get3A_48 = arith.index_cast %scan3A_38 : i32 to index
        %get3A_49 = arith.constant 16 : index
        %get3A_50 = tpu.vector_load %arg8[%get3A_48, %get3A_49] {strides = array<i32>} : memref<32x128xi32, #tpu.memory_space<vmem>>, vector<1x16xi32>,
        %get3A_51 = vector.shape_cast %get3A_50 : vector<1x16xi32> to vector<16xi32>
        %add3A_52 = vector.broadcast %mul3A_8 : i32 to vector<16xi32>
        %add3A_53 = arith.addi %get3A_51, %add3A_52 : vector<16xi32>
        %swap3A_54 = arith.index_cast %scan3A_38 : i32 to index
        %swap3A_55 = arith.constant 16 : index
        %swap3A_56 = tpu.vector_load %arg9[%swap3A_54, %swap3A_55] {strides = array<i32>} : memref<32x128xi32, #tpu.memory_space<vmem>>, vector<1x16xi32>,
        %swap3A_57 = vector.shape_cast %swap3A_56 : vector<1x16xi32> to vector<16xi32>
        %swap3A_58 = vector.shape_cast %add3A_53 : vector<16xi32> to vector<1x16xi32>
        tpu.vector_store %arg9[%swap3A_54, %swap3A_55], %swap3A_58 {strides = array<i32>} : memref<32x128xi32, #tpu.memory_space<vmem>>, vector<1x16xi32>,
        %get3A_59 = arith.index_cast %scan3A_38 : i32 to index
        %get3A_60 = arith.constant 32 : index
        %get3A_61 = tpu.vector_load %arg8[%get3A_59, %get3A_60] {strides = array<i32>} : memref<32x128xi32, #tpu.memory_space<vmem>>, vector<1x16xi32>,
        %get3A_62 = vector.shape_cast %get3A_61 : vector<1x16xi32> to vector<16xi32>
        %add3A_63 = vector.broadcast %mul3A_8 : i32 to vector<16xi32>
        %add3A_64 = arith.addi %get3A_62, %add3A_63 : vector<16xi32>
        %swap3A_65 = arith.index_cast %scan3A_38 : i32 to index
        %swap3A_66 = arith.constant 32 : index
        %swap3A_67 = tpu.vector_load %arg9[%swap3A_65, %swap3A_66] {strides = array<i32>} : memref<32x128xi32, #tpu.memory_space<vmem>>, vector<1x16xi32>,
        %swap3A_68 = vector.shape_cast %swap3A_67 : vector<1x16xi32> to vector<16xi32>
        %swap3A_69 = vector.shape_cast %add3A_64 : vector<16xi32> to vector<1x16xi32>
        tpu.vector_store %arg9[%swap3A_65, %swap3A_66], %swap3A_69 {strides = array<i32>} : memref<32x128xi32, #tpu.memory_space<vmem>>, vector<1x16xi32>,
        %get3A_70 = arith.index_cast %scan3A_38 : i32 to index
        %get3A_71 = arith.constant 48 : index
        %get3A_72 = tpu.vector_load %arg8[%get3A_70, %get3A_71] {strides = array<i32>} : memref<32x128xi32, #tpu.memory_space<vmem>>, vector<1x16xi32>,
        %get3A_73 = vector.shape_cast %get3A_72 : vector<1x16xi32> to vector<16xi32>
        %add3A_74 = vector.broadcast %mul3A_8 : i32 to vector<16xi32>
        %add3A_75 = arith.addi %get3A_73, %add3A_74 : vector<16xi32>
        %swap3A_76 = arith.index_cast %scan3A_38 : i32 to index
        %swap3A_77 = arith.constant 48 : index
        %swap3A_78 = tpu.vector_load %arg9[%swap3A_76, %swap3A_77] {strides = array<i32>} : memref<32x128xi32, #tpu.memory_space<vmem>>, vector<1x16xi32>,
        %swap3A_79 = vector.shape_cast %swap3A_78 : vector<1x16xi32> to vector<16xi32>
        %swap3A_80 = vector.shape_cast %add3A_75 : vector<16xi32> to vector<1x16xi32>
        tpu.vector_store %arg9[%swap3A_76, %swap3A_77], %swap3A_80 {strides = array<i32>} : memref<32x128xi32, #tpu.memory_space<vmem>>, vector<1x16xi32>,
        %get3A_81 = arith.index_cast %scan3A_38 : i32 to index
        %get3A_82 = arith.constant 64 : index
        %get3A_83 = tpu.vector_load %arg8[%get3A_81, %get3A_82] {strides = array<i32>} : memref<32x128xi32, #tpu.memory_space<vmem>>, vector<1x16xi32>,
        %get3A_84 = vector.shape_cast %get3A_83 : vector<1x16xi32> to vector<16xi32>
        %add3A_85 = vector.broadcast %mul3A_8 : i32 to vector<16xi32>
        %add3A_86 = arith.addi %get3A_84, %add3A_85 : vector<16xi32>
        %swap3A_87 = arith.index_cast %scan3A_38 : i32 to index
        %swap3A_88 = arith.constant 64 : index
        %swap3A_89 = tpu.vector_load %arg9[%swap3A_87, %swap3A_88] {strides = array<i32>} : memref<32x128xi32, #tpu.memory_space<vmem>>, vector<1x16xi32>,
        %swap3A_90 = vector.shape_cast %swap3A_89 : vector<1x16xi32> to vector<16xi32>
        %swap3A_91 = vector.shape_cast %add3A_86 : vector<16xi32> to vector<1x16xi32>
        tpu.vector_store %arg9[%swap3A_87, %swap3A_88], %swap3A_91 {strides = array<i32>} : memref<32x128xi32, #tpu.memory_space<vmem>>, vector<1x16xi32>,
        %get3A_92 = arith.index_cast %scan3A_38 : i32 to index
        %get3A_93 = arith.constant 80 : index
        %get3A_94 = tpu.vector_load %arg8[%get3A_92, %get3A_93] {strides = array<i32>} : memref<32x128xi32, #tpu.memory_space<vmem>>, vector<1x16xi32>,
        %get3A_95 = vector.shape_cast %get3A_94 : vector<1x16xi32> to vector<16xi32>
        %add3A_96 = vector.broadcast %mul3A_8 : i32 to vector<16xi32>
        %add3A_97 = arith.addi %get3A_95, %add3A_96 : vector<16xi32>
        %swap3A_98 = arith.index_cast %scan3A_38 : i32 to index
        %swap3A_99 = arith.constant 80 : index
        %swap3A_100 = tpu.vector_load %arg9[%swap3A_98, %swap3A_99] {strides = array<i32>} : memref<32x128xi32, #tpu.memory_space<vmem>>, vector<1x16xi32>,
        %swap3A_101 = vector.shape_cast %swap3A_100 : vector<1x16xi32> to vector<16xi32>
        %swap3A_102 = vector.shape_cast %add3A_97 : vector<16xi32> to vector<1x16xi32>
        tpu.vector_store %arg9[%swap3A_98, %swap3A_99], %swap3A_102 {strides = array<i32>} : memref<32x128xi32, #tpu.memory_space<vmem>>, vector<1x16xi32>,
        %get3A_103 = arith.index_cast %scan3A_38 : i32 to index
        %get3A_104 = arith.constant 96 : index
        %get3A_105 = tpu.vector_load %arg8[%get3A_103, %get3A_104] {strides = array<i32>} : memref<32x128xi32, #tpu.memory_space<vmem>>, vector<1x16xi32>,
        %get3A_106 = vector.shape_cast %get3A_105 : vector<1x16xi32> to vector<16xi32>
        %add3A_107 = vector.broadcast %mul3A_8 : i32 to vector<16xi32>
        %add3A_108 = arith.addi %get3A_106, %add3A_107 : vector<16xi32>
        %swap3A_109 = arith.index_cast %scan3A_38 : i32 to index
        %swap3A_110 = arith.constant 96 : index
        %swap3A_111 = tpu.vector_load %arg9[%swap3A_109, %swap3A_110] {strides = array<i32>} : memref<32x128xi32, #tpu.memory_space<vmem>>, vector<1x16xi32>,
        %swap3A_112 = vector.shape_cast %swap3A_111 : vector<1x16xi32> to vector<16xi32>
        %swap3A_113 = vector.shape_cast %add3A_108 : vector<16xi32> to vector<1x16xi32>
        tpu.vector_store %arg9[%swap3A_109, %swap3A_110], %swap3A_113 {strides = array<i32>} : memref<32x128xi32, #tpu.memory_space<vmem>>, vector<1x16xi32>,
        %get3A_114 = arith.index_cast %scan3A_38 : i32 to index
        %get3A_115 = arith.constant 112 : index
        %get3A_116 = tpu.vector_load %arg8[%get3A_114, %get3A_115] {strides = array<i32>} : memref<32x128xi32, #tpu.memory_space<vmem>>, vector<1x16xi32>,
        %get3A_117 = vector.shape_cast %get3A_116 : vector<1x16xi32> to vector<16xi32>
        %add3A_118 = vector.broadcast %mul3A_8 : i32 to vector<16xi32>
        %add3A_119 = arith.addi %get3A_117, %add3A_118 : vector<16xi32>
        %swap3A_120 = arith.index_cast %scan3A_38 : i32 to index
        %swap3A_121 = arith.constant 112 : index
        %swap3A_122 = tpu.vector_load %arg9[%swap3A_120, %swap3A_121] {strides = array<i32>} : memref<32x128xi32, #tpu.memory_space<vmem>>, vector<1x16xi32>,
        %swap3A_123 = vector.shape_cast %swap3A_122 : vector<1x16xi32> to vector<16xi32>
        %swap3A_124 = vector.shape_cast %add3A_119 : vector<16xi32> to vector<1x16xi32>
        tpu.vector_store %arg9[%swap3A_120, %swap3A_121], %swap3A_124 {strides = array<i32>} : memref<32x128xi32, #tpu.memory_space<vmem>>, vector<1x16xi32>,
      }
      %scan3A_14 = arith.constant 32 : i32
      %mul3A_15 = arith.constant 640 : i32
      %mul3A_16 = arith.muli %arg1, %mul3A_15 : i32
      %add3A_17 = arith.addi %mul3A_8, %mul3A_16 : i32
      %mul3A_18 = arith.constant 640 : i32
      %mul3A_19 = arith.muli %arg1, %mul3A_18 : i32
      "tpu.region"() ({
        %run_scoped3A = tpu.sem_alloc : memref<!tpu.dma_semaphore, #tpu.memory_space<semaphore_mem>>
        %dma_start3A_38 = arith.constant 0 : i32
        %dma_start3A_39 = tpu.memref_slice %arg11[%mul3A_19, %dma_start3A_38] : memref<10240x128xf32, #tpu.memory_space<vmem_shared>> -> memref<640x128xf32, #tpu.memory_space<vmem_shared>>
        %dma_start3A_40 = arith.constant 0 : i32
        %dma_start3A_41 = tpu.memref_slice %arg2[%add3A_17, %dma_start3A_40] : memref<81920x128xf32, #tpu.memory_space<hbm>> -> memref<640x128xf32, #tpu.memory_space<hbm>>
        tpu.enqueue_dma source(%dma_start3A_41 : memref<640x128xf32, #tpu.memory_space<hbm>>) target(%dma_start3A_39 : memref<640x128xf32, #tpu.memory_space<vmem_shared>>) target_semaphore(%run_scoped3A : memref<!tpu.dma_semaphore, #tpu.memory_space<semaphore_mem>>)
        %dma_wait3A = arith.constant 0 : i32
        %dma_wait3A_42 = tpu.memref_slice %arg11[%mul3A_19, %dma_wait3A] : memref<10240x128xf32, #tpu.memory_space<vmem_shared>> -> memref<640x128xf32, #tpu.memory_space<vmem_shared>>
        %dma_wait3A_43 = arith.constant 0 : i32
        %dma_wait3A_44 = tpu.memref_slice %arg2[%add3A_17, %dma_wait3A_43] : memref<81920x128xf32, #tpu.memory_space<hbm>> -> memref<640x128xf32, #tpu.memory_space<hbm>>
        tpu.wait_dma2 semaphore(%run_scoped3A : memref<!tpu.dma_semaphore, #tpu.memory_space<semaphore_mem>>) src(%dma_wait3A_44 : memref<640x128xf32, #tpu.memory_space<hbm>>) dst(%dma_wait3A_42 : memref<640x128xf32, #tpu.memory_space<vmem_shared>>)
        tpu.yield
      }) : () -> ()
      %barrier3A = arith.constant 0 : index
      tpu.barrier barrier_id(%barrier3A)
      %dma_start3A = arith.constant 0 : i32
      %dma_start3A_20 = arith.constant 0 : i32
      %dma_start3A_21 = tpu.memref_slice %arg9[%dma_start3A, %dma_start3A_20] : memref<32x128xi32, #tpu.memory_space<vmem>> -> memref<1x128xi32, #tpu.memory_space<vmem>>
      %dma_start3A_22 = tpu.memref_squeeze %dma_start3A_21 : memref<1x128xi32, #tpu.memory_space<vmem>> -> memref<128xi32, #tpu.memory_space<vmem>>
      %dma_start3A_23 = arith.constant 0 : i32
      %dma_start3A_24 = arith.constant 0 : i32
      %dma_start3A_25 = tpu.memref_slice %arg2[%dma_start3A_23, %dma_start3A_24] : memref<81920x128xf32, #tpu.memory_space<hbm>> -> memref<81920x128xf32, #tpu.memory_space<hbm>>
      tpu.enqueue_indirect_dma source(%dma_start3A_25 : memref<81920x128xf32, #tpu.memory_space<hbm>>) target(%arg6 : memref<128x128xf32, #tpu.memory_space<vmem>>) offsets(%dma_start3A_22 : memref<128xi32, #tpu.memory_space<vmem>>) semaphore(%arg12 : memref<!tpu.dma_semaphore, #tpu.memory_space<semaphore_mem>>)
      %scan3A_26 = arith.constant 0 : i32
      %scan3A_27 = arith.constant 0 : i32
      %scan3A_28 = arith.constant 16 : i32
      %scan3A_29 = arith.addi %scan3A_27, %scan3A_28 : i32
      %scan3A_30 = arith.constant 1 : i32
      scf.for %scan3A_38 = %scan3A_27 to %scan3A_29 step %scan3A_30  : i32 {
        %mul3A_39 = arith.constant 2 : i32
        %mul3A_40 = arith.muli %mul3A_39, %scan3A_38 : i32
        %add3A_41 = arith.constant 1 : i32
        %add3A_42 = arith.addi %mul3A_40, %add3A_41 : i32
        %dma_start3A_43 = arith.constant 0 : i32
        %dma_start3A_44 = tpu.memref_slice %arg9[%add3A_42, %dma_start3A_43] : memref<32x128xi32, #tpu.memory_space<vmem>> -> memref<1x128xi32, #tpu.memory_space<vmem>>
        %dma_start3A_45 = tpu.memref_squeeze %dma_start3A_44 : memref<1x128xi32, #tpu.memory_space<vmem>> -> memref<128xi32, #tpu.memory_space<vmem>>
        %dma_start3A_46 = arith.constant 0 : i32
        %dma_start3A_47 = arith.constant 0 : i32
        %dma_start3A_48 = tpu.memref_slice %arg2[%dma_start3A_46, %dma_start3A_47] : memref<81920x128xf32, #tpu.memory_space<hbm>> -> memref<81920x128xf32, #tpu.memory_space<hbm>>
        tpu.enqueue_indirect_dma source(%dma_start3A_48 : memref<81920x128xf32, #tpu.memory_space<hbm>>) target(%arg7 : memref<128x128xf32, #tpu.memory_space<vmem>>) offsets(%dma_start3A_45 : memref<128xi32, #tpu.memory_space<vmem>>) semaphore(%arg13 : memref<!tpu.dma_semaphore, #tpu.memory_space<semaphore_mem>>)
        %dma_wait3A = arith.constant 0 : i32
        %dma_wait3A_49 = tpu.memref_slice %arg9[%mul3A_40, %dma_wait3A] : memref<32x128xi32, #tpu.memory_space<vmem>> -> memref<1x128xi32, #tpu.memory_space<vmem>>
        %dma_wait3A_50 = tpu.memref_squeeze %dma_wait3A_49 : memref<1x128xi32, #tpu.memory_space<vmem>> -> memref<128xi32, #tpu.memory_space<vmem>>
        %dma_wait3A_51 = arith.constant 0 : i32
        %dma_wait3A_52 = arith.constant 0 : i32
        %dma_wait3A_53 = tpu.memref_slice %arg2[%dma_wait3A_51, %dma_wait3A_52] : memref<81920x128xf32, #tpu.memory_space<hbm>> -> memref<81920x128xf32, #tpu.memory_space<hbm>>
        tpu.wait_indirect_dma semaphore(%arg12 : memref<!tpu.dma_semaphore, #tpu.memory_space<semaphore_mem>>) src(%dma_wait3A_53 : memref<81920x128xf32, #tpu.memory_space<hbm>>) dst(%arg6 : memref<128x128xf32, #tpu.memory_space<vmem>>)
        "tpu.region"() ({
          %run_scoped3A = tpu.sem_alloc : memref<!tpu.dma_semaphore, #tpu.memory_space<semaphore_mem>>
          %dma_start3A_68 = arith.constant 0 : i32
          %dma_start3A_69 = tpu.memref_slice %arg10[%mul3A_40, %dma_start3A_68] : memref<32x128xi32, #tpu.memory_space<vmem>> -> memref<1x128xi32, #tpu.memory_space<vmem>>
          %dma_start3A_70 = tpu.memref_squeeze %dma_start3A_69 : memref<1x128xi32, #tpu.memory_space<vmem>> -> memref<128xi32, #tpu.memory_space<vmem>>
          %dma_start3A_71 = arith.constant 0 : i32
          %dma_start3A_72 = arith.constant 0 : i32
          %dma_start3A_73 = tpu.memref_slice %arg11[%dma_start3A_71, %dma_start3A_72] : memref<10240x128xf32, #tpu.memory_space<vmem_shared>> -> memref<10240x128xf32, #tpu.memory_space<vmem_shared>>
          tpu.enqueue_indirect_dma source(%arg6 : memref<128x128xf32, #tpu.memory_space<vmem>>) target(%dma_start3A_73 : memref<10240x128xf32, #tpu.memory_space<vmem_shared>>) offsets(%dma_start3A_70 : memref<128xi32, #tpu.memory_space<vmem>>) semaphore(%run_scoped3A : memref<!tpu.dma_semaphore, #tpu.memory_space<semaphore_mem>>) {add = true}
          %dma_wait3A_74 = arith.constant 0 : i32
          %dma_wait3A_75 = tpu.memref_slice %arg10[%mul3A_40, %dma_wait3A_74] : memref<32x128xi32, #tpu.memory_space<vmem>> -> memref<1x128xi32, #tpu.memory_space<vmem>>
          %dma_wait3A_76 = tpu.memref_squeeze %dma_wait3A_75 : memref<1x128xi32, #tpu.memory_space<vmem>> -> memref<128xi32, #tpu.memory_space<vmem>>
          %dma_wait3A_77 = arith.constant 0 : i32
          %dma_wait3A_78 = arith.constant 0 : i32
          %dma_wait3A_79 = tpu.memref_slice %arg11[%dma_wait3A_77, %dma_wait3A_78] : memref<10240x128xf32, #tpu.memory_space<vmem_shared>> -> memref<10240x128xf32, #tpu.memory_space<vmem_shared>>
          tpu.wait_indirect_dma semaphore(%run_scoped3A : memref<!tpu.dma_semaphore, #tpu.memory_space<semaphore_mem>>) src(%arg6 : memref<128x128xf32, #tpu.memory_space<vmem>>) dst(%dma_wait3A_79 : memref<10240x128xf32, #tpu.memory_space<vmem_shared>>)
          tpu.yield
        }) : () -> ()
        %add3A_54 = arith.constant 1 : i32
        %add3A_55 = arith.addi %scan3A_38, %add3A_54 : i32
        %lt3A = arith.constant 16 : i32
        %lt3A_56 = arith.cmpi slt, %add3A_55, %lt3A : i32
        %convert_element_type3A = arith.extui %lt3A_56 : i1 to i32
        %cond3A = arith.constant 0 : i32
        %cond3A_57 = arith.cmpi ne, %convert_element_type3A, %cond3A : i32
        scf.if %cond3A_57 {
          %add3A_68 = arith.constant 2 : i32
          %add3A_69 = arith.addi %mul3A_40, %add3A_68 : i32
          %dma_start3A_70 = arith.constant 0 : i32
          %dma_start3A_71 = tpu.memref_slice %arg9[%add3A_69, %dma_start3A_70] : memref<32x128xi32, #tpu.memory_space<vmem>> -> memref<1x128xi32, #tpu.memory_space<vmem>>
          %dma_start3A_72 = tpu.memref_squeeze %dma_start3A_71 : memref<1x128xi32, #tpu.memory_space<vmem>> -> memref<128xi32, #tpu.memory_space<vmem>>
          %dma_start3A_73 = arith.constant 0 : i32
          %dma_start3A_74 = arith.constant 0 : i32
          %dma_start3A_75 = tpu.memref_slice %arg2[%dma_start3A_73, %dma_start3A_74] : memref<81920x128xf32, #tpu.memory_space<hbm>> -> memref<81920x128xf32, #tpu.memory_space<hbm>>
          tpu.enqueue_indirect_dma source(%dma_start3A_75 : memref<81920x128xf32, #tpu.memory_space<hbm>>) target(%arg6 : memref<128x128xf32, #tpu.memory_space<vmem>>) offsets(%dma_start3A_72 : memref<128xi32, #tpu.memory_space<vmem>>) semaphore(%arg12 : memref<!tpu.dma_semaphore, #tpu.memory_space<semaphore_mem>>)
        } else {
        }
        %add3A_58 = arith.constant 1 : i32
        %add3A_59 = arith.addi %mul3A_40, %add3A_58 : i32
        %dma_wait3A_60 = arith.constant 0 : i32
        %dma_wait3A_61 = tpu.memref_slice %arg9[%add3A_59, %dma_wait3A_60] : memref<32x128xi32, #tpu.memory_space<vmem>> -> memref<1x128xi32, #tpu.memory_space<vmem>>
        %dma_wait3A_62 = tpu.memref_squeeze %dma_wait3A_61 : memref<1x128xi32, #tpu.memory_space<vmem>> -> memref<128xi32, #tpu.memory_space<vmem>>
        %dma_wait3A_63 = arith.constant 0 : i32
        %dma_wait3A_64 = arith.constant 0 : i32
        %dma_wait3A_65 = tpu.memref_slice %arg2[%dma_wait3A_63, %dma_wait3A_64] : memref<81920x128xf32, #tpu.memory_space<hbm>> -> memref<81920x128xf32, #tpu.memory_space<hbm>>
        tpu.wait_indirect_dma semaphore(%arg13 : memref<!tpu.dma_semaphore, #tpu.memory_space<semaphore_mem>>) src(%dma_wait3A_65 : memref<81920x128xf32, #tpu.memory_space<hbm>>) dst(%arg7 : memref<128x128xf32, #tpu.memory_space<vmem>>)
        %add3A_66 = arith.constant 1 : i32
        %add3A_67 = arith.addi %mul3A_40, %add3A_66 : i32
        "tpu.region"() ({
          %run_scoped3A = tpu.sem_alloc : memref<!tpu.dma_semaphore, #tpu.memory_space<semaphore_mem>>
          %dma_start3A_68 = arith.constant 0 : i32
          %dma_start3A_69 = tpu.memref_slice %arg10[%add3A_67, %dma_start3A_68] : memref<32x128xi32, #tpu.memory_space<vmem>> -> memref<1x128xi32, #tpu.memory_space<vmem>>
          %dma_start3A_70 = tpu.memref_squeeze %dma_start3A_69 : memref<1x128xi32, #tpu.memory_space<vmem>> -> memref<128xi32, #tpu.memory_space<vmem>>
          %dma_start3A_71 = arith.constant 0 : i32
          %dma_start3A_72 = arith.constant 0 : i32
          %dma_start3A_73 = tpu.memref_slice %arg11[%dma_start3A_71, %dma_start3A_72] : memref<10240x128xf32, #tpu.memory_space<vmem_shared>> -> memref<10240x128xf32, #tpu.memory_space<vmem_shared>>
          tpu.enqueue_indirect_dma source(%arg7 : memref<128x128xf32, #tpu.memory_space<vmem>>) target(%dma_start3A_73 : memref<10240x128xf32, #tpu.memory_space<vmem_shared>>) offsets(%dma_start3A_70 : memref<128xi32, #tpu.memory_space<vmem>>) semaphore(%run_scoped3A : memref<!tpu.dma_semaphore, #tpu.memory_space<semaphore_mem>>) {add = true}
          %dma_wait3A_74 = arith.constant 0 : i32
          %dma_wait3A_75 = tpu.memref_slice %arg10[%add3A_67, %dma_wait3A_74] : memref<32x128xi32, #tpu.memory_space<vmem>> -> memref<1x128xi32, #tpu.memory_space<vmem>>
          %dma_wait3A_76 = tpu.memref_squeeze %dma_wait3A_75 : memref<1x128xi32, #tpu.memory_space<vmem>> -> memref<128xi32, #tpu.memory_space<vmem>>
          %dma_wait3A_77 = arith.constant 0 : i32
          %dma_wait3A_78 = arith.constant 0 : i32
          %dma_wait3A_79 = tpu.memref_slice %arg11[%dma_wait3A_77, %dma_wait3A_78] : memref<10240x128xf32, #tpu.memory_space<vmem_shared>> -> memref<10240x128xf32, #tpu.memory_space<vmem_shared>>
          tpu.wait_indirect_dma semaphore(%run_scoped3A : memref<!tpu.dma_semaphore, #tpu.memory_space<semaphore_mem>>) src(%arg7 : memref<128x128xf32, #tpu.memory_space<vmem>>) dst(%dma_wait3A_79 : memref<10240x128xf32, #tpu.memory_space<vmem_shared>>)
          tpu.yield
        }) : () -> ()
      }
      %scan3A_31 = arith.constant 16 : i32
      %barrier3A_32 = arith.constant 0 : index
      tpu.barrier barrier_id(%barrier3A_32)
      %mul3A_33 = arith.constant 640 : i32
      %mul3A_34 = arith.muli %arg1, %mul3A_33 : i32
      %mul3A_35 = arith.constant 640 : i32
      %mul3A_36 = arith.muli %arg1, %mul3A_35 : i32
      "tpu.region"() ({
        %run_scoped3A = tpu.sem_alloc : memref<!tpu.dma_semaphore, #tpu.memory_space<semaphore_mem>>
        %dma_start3A_38 = arith.constant 0 : i32
        %dma_start3A_39 = tpu.memref_slice %arg5[%add3A, %mul3A_36, %dma_start3A_38] : memref<8x10240x128xf32, #tpu.memory_space<hbm>> -> memref<1x640x128xf32, #tpu.memory_space<hbm>>
        %dma_start3A_40 = tpu.memref_squeeze %dma_start3A_39 : memref<1x640x128xf32, #tpu.memory_space<hbm>> -> memref<640x128xf32, #tpu.memory_space<hbm>>
        %dma_start3A_41 = arith.constant 0 : i32
        %dma_start3A_42 = tpu.memref_slice %arg11[%mul3A_34, %dma_start3A_41] : memref<10240x128xf32, #tpu.memory_space<vmem_shared>> -> memref<640x128xf32, #tpu.memory_space<vmem_shared>>
        tpu.enqueue_dma source(%dma_start3A_42 : memref<640x128xf32, #tpu.memory_space<vmem_shared>>) target(%dma_start3A_40 : memref<640x128xf32, #tpu.memory_space<hbm>>) target_semaphore(%run_scoped3A : memref<!tpu.dma_semaphore, #tpu.memory_space<semaphore_mem>>)
        %dma_wait3A = arith.constant 0 : i32
        %dma_wait3A_43 = tpu.memref_slice %arg5[%add3A, %mul3A_36, %dma_wait3A] : memref<8x10240x128xf32, #tpu.memory_space<hbm>> -> memref<1x640x128xf32, #tpu.memory_space<hbm>>
        %dma_wait3A_44 = tpu.memref_squeeze %dma_wait3A_43 : memref<1x640x128xf32, #tpu.memory_space<hbm>> -> memref<640x128xf32, #tpu.memory_space<hbm>>
        %dma_wait3A_45 = arith.constant 0 : i32
        %dma_wait3A_46 = tpu.memref_slice %arg11[%mul3A_34, %dma_wait3A_45] : memref<10240x128xf32, #tpu.memory_space<vmem_shared>> -> memref<640x128xf32, #tpu.memory_space<vmem_shared>>
        tpu.wait_dma2 semaphore(%run_scoped3A : memref<!tpu.dma_semaphore, #tpu.memory_space<semaphore_mem>>) src(%dma_wait3A_46 : memref<640x128xf32, #tpu.memory_space<vmem_shared>>) dst(%dma_wait3A_44 : memref<640x128xf32, #tpu.memory_space<hbm>>)
        tpu.yield
      }) : () -> ()
      %barrier3A_37 = arith.constant 0 : index
      tpu.barrier barrier_id(%barrier3A_37)
    }
    %scan3A_4 = arith.constant 4 : i32
    return
  }
}

#map = affine_map<(d0, d1) -> (0)>
#map1 = affine_map<(d0, d1) -> (0, 0)>
#map2 = affine_map<(d0, d1) -> (0, 0, 0)>
module attributes {stable_mosaic.version = 14 : i64} {
  func.func @_deg_body(%arg0: i32, %arg1: i32, %arg2: memref<65536xi32, #tpu.memory_space<hbm>>, %arg3: memref<128x128xf32, #tpu.memory_space<hbm>>, %arg4: memref<640x128xf32, #tpu.memory_space<hbm>>, %arg5: memref<2x10240x128xf32, #tpu.memory_space<hbm>>, %arg6: memref<128x128xf32, #tpu.memory_space<vmem>>, %arg7: memref<128xi32, #tpu.memory_space<vmem>>, %arg8: memref<10240x128xf32, #tpu.memory_space<vmem_shared>>) attributes {dimension_semantics = [#tpu.dimension_semantics<core_parallel>, #tpu.dimension_semantics<subcore_parallel>], iteration_bounds = array<i64: 2, 16>, scalar_prefetch = 0 : i64, scratch_operands = 3 : i64, tpu.core_type = #tpu.core_type<sc_vector_subcore>, window_params = [{transform_indices = #map}, {transform_indices = #map1}, {transform_indices = #map1}, {transform_indices = #map2}]} {
    "tpu.region"() ({
      %run_scoped3A = tpu.sem_alloc : memref<!tpu.dma_semaphore, #tpu.memory_space<semaphore_mem>>
      tpu.enqueue_dma source(%arg3 : memref<128x128xf32, #tpu.memory_space<hbm>>) target(%arg6 : memref<128x128xf32, #tpu.memory_space<vmem>>) target_semaphore(%run_scoped3A : memref<!tpu.dma_semaphore, #tpu.memory_space<semaphore_mem>>)
      tpu.wait_dma2 semaphore(%run_scoped3A : memref<!tpu.dma_semaphore, #tpu.memory_space<semaphore_mem>>) src(%arg3 : memref<128x128xf32, #tpu.memory_space<hbm>>) dst(%arg6 : memref<128x128xf32, #tpu.memory_space<vmem>>)
      tpu.yield
    }) : () -> ()
    %mul3A = arith.constant 640 : i32
    %mul3A_0 = arith.muli %arg1, %mul3A : i32
    "tpu.region"() ({
      %run_scoped3A = tpu.sem_alloc : memref<!tpu.dma_semaphore, #tpu.memory_space<semaphore_mem>>
      %dma_start3A = arith.constant 0 : i32
      %dma_start3A_15 = tpu.memref_slice %arg8[%mul3A_0, %dma_start3A] : memref<10240x128xf32, #tpu.memory_space<vmem_shared>> -> memref<640x128xf32, #tpu.memory_space<vmem_shared>>
      tpu.enqueue_dma source(%arg4 : memref<640x128xf32, #tpu.memory_space<hbm>>) target(%dma_start3A_15 : memref<640x128xf32, #tpu.memory_space<vmem_shared>>) target_semaphore(%run_scoped3A : memref<!tpu.dma_semaphore, #tpu.memory_space<semaphore_mem>>)
      %dma_wait3A = arith.constant 0 : i32
      %dma_wait3A_16 = tpu.memref_slice %arg8[%mul3A_0, %dma_wait3A] : memref<10240x128xf32, #tpu.memory_space<vmem_shared>> -> memref<640x128xf32, #tpu.memory_space<vmem_shared>>
      tpu.wait_dma2 semaphore(%run_scoped3A : memref<!tpu.dma_semaphore, #tpu.memory_space<semaphore_mem>>) src(%arg4 : memref<640x128xf32, #tpu.memory_space<hbm>>) dst(%dma_wait3A_16 : memref<640x128xf32, #tpu.memory_space<vmem_shared>>)
      tpu.yield
    }) : () -> ()
    %barrier3A = arith.constant 0 : index
    tpu.barrier barrier_id(%barrier3A)
    %mul3A_1 = arith.constant 16 : i32
    %mul3A_2 = arith.muli %arg0, %mul3A_1 : i32
    %add3A = arith.addi %mul3A_2, %arg1 : i32
    %mul3A_3 = arith.constant 2048 : i32
    %mul3A_4 = arith.muli %add3A, %mul3A_3 : i32
    %scan3A = arith.constant 0 : i32
    %scan3A_5 = arith.constant 0 : i32
    %scan3A_6 = arith.constant 16 : i32
    %scan3A_7 = arith.addi %scan3A_5, %scan3A_6 : i32
    %scan3A_8 = arith.constant 1 : i32
    scf.for %scan3A_15 = %scan3A_5 to %scan3A_7 step %scan3A_8  : i32 {
      %mul3A_16 = arith.constant 128 : i32
      %mul3A_17 = arith.muli %scan3A_15, %mul3A_16 : i32
      %add3A_18 = arith.addi %mul3A_4, %mul3A_17 : i32
      "tpu.region"() ({
        %run_scoped3A = tpu.sem_alloc : memref<!tpu.dma_semaphore, #tpu.memory_space<semaphore_mem>>
        %dma_start3A = tpu.memref_slice %arg2[%add3A_18] : memref<65536xi32, #tpu.memory_space<hbm>> -> memref<128xi32, #tpu.memory_space<hbm>>
        %dma_start3A_19 = tpu.memref_slice %arg2[%add3A_18] : memref<65536xi32, #tpu.memory_space<hbm>> -> memref<128xi32, #tpu.memory_space<hbm>>
        tpu.enqueue_dma source(%dma_start3A_19 : memref<128xi32, #tpu.memory_space<hbm>>) target(%arg7 : memref<128xi32, #tpu.memory_space<vmem>>) target_semaphore(%run_scoped3A : memref<!tpu.dma_semaphore, #tpu.memory_space<semaphore_mem>>)
        %dma_wait3A = tpu.memref_slice %arg2[%add3A_18] : memref<65536xi32, #tpu.memory_space<hbm>> -> memref<128xi32, #tpu.memory_space<hbm>>
        %dma_wait3A_20 = tpu.memref_slice %arg2[%add3A_18] : memref<65536xi32, #tpu.memory_space<hbm>> -> memref<128xi32, #tpu.memory_space<hbm>>
        tpu.wait_dma2 semaphore(%run_scoped3A : memref<!tpu.dma_semaphore, #tpu.memory_space<semaphore_mem>>) src(%dma_wait3A_20 : memref<128xi32, #tpu.memory_space<hbm>>) dst(%arg7 : memref<128xi32, #tpu.memory_space<vmem>>)
        tpu.yield
      }) : () -> ()
      "tpu.region"() ({
        %run_scoped3A = tpu.sem_alloc : memref<!tpu.dma_semaphore, #tpu.memory_space<semaphore_mem>>
        %dma_start3A = arith.constant 0 : i32
        %dma_start3A_19 = arith.constant 0 : i32
        %dma_start3A_20 = tpu.memref_slice %arg8[%dma_start3A, %dma_start3A_19] : memref<10240x128xf32, #tpu.memory_space<vmem_shared>> -> memref<10240x128xf32, #tpu.memory_space<vmem_shared>>
        tpu.enqueue_indirect_dma source(%arg6 : memref<128x128xf32, #tpu.memory_space<vmem>>) target(%dma_start3A_20 : memref<10240x128xf32, #tpu.memory_space<vmem_shared>>) offsets(%arg7 : memref<128xi32, #tpu.memory_space<vmem>>) semaphore(%run_scoped3A : memref<!tpu.dma_semaphore, #tpu.memory_space<semaphore_mem>>) {add = true}
        %dma_wait3A = arith.constant 0 : i32
        %dma_wait3A_21 = arith.constant 0 : i32
        %dma_wait3A_22 = tpu.memref_slice %arg8[%dma_wait3A, %dma_wait3A_21] : memref<10240x128xf32, #tpu.memory_space<vmem_shared>> -> memref<10240x128xf32, #tpu.memory_space<vmem_shared>>
        tpu.wait_indirect_dma semaphore(%run_scoped3A : memref<!tpu.dma_semaphore, #tpu.memory_space<semaphore_mem>>) src(%arg6 : memref<128x128xf32, #tpu.memory_space<vmem>>) dst(%dma_wait3A_22 : memref<10240x128xf32, #tpu.memory_space<vmem_shared>>)
        tpu.yield
      }) : () -> ()
    }
    %scan3A_9 = arith.constant 16 : i32
    %barrier3A_10 = arith.constant 0 : index
    tpu.barrier barrier_id(%barrier3A_10)
    %mul3A_11 = arith.constant 640 : i32
    %mul3A_12 = arith.muli %arg1, %mul3A_11 : i32
    %mul3A_13 = arith.constant 640 : i32
    %mul3A_14 = arith.muli %arg1, %mul3A_13 : i32
    "tpu.region"() ({
      %run_scoped3A = tpu.sem_alloc : memref<!tpu.dma_semaphore, #tpu.memory_space<semaphore_mem>>
      %dma_start3A = arith.constant 0 : i32
      %dma_start3A_15 = tpu.memref_slice %arg5[%arg0, %mul3A_14, %dma_start3A] : memref<2x10240x128xf32, #tpu.memory_space<hbm>> -> memref<1x640x128xf32, #tpu.memory_space<hbm>>
      %dma_start3A_16 = tpu.memref_squeeze %dma_start3A_15 : memref<1x640x128xf32, #tpu.memory_space<hbm>> -> memref<640x128xf32, #tpu.memory_space<hbm>>
      %dma_start3A_17 = arith.constant 0 : i32
      %dma_start3A_18 = tpu.memref_slice %arg8[%mul3A_12, %dma_start3A_17] : memref<10240x128xf32, #tpu.memory_space<vmem_shared>> -> memref<640x128xf32, #tpu.memory_space<vmem_shared>>
      tpu.enqueue_dma source(%dma_start3A_18 : memref<640x128xf32, #tpu.memory_space<vmem_shared>>) target(%dma_start3A_16 : memref<640x128xf32, #tpu.memory_space<hbm>>) target_semaphore(%run_scoped3A : memref<!tpu.dma_semaphore, #tpu.memory_space<semaphore_mem>>)
      %dma_wait3A = arith.constant 0 : i32
      %dma_wait3A_19 = tpu.memref_slice %arg5[%arg0, %mul3A_14, %dma_wait3A] : memref<2x10240x128xf32, #tpu.memory_space<hbm>> -> memref<1x640x128xf32, #tpu.memory_space<hbm>>
      %dma_wait3A_20 = tpu.memref_squeeze %dma_wait3A_19 : memref<1x640x128xf32, #tpu.memory_space<hbm>> -> memref<640x128xf32, #tpu.memory_space<hbm>>
      %dma_wait3A_21 = arith.constant 0 : i32
      %dma_wait3A_22 = tpu.memref_slice %arg8[%mul3A_12, %dma_wait3A_21] : memref<10240x128xf32, #tpu.memory_space<vmem_shared>> -> memref<640x128xf32, #tpu.memory_space<vmem_shared>>
      tpu.wait_dma2 semaphore(%run_scoped3A : memref<!tpu.dma_semaphore, #tpu.memory_space<semaphore_mem>>) src(%dma_wait3A_22 : memref<640x128xf32, #tpu.memory_space<vmem_shared>>) dst(%dma_wait3A_20 : memref<640x128xf32, #tpu.memory_space<hbm>>)
      tpu.yield
    }) : () -> ()
    return
  }
}

#map = affine_map<(d0, d1) -> (0, 0)>
#map1 = affine_map<(d0, d1) -> (0, 0, 0)>
module attributes {stable_mosaic.version = 14 : i64} {
  func.func @_edge_body(%arg0: i32, %arg1: i32, %arg2: memref<81920x128xf32, #tpu.memory_space<hbm>>, %arg3: memref<16x32x128xi32, #tpu.memory_space<hbm>>, %arg4: memref<16x32x128xi32, #tpu.memory_space<hbm>>, %arg5: memref<8x10240x128xf32, #tpu.memory_space<hbm>>, %arg6: memref<128x128xf32, #tpu.memory_space<vmem>>, %arg7: memref<128x128xf32, #tpu.memory_space<vmem>>, %arg8: memref<32x128xi32, #tpu.memory_space<vmem>>, %arg9: memref<32x128xi32, #tpu.memory_space<vmem>>, %arg10: memref<32x128xi32, #tpu.memory_space<vmem>>, %arg11: memref<10240x128xf32, #tpu.memory_space<vmem_shared>>, %arg12: memref<!tpu.dma_semaphore, #tpu.memory_space<semaphore_mem>>, %arg13: memref<!tpu.dma_semaphore, #tpu.memory_space<semaphore_mem>>) attributes {dimension_semantics = [#tpu.dimension_semantics<core_parallel>, #tpu.dimension_semantics<subcore_parallel>], iteration_bounds = array<i64: 2, 16>, scalar_prefetch = 0 : i64, scratch_operands = 8 : i64, tpu.core_type = #tpu.core_type<sc_vector_subcore>, window_params = [{transform_indices = #map}, {transform_indices = #map1}, {transform_indices = #map1}, {transform_indices = #map1}]} {
    "tpu.region"() ({
      %run_scoped3A = tpu.sem_alloc : memref<!tpu.dma_semaphore, #tpu.memory_space<semaphore_mem>>
      %dma_start3A = arith.constant 0 : i32
      %dma_start3A_5 = arith.constant 0 : i32
      %dma_start3A_6 = tpu.memref_slice %arg3[%arg1, %dma_start3A, %dma_start3A_5] : memref<16x32x128xi32, #tpu.memory_space<hbm>> -> memref<1x32x128xi32, #tpu.memory_space<hbm>>
      %dma_start3A_7 = tpu.memref_squeeze %dma_start3A_6 : memref<1x32x128xi32, #tpu.memory_space<hbm>> -> memref<32x128xi32, #tpu.memory_space<hbm>>
      %dma_start3A_8 = arith.constant 0 : i32
      %dma_start3A_9 = arith.constant 0 : i32
      %dma_start3A_10 = tpu.memref_slice %arg3[%arg1, %dma_start3A_8, %dma_start3A_9] : memref<16x32x128xi32, #tpu.memory_space<hbm>> -> memref<1x32x128xi32, #tpu.memory_space<hbm>>
      %dma_start3A_11 = tpu.memref_squeeze %dma_start3A_10 : memref<1x32x128xi32, #tpu.memory_space<hbm>> -> memref<32x128xi32, #tpu.memory_space<hbm>>
      tpu.enqueue_dma source(%dma_start3A_11 : memref<32x128xi32, #tpu.memory_space<hbm>>) target(%arg8 : memref<32x128xi32, #tpu.memory_space<vmem>>) target_semaphore(%run_scoped3A : memref<!tpu.dma_semaphore, #tpu.memory_space<semaphore_mem>>)
      %dma_wait3A = arith.constant 0 : i32
      %dma_wait3A_12 = arith.constant 0 : i32
      %dma_wait3A_13 = tpu.memref_slice %arg3[%arg1, %dma_wait3A, %dma_wait3A_12] : memref<16x32x128xi32, #tpu.memory_space<hbm>> -> memref<1x32x128xi32, #tpu.memory_space<hbm>>
      %dma_wait3A_14 = tpu.memref_squeeze %dma_wait3A_13 : memref<1x32x128xi32, #tpu.memory_space<hbm>> -> memref<32x128xi32, #tpu.memory_space<hbm>>
      %dma_wait3A_15 = arith.constant 0 : i32
      %dma_wait3A_16 = arith.constant 0 : i32
      %dma_wait3A_17 = tpu.memref_slice %arg3[%arg1, %dma_wait3A_15, %dma_wait3A_16] : memref<16x32x128xi32, #tpu.memory_space<hbm>> -> memref<1x32x128xi32, #tpu.memory_space<hbm>>
      %dma_wait3A_18 = tpu.memref_squeeze %dma_wait3A_17 : memref<1x32x128xi32, #tpu.memory_space<hbm>> -> memref<32x128xi32, #tpu.memory_space<hbm>>
      tpu.wait_dma2 semaphore(%run_scoped3A : memref<!tpu.dma_semaphore, #tpu.memory_space<semaphore_mem>>) src(%dma_wait3A_18 : memref<32x128xi32, #tpu.memory_space<hbm>>) dst(%arg8 : memref<32x128xi32, #tpu.memory_space<vmem>>)
      tpu.yield
    }) : () -> ()
    "tpu.region"() ({
      %run_scoped3A = tpu.sem_alloc : memref<!tpu.dma_semaphore, #tpu.memory_space<semaphore_mem>>
      %dma_start3A = arith.constant 0 : i32
      %dma_start3A_5 = arith.constant 0 : i32
      %dma_start3A_6 = tpu.memref_slice %arg4[%arg1, %dma_start3A, %dma_start3A_5] : memref<16x32x128xi32, #tpu.memory_space<hbm>> -> memref<1x32x128xi32, #tpu.memory_space<hbm>>
      %dma_start3A_7 = tpu.memref_squeeze %dma_start3A_6 : memref<1x32x128xi32, #tpu.memory_space<hbm>> -> memref<32x128xi32, #tpu.memory_space<hbm>>
      %dma_start3A_8 = arith.constant 0 : i32
      %dma_start3A_9 = arith.constant 0 : i32
      %dma_start3A_10 = tpu.memref_slice %arg4[%arg1, %dma_start3A_8, %dma_start3A_9] : memref<16x32x128xi32, #tpu.memory_space<hbm>> -> memref<1x32x128xi32, #tpu.memory_space<hbm>>
      %dma_start3A_11 = tpu.memref_squeeze %dma_start3A_10 : memref<1x32x128xi32, #tpu.memory_space<hbm>> -> memref<32x128xi32, #tpu.memory_space<hbm>>
      tpu.enqueue_dma source(%dma_start3A_11 : memref<32x128xi32, #tpu.memory_space<hbm>>) target(%arg10 : memref<32x128xi32, #tpu.memory_space<vmem>>) target_semaphore(%run_scoped3A : memref<!tpu.dma_semaphore, #tpu.memory_space<semaphore_mem>>)
      %dma_wait3A = arith.constant 0 : i32
      %dma_wait3A_12 = arith.constant 0 : i32
      %dma_wait3A_13 = tpu.memref_slice %arg4[%arg1, %dma_wait3A, %dma_wait3A_12] : memref<16x32x128xi32, #tpu.memory_space<hbm>> -> memref<1x32x128xi32, #tpu.memory_space<hbm>>
      %dma_wait3A_14 = tpu.memref_squeeze %dma_wait3A_13 : memref<1x32x128xi32, #tpu.memory_space<hbm>> -> memref<32x128xi32, #tpu.memory_space<hbm>>
      %dma_wait3A_15 = arith.constant 0 : i32
      %dma_wait3A_16 = arith.constant 0 : i32
      %dma_wait3A_17 = tpu.memref_slice %arg4[%arg1, %dma_wait3A_15, %dma_wait3A_16] : memref<16x32x128xi32, #tpu.memory_space<hbm>> -> memref<1x32x128xi32, #tpu.memory_space<hbm>>
      %dma_wait3A_18 = tpu.memref_squeeze %dma_wait3A_17 : memref<1x32x128xi32, #tpu.memory_space<hbm>> -> memref<32x128xi32, #tpu.memory_space<hbm>>
      tpu.wait_dma2 semaphore(%run_scoped3A : memref<!tpu.dma_semaphore, #tpu.memory_space<semaphore_mem>>) src(%dma_wait3A_18 : memref<32x128xi32, #tpu.memory_space<hbm>>) dst(%arg10 : memref<32x128xi32, #tpu.memory_space<vmem>>)
      tpu.yield
    }) : () -> ()
    %scan3A = arith.constant 0 : i32
    %scan3A_0 = arith.constant 0 : i32
    %scan3A_1 = arith.constant 4 : i32
    %scan3A_2 = arith.addi %scan3A_0, %scan3A_1 : i32
    %scan3A_3 = arith.constant 1 : i32
    scf.for %scan3A_5 = %scan3A_0 to %scan3A_2 step %scan3A_3  : i32 {
      %mul3A = arith.constant 4 : i32
      %mul3A_6 = arith.muli %arg0, %mul3A : i32
      %add3A = arith.addi %mul3A_6, %scan3A_5 : i32
      %mul3A_7 = arith.constant 10240 : i32
      %mul3A_8 = arith.muli %add3A, %mul3A_7 : i32
      %scan3A_9 = arith.constant 0 : i32
      %scan3A_10 = arith.constant 0 : i32
      %scan3A_11 = arith.constant 32 : i32
      %scan3A_12 = arith.addi %scan3A_10, %scan3A_11 : i32
      %scan3A_13 = arith.constant 1 : i32
      scf.for %scan3A_38 = %scan3A_10 to %scan3A_12 step %scan3A_13  : i32 {
        %get3A = arith.index_cast %scan3A_38 : i32 to index
        %get3A_39 = arith.constant 0 : index
        %get3A_40 = tpu.vector_load %arg8[%get3A, %get3A_39] {strides = array<i32>} : memref<32x128xi32, #tpu.memory_space<vmem>>, vector<1x16xi32>,
        %get3A_41 = vector.shape_cast %get3A_40 : vector<1x16xi32> to vector<16xi32>
        %add3A_42 = vector.broadcast %mul3A_8 : i32 to vector<16xi32>
        %add3A_43 = arith.addi %get3A_41, %add3A_42 : vector<16xi32>
        %swap3A = arith.index_cast %scan3A_38 : i32 to index
        %swap3A_44 = arith.constant 0 : index
        %swap3A_45 = tpu.vector_load %arg9[%swap3A, %swap3A_44] {strides = array<i32>} : memref<32x128xi32, #tpu.memory_space<vmem>>, vector<1x16xi32>,
        %swap3A_46 = vector.shape_cast %swap3A_45 : vector<1x16xi32> to vector<16xi32>
        %swap3A_47 = vector.shape_cast %add3A_43 : vector<16xi32> to vector<1x16xi32>
        tpu.vector_store %arg9[%swap3A, %swap3A_44], %swap3A_47 {strides = array<i32>} : memref<32x128xi32, #tpu.memory_space<vmem>>, vector<1x16xi32>,
        %get3A_48 = arith.index_cast %scan3A_38 : i32 to index
        %get3A_49 = arith.constant 16 : index
        %get3A_50 = tpu.vector_load %arg8[%get3A_48, %get3A_49] {strides = array<i32>} : memref<32x128xi32, #tpu.memory_space<vmem>>, vector<1x16xi32>,
        %get3A_51 = vector.shape_cast %get3A_50 : vector<1x16xi32> to vector<16xi32>
        %add3A_52 = vector.broadcast %mul3A_8 : i32 to vector<16xi32>
        %add3A_53 = arith.addi %get3A_51, %add3A_52 : vector<16xi32>
        %swap3A_54 = arith.index_cast %scan3A_38 : i32 to index
        %swap3A_55 = arith.constant 16 : index
        %swap3A_56 = tpu.vector_load %arg9[%swap3A_54, %swap3A_55] {strides = array<i32>} : memref<32x128xi32, #tpu.memory_space<vmem>>, vector<1x16xi32>,
        %swap3A_57 = vector.shape_cast %swap3A_56 : vector<1x16xi32> to vector<16xi32>
        %swap3A_58 = vector.shape_cast %add3A_53 : vector<16xi32> to vector<1x16xi32>
        tpu.vector_store %arg9[%swap3A_54, %swap3A_55], %swap3A_58 {strides = array<i32>} : memref<32x128xi32, #tpu.memory_space<vmem>>, vector<1x16xi32>,
        %get3A_59 = arith.index_cast %scan3A_38 : i32 to index
        %get3A_60 = arith.constant 32 : index
        %get3A_61 = tpu.vector_load %arg8[%get3A_59, %get3A_60] {strides = array<i32>} : memref<32x128xi32, #tpu.memory_space<vmem>>, vector<1x16xi32>,
        %get3A_62 = vector.shape_cast %get3A_61 : vector<1x16xi32> to vector<16xi32>
        %add3A_63 = vector.broadcast %mul3A_8 : i32 to vector<16xi32>
        %add3A_64 = arith.addi %get3A_62, %add3A_63 : vector<16xi32>
        %swap3A_65 = arith.index_cast %scan3A_38 : i32 to index
        %swap3A_66 = arith.constant 32 : index
        %swap3A_67 = tpu.vector_load %arg9[%swap3A_65, %swap3A_66] {strides = array<i32>} : memref<32x128xi32, #tpu.memory_space<vmem>>, vector<1x16xi32>,
        %swap3A_68 = vector.shape_cast %swap3A_67 : vector<1x16xi32> to vector<16xi32>
        %swap3A_69 = vector.shape_cast %add3A_64 : vector<16xi32> to vector<1x16xi32>
        tpu.vector_store %arg9[%swap3A_65, %swap3A_66], %swap3A_69 {strides = array<i32>} : memref<32x128xi32, #tpu.memory_space<vmem>>, vector<1x16xi32>,
        %get3A_70 = arith.index_cast %scan3A_38 : i32 to index
        %get3A_71 = arith.constant 48 : index
        %get3A_72 = tpu.vector_load %arg8[%get3A_70, %get3A_71] {strides = array<i32>} : memref<32x128xi32, #tpu.memory_space<vmem>>, vector<1x16xi32>,
        %get3A_73 = vector.shape_cast %get3A_72 : vector<1x16xi32> to vector<16xi32>
        %add3A_74 = vector.broadcast %mul3A_8 : i32 to vector<16xi32>
        %add3A_75 = arith.addi %get3A_73, %add3A_74 : vector<16xi32>
        %swap3A_76 = arith.index_cast %scan3A_38 : i32 to index
        %swap3A_77 = arith.constant 48 : index
        %swap3A_78 = tpu.vector_load %arg9[%swap3A_76, %swap3A_77] {strides = array<i32>} : memref<32x128xi32, #tpu.memory_space<vmem>>, vector<1x16xi32>,
        %swap3A_79 = vector.shape_cast %swap3A_78 : vector<1x16xi32> to vector<16xi32>
        %swap3A_80 = vector.shape_cast %add3A_75 : vector<16xi32> to vector<1x16xi32>
        tpu.vector_store %arg9[%swap3A_76, %swap3A_77], %swap3A_80 {strides = array<i32>} : memref<32x128xi32, #tpu.memory_space<vmem>>, vector<1x16xi32>,
        %get3A_81 = arith.index_cast %scan3A_38 : i32 to index
        %get3A_82 = arith.constant 64 : index
        %get3A_83 = tpu.vector_load %arg8[%get3A_81, %get3A_82] {strides = array<i32>} : memref<32x128xi32, #tpu.memory_space<vmem>>, vector<1x16xi32>,
        %get3A_84 = vector.shape_cast %get3A_83 : vector<1x16xi32> to vector<16xi32>
        %add3A_85 = vector.broadcast %mul3A_8 : i32 to vector<16xi32>
        %add3A_86 = arith.addi %get3A_84, %add3A_85 : vector<16xi32>
        %swap3A_87 = arith.index_cast %scan3A_38 : i32 to index
        %swap3A_88 = arith.constant 64 : index
        %swap3A_89 = tpu.vector_load %arg9[%swap3A_87, %swap3A_88] {strides = array<i32>} : memref<32x128xi32, #tpu.memory_space<vmem>>, vector<1x16xi32>,
        %swap3A_90 = vector.shape_cast %swap3A_89 : vector<1x16xi32> to vector<16xi32>
        %swap3A_91 = vector.shape_cast %add3A_86 : vector<16xi32> to vector<1x16xi32>
        tpu.vector_store %arg9[%swap3A_87, %swap3A_88], %swap3A_91 {strides = array<i32>} : memref<32x128xi32, #tpu.memory_space<vmem>>, vector<1x16xi32>,
        %get3A_92 = arith.index_cast %scan3A_38 : i32 to index
        %get3A_93 = arith.constant 80 : index
        %get3A_94 = tpu.vector_load %arg8[%get3A_92, %get3A_93] {strides = array<i32>} : memref<32x128xi32, #tpu.memory_space<vmem>>, vector<1x16xi32>,
        %get3A_95 = vector.shape_cast %get3A_94 : vector<1x16xi32> to vector<16xi32>
        %add3A_96 = vector.broadcast %mul3A_8 : i32 to vector<16xi32>
        %add3A_97 = arith.addi %get3A_95, %add3A_96 : vector<16xi32>
        %swap3A_98 = arith.index_cast %scan3A_38 : i32 to index
        %swap3A_99 = arith.constant 80 : index
        %swap3A_100 = tpu.vector_load %arg9[%swap3A_98, %swap3A_99] {strides = array<i32>} : memref<32x128xi32, #tpu.memory_space<vmem>>, vector<1x16xi32>,
        %swap3A_101 = vector.shape_cast %swap3A_100 : vector<1x16xi32> to vector<16xi32>
        %swap3A_102 = vector.shape_cast %add3A_97 : vector<16xi32> to vector<1x16xi32>
        tpu.vector_store %arg9[%swap3A_98, %swap3A_99], %swap3A_102 {strides = array<i32>} : memref<32x128xi32, #tpu.memory_space<vmem>>, vector<1x16xi32>,
        %get3A_103 = arith.index_cast %scan3A_38 : i32 to index
        %get3A_104 = arith.constant 96 : index
        %get3A_105 = tpu.vector_load %arg8[%get3A_103, %get3A_104] {strides = array<i32>} : memref<32x128xi32, #tpu.memory_space<vmem>>, vector<1x16xi32>,
        %get3A_106 = vector.shape_cast %get3A_105 : vector<1x16xi32> to vector<16xi32>
        %add3A_107 = vector.broadcast %mul3A_8 : i32 to vector<16xi32>
        %add3A_108 = arith.addi %get3A_106, %add3A_107 : vector<16xi32>
        %swap3A_109 = arith.index_cast %scan3A_38 : i32 to index
        %swap3A_110 = arith.constant 96 : index
        %swap3A_111 = tpu.vector_load %arg9[%swap3A_109, %swap3A_110] {strides = array<i32>} : memref<32x128xi32, #tpu.memory_space<vmem>>, vector<1x16xi32>,
        %swap3A_112 = vector.shape_cast %swap3A_111 : vector<1x16xi32> to vector<16xi32>
        %swap3A_113 = vector.shape_cast %add3A_108 : vector<16xi32> to vector<1x16xi32>
        tpu.vector_store %arg9[%swap3A_109, %swap3A_110], %swap3A_113 {strides = array<i32>} : memref<32x128xi32, #tpu.memory_space<vmem>>, vector<1x16xi32>,
        %get3A_114 = arith.index_cast %scan3A_38 : i32 to index
        %get3A_115 = arith.constant 112 : index
        %get3A_116 = tpu.vector_load %arg8[%get3A_114, %get3A_115] {strides = array<i32>} : memref<32x128xi32, #tpu.memory_space<vmem>>, vector<1x16xi32>,
        %get3A_117 = vector.shape_cast %get3A_116 : vector<1x16xi32> to vector<16xi32>
        %add3A_118 = vector.broadcast %mul3A_8 : i32 to vector<16xi32>
        %add3A_119 = arith.addi %get3A_117, %add3A_118 : vector<16xi32>
        %swap3A_120 = arith.index_cast %scan3A_38 : i32 to index
        %swap3A_121 = arith.constant 112 : index
        %swap3A_122 = tpu.vector_load %arg9[%swap3A_120, %swap3A_121] {strides = array<i32>} : memref<32x128xi32, #tpu.memory_space<vmem>>, vector<1x16xi32>,
        %swap3A_123 = vector.shape_cast %swap3A_122 : vector<1x16xi32> to vector<16xi32>
        %swap3A_124 = vector.shape_cast %add3A_119 : vector<16xi32> to vector<1x16xi32>
        tpu.vector_store %arg9[%swap3A_120, %swap3A_121], %swap3A_124 {strides = array<i32>} : memref<32x128xi32, #tpu.memory_space<vmem>>, vector<1x16xi32>,
      }
      %scan3A_14 = arith.constant 32 : i32
      %mul3A_15 = arith.constant 640 : i32
      %mul3A_16 = arith.muli %arg1, %mul3A_15 : i32
      %add3A_17 = arith.addi %mul3A_8, %mul3A_16 : i32
      %mul3A_18 = arith.constant 640 : i32
      %mul3A_19 = arith.muli %arg1, %mul3A_18 : i32
      "tpu.region"() ({
        %run_scoped3A = tpu.sem_alloc : memref<!tpu.dma_semaphore, #tpu.memory_space<semaphore_mem>>
        %dma_start3A_38 = arith.constant 0 : i32
        %dma_start3A_39 = tpu.memref_slice %arg11[%mul3A_19, %dma_start3A_38] : memref<10240x128xf32, #tpu.memory_space<vmem_shared>> -> memref<640x128xf32, #tpu.memory_space<vmem_shared>>
        %dma_start3A_40 = arith.constant 0 : i32
        %dma_start3A_41 = tpu.memref_slice %arg2[%add3A_17, %dma_start3A_40] : memref<81920x128xf32, #tpu.memory_space<hbm>> -> memref<640x128xf32, #tpu.memory_space<hbm>>
        tpu.enqueue_dma source(%dma_start3A_41 : memref<640x128xf32, #tpu.memory_space<hbm>>) target(%dma_start3A_39 : memref<640x128xf32, #tpu.memory_space<vmem_shared>>) target_semaphore(%run_scoped3A : memref<!tpu.dma_semaphore, #tpu.memory_space<semaphore_mem>>)
        %dma_wait3A = arith.constant 0 : i32
        %dma_wait3A_42 = tpu.memref_slice %arg11[%mul3A_19, %dma_wait3A] : memref<10240x128xf32, #tpu.memory_space<vmem_shared>> -> memref<640x128xf32, #tpu.memory_space<vmem_shared>>
        %dma_wait3A_43 = arith.constant 0 : i32
        %dma_wait3A_44 = tpu.memref_slice %arg2[%add3A_17, %dma_wait3A_43] : memref<81920x128xf32, #tpu.memory_space<hbm>> -> memref<640x128xf32, #tpu.memory_space<hbm>>
        tpu.wait_dma2 semaphore(%run_scoped3A : memref<!tpu.dma_semaphore, #tpu.memory_space<semaphore_mem>>) src(%dma_wait3A_44 : memref<640x128xf32, #tpu.memory_space<hbm>>) dst(%dma_wait3A_42 : memref<640x128xf32, #tpu.memory_space<vmem_shared>>)
        tpu.yield
      }) : () -> ()
      %barrier3A = arith.constant 0 : index
      tpu.barrier barrier_id(%barrier3A)
      %dma_start3A = arith.constant 0 : i32
      %dma_start3A_20 = arith.constant 0 : i32
      %dma_start3A_21 = tpu.memref_slice %arg9[%dma_start3A, %dma_start3A_20] : memref<32x128xi32, #tpu.memory_space<vmem>> -> memref<1x128xi32, #tpu.memory_space<vmem>>
      %dma_start3A_22 = tpu.memref_squeeze %dma_start3A_21 : memref<1x128xi32, #tpu.memory_space<vmem>> -> memref<128xi32, #tpu.memory_space<vmem>>
      %dma_start3A_23 = arith.constant 0 : i32
      %dma_start3A_24 = arith.constant 0 : i32
      %dma_start3A_25 = tpu.memref_slice %arg2[%dma_start3A_23, %dma_start3A_24] : memref<81920x128xf32, #tpu.memory_space<hbm>> -> memref<81920x128xf32, #tpu.memory_space<hbm>>
      tpu.enqueue_indirect_dma source(%dma_start3A_25 : memref<81920x128xf32, #tpu.memory_space<hbm>>) target(%arg6 : memref<128x128xf32, #tpu.memory_space<vmem>>) offsets(%dma_start3A_22 : memref<128xi32, #tpu.memory_space<vmem>>) semaphore(%arg12 : memref<!tpu.dma_semaphore, #tpu.memory_space<semaphore_mem>>)
      %scan3A_26 = arith.constant 0 : i32
      %scan3A_27 = arith.constant 0 : i32
      %scan3A_28 = arith.constant 16 : i32
      %scan3A_29 = arith.addi %scan3A_27, %scan3A_28 : i32
      %scan3A_30 = arith.constant 1 : i32
      scf.for %scan3A_38 = %scan3A_27 to %scan3A_29 step %scan3A_30  : i32 {
        %mul3A_39 = arith.constant 2 : i32
        %mul3A_40 = arith.muli %mul3A_39, %scan3A_38 : i32
        %add3A_41 = arith.constant 1 : i32
        %add3A_42 = arith.addi %mul3A_40, %add3A_41 : i32
        %dma_start3A_43 = arith.constant 0 : i32
        %dma_start3A_44 = tpu.memref_slice %arg9[%add3A_42, %dma_start3A_43] : memref<32x128xi32, #tpu.memory_space<vmem>> -> memref<1x128xi32, #tpu.memory_space<vmem>>
        %dma_start3A_45 = tpu.memref_squeeze %dma_start3A_44 : memref<1x128xi32, #tpu.memory_space<vmem>> -> memref<128xi32, #tpu.memory_space<vmem>>
        %dma_start3A_46 = arith.constant 0 : i32
        %dma_start3A_47 = arith.constant 0 : i32
        %dma_start3A_48 = tpu.memref_slice %arg2[%dma_start3A_46, %dma_start3A_47] : memref<81920x128xf32, #tpu.memory_space<hbm>> -> memref<81920x128xf32, #tpu.memory_space<hbm>>
        tpu.enqueue_indirect_dma source(%dma_start3A_48 : memref<81920x128xf32, #tpu.memory_space<hbm>>) target(%arg7 : memref<128x128xf32, #tpu.memory_space<vmem>>) offsets(%dma_start3A_45 : memref<128xi32, #tpu.memory_space<vmem>>) semaphore(%arg13 : memref<!tpu.dma_semaphore, #tpu.memory_space<semaphore_mem>>)
        %dma_wait3A = arith.constant 0 : i32
        %dma_wait3A_49 = tpu.memref_slice %arg9[%mul3A_40, %dma_wait3A] : memref<32x128xi32, #tpu.memory_space<vmem>> -> memref<1x128xi32, #tpu.memory_space<vmem>>
        %dma_wait3A_50 = tpu.memref_squeeze %dma_wait3A_49 : memref<1x128xi32, #tpu.memory_space<vmem>> -> memref<128xi32, #tpu.memory_space<vmem>>
        %dma_wait3A_51 = arith.constant 0 : i32
        %dma_wait3A_52 = arith.constant 0 : i32
        %dma_wait3A_53 = tpu.memref_slice %arg2[%dma_wait3A_51, %dma_wait3A_52] : memref<81920x128xf32, #tpu.memory_space<hbm>> -> memref<81920x128xf32, #tpu.memory_space<hbm>>
        tpu.wait_indirect_dma semaphore(%arg12 : memref<!tpu.dma_semaphore, #tpu.memory_space<semaphore_mem>>) src(%dma_wait3A_53 : memref<81920x128xf32, #tpu.memory_space<hbm>>) dst(%arg6 : memref<128x128xf32, #tpu.memory_space<vmem>>)
        "tpu.region"() ({
          %run_scoped3A = tpu.sem_alloc : memref<!tpu.dma_semaphore, #tpu.memory_space<semaphore_mem>>
          %dma_start3A_68 = arith.constant 0 : i32
          %dma_start3A_69 = tpu.memref_slice %arg10[%mul3A_40, %dma_start3A_68] : memref<32x128xi32, #tpu.memory_space<vmem>> -> memref<1x128xi32, #tpu.memory_space<vmem>>
          %dma_start3A_70 = tpu.memref_squeeze %dma_start3A_69 : memref<1x128xi32, #tpu.memory_space<vmem>> -> memref<128xi32, #tpu.memory_space<vmem>>
          %dma_start3A_71 = arith.constant 0 : i32
          %dma_start3A_72 = arith.constant 0 : i32
          %dma_start3A_73 = tpu.memref_slice %arg11[%dma_start3A_71, %dma_start3A_72] : memref<10240x128xf32, #tpu.memory_space<vmem_shared>> -> memref<10240x128xf32, #tpu.memory_space<vmem_shared>>
          tpu.enqueue_indirect_dma source(%arg6 : memref<128x128xf32, #tpu.memory_space<vmem>>) target(%dma_start3A_73 : memref<10240x128xf32, #tpu.memory_space<vmem_shared>>) offsets(%dma_start3A_70 : memref<128xi32, #tpu.memory_space<vmem>>) semaphore(%run_scoped3A : memref<!tpu.dma_semaphore, #tpu.memory_space<semaphore_mem>>) {add = true}
          %dma_wait3A_74 = arith.constant 0 : i32
          %dma_wait3A_75 = tpu.memref_slice %arg10[%mul3A_40, %dma_wait3A_74] : memref<32x128xi32, #tpu.memory_space<vmem>> -> memref<1x128xi32, #tpu.memory_space<vmem>>
          %dma_wait3A_76 = tpu.memref_squeeze %dma_wait3A_75 : memref<1x128xi32, #tpu.memory_space<vmem>> -> memref<128xi32, #tpu.memory_space<vmem>>
          %dma_wait3A_77 = arith.constant 0 : i32
          %dma_wait3A_78 = arith.constant 0 : i32
          %dma_wait3A_79 = tpu.memref_slice %arg11[%dma_wait3A_77, %dma_wait3A_78] : memref<10240x128xf32, #tpu.memory_space<vmem_shared>> -> memref<10240x128xf32, #tpu.memory_space<vmem_shared>>
          tpu.wait_indirect_dma semaphore(%run_scoped3A : memref<!tpu.dma_semaphore, #tpu.memory_space<semaphore_mem>>) src(%arg6 : memref<128x128xf32, #tpu.memory_space<vmem>>) dst(%dma_wait3A_79 : memref<10240x128xf32, #tpu.memory_space<vmem_shared>>)
          tpu.yield
        }) : () -> ()
        %add3A_54 = arith.constant 1 : i32
        %add3A_55 = arith.addi %scan3A_38, %add3A_54 : i32
        %lt3A = arith.constant 16 : i32
        %lt3A_56 = arith.cmpi slt, %add3A_55, %lt3A : i32
        %convert_element_type3A = arith.extui %lt3A_56 : i1 to i32
        %cond3A = arith.constant 0 : i32
        %cond3A_57 = arith.cmpi ne, %convert_element_type3A, %cond3A : i32
        scf.if %cond3A_57 {
          %add3A_68 = arith.constant 2 : i32
          %add3A_69 = arith.addi %mul3A_40, %add3A_68 : i32
          %dma_start3A_70 = arith.constant 0 : i32
          %dma_start3A_71 = tpu.memref_slice %arg9[%add3A_69, %dma_start3A_70] : memref<32x128xi32, #tpu.memory_space<vmem>> -> memref<1x128xi32, #tpu.memory_space<vmem>>
          %dma_start3A_72 = tpu.memref_squeeze %dma_start3A_71 : memref<1x128xi32, #tpu.memory_space<vmem>> -> memref<128xi32, #tpu.memory_space<vmem>>
          %dma_start3A_73 = arith.constant 0 : i32
          %dma_start3A_74 = arith.constant 0 : i32
          %dma_start3A_75 = tpu.memref_slice %arg2[%dma_start3A_73, %dma_start3A_74] : memref<81920x128xf32, #tpu.memory_space<hbm>> -> memref<81920x128xf32, #tpu.memory_space<hbm>>
          tpu.enqueue_indirect_dma source(%dma_start3A_75 : memref<81920x128xf32, #tpu.memory_space<hbm>>) target(%arg6 : memref<128x128xf32, #tpu.memory_space<vmem>>) offsets(%dma_start3A_72 : memref<128xi32, #tpu.memory_space<vmem>>) semaphore(%arg12 : memref<!tpu.dma_semaphore, #tpu.memory_space<semaphore_mem>>)
        } else {
        }
        %add3A_58 = arith.constant 1 : i32
        %add3A_59 = arith.addi %mul3A_40, %add3A_58 : i32
        %dma_wait3A_60 = arith.constant 0 : i32
        %dma_wait3A_61 = tpu.memref_slice %arg9[%add3A_59, %dma_wait3A_60] : memref<32x128xi32, #tpu.memory_space<vmem>> -> memref<1x128xi32, #tpu.memory_space<vmem>>
        %dma_wait3A_62 = tpu.memref_squeeze %dma_wait3A_61 : memref<1x128xi32, #tpu.memory_space<vmem>> -> memref<128xi32, #tpu.memory_space<vmem>>
        %dma_wait3A_63 = arith.constant 0 : i32
        %dma_wait3A_64 = arith.constant 0 : i32
        %dma_wait3A_65 = tpu.memref_slice %arg2[%dma_wait3A_63, %dma_wait3A_64] : memref<81920x128xf32, #tpu.memory_space<hbm>> -> memref<81920x128xf32, #tpu.memory_space<hbm>>
        tpu.wait_indirect_dma semaphore(%arg13 : memref<!tpu.dma_semaphore, #tpu.memory_space<semaphore_mem>>) src(%dma_wait3A_65 : memref<81920x128xf32, #tpu.memory_space<hbm>>) dst(%arg7 : memref<128x128xf32, #tpu.memory_space<vmem>>)
        %add3A_66 = arith.constant 1 : i32
        %add3A_67 = arith.addi %mul3A_40, %add3A_66 : i32
        "tpu.region"() ({
          %run_scoped3A = tpu.sem_alloc : memref<!tpu.dma_semaphore, #tpu.memory_space<semaphore_mem>>
          %dma_start3A_68 = arith.constant 0 : i32
          %dma_start3A_69 = tpu.memref_slice %arg10[%add3A_67, %dma_start3A_68] : memref<32x128xi32, #tpu.memory_space<vmem>> -> memref<1x128xi32, #tpu.memory_space<vmem>>
          %dma_start3A_70 = tpu.memref_squeeze %dma_start3A_69 : memref<1x128xi32, #tpu.memory_space<vmem>> -> memref<128xi32, #tpu.memory_space<vmem>>
          %dma_start3A_71 = arith.constant 0 : i32
          %dma_start3A_72 = arith.constant 0 : i32
          %dma_start3A_73 = tpu.memref_slice %arg11[%dma_start3A_71, %dma_start3A_72] : memref<10240x128xf32, #tpu.memory_space<vmem_shared>> -> memref<10240x128xf32, #tpu.memory_space<vmem_shared>>
          tpu.enqueue_indirect_dma source(%arg7 : memref<128x128xf32, #tpu.memory_space<vmem>>) target(%dma_start3A_73 : memref<10240x128xf32, #tpu.memory_space<vmem_shared>>) offsets(%dma_start3A_70 : memref<128xi32, #tpu.memory_space<vmem>>) semaphore(%run_scoped3A : memref<!tpu.dma_semaphore, #tpu.memory_space<semaphore_mem>>) {add = true}
          %dma_wait3A_74 = arith.constant 0 : i32
          %dma_wait3A_75 = tpu.memref_slice %arg10[%add3A_67, %dma_wait3A_74] : memref<32x128xi32, #tpu.memory_space<vmem>> -> memref<1x128xi32, #tpu.memory_space<vmem>>
          %dma_wait3A_76 = tpu.memref_squeeze %dma_wait3A_75 : memref<1x128xi32, #tpu.memory_space<vmem>> -> memref<128xi32, #tpu.memory_space<vmem>>
          %dma_wait3A_77 = arith.constant 0 : i32
          %dma_wait3A_78 = arith.constant 0 : i32
          %dma_wait3A_79 = tpu.memref_slice %arg11[%dma_wait3A_77, %dma_wait3A_78] : memref<10240x128xf32, #tpu.memory_space<vmem_shared>> -> memref<10240x128xf32, #tpu.memory_space<vmem_shared>>
          tpu.wait_indirect_dma semaphore(%run_scoped3A : memref<!tpu.dma_semaphore, #tpu.memory_space<semaphore_mem>>) src(%arg7 : memref<128x128xf32, #tpu.memory_space<vmem>>) dst(%dma_wait3A_79 : memref<10240x128xf32, #tpu.memory_space<vmem_shared>>)
          tpu.yield
        }) : () -> ()
      }
      %scan3A_31 = arith.constant 16 : i32
      %barrier3A_32 = arith.constant 0 : index
      tpu.barrier barrier_id(%barrier3A_32)
      %mul3A_33 = arith.constant 640 : i32
      %mul3A_34 = arith.muli %arg1, %mul3A_33 : i32
      %mul3A_35 = arith.constant 640 : i32
      %mul3A_36 = arith.muli %arg1, %mul3A_35 : i32
      "tpu.region"() ({
        %run_scoped3A = tpu.sem_alloc : memref<!tpu.dma_semaphore, #tpu.memory_space<semaphore_mem>>
        %dma_start3A_38 = arith.constant 0 : i32
        %dma_start3A_39 = tpu.memref_slice %arg5[%add3A, %mul3A_36, %dma_start3A_38] : memref<8x10240x128xf32, #tpu.memory_space<hbm>> -> memref<1x640x128xf32, #tpu.memory_space<hbm>>
        %dma_start3A_40 = tpu.memref_squeeze %dma_start3A_39 : memref<1x640x128xf32, #tpu.memory_space<hbm>> -> memref<640x128xf32, #tpu.memory_space<hbm>>
        %dma_start3A_41 = arith.constant 0 : i32
        %dma_start3A_42 = tpu.memref_slice %arg11[%mul3A_34, %dma_start3A_41] : memref<10240x128xf32, #tpu.memory_space<vmem_shared>> -> memref<640x128xf32, #tpu.memory_space<vmem_shared>>
        tpu.enqueue_dma source(%dma_start3A_42 : memref<640x128xf32, #tpu.memory_space<vmem_shared>>) target(%dma_start3A_40 : memref<640x128xf32, #tpu.memory_space<hbm>>) target_semaphore(%run_scoped3A : memref<!tpu.dma_semaphore, #tpu.memory_space<semaphore_mem>>)
        %dma_wait3A = arith.constant 0 : i32
        %dma_wait3A_43 = tpu.memref_slice %arg5[%add3A, %mul3A_36, %dma_wait3A] : memref<8x10240x128xf32, #tpu.memory_space<hbm>> -> memref<1x640x128xf32, #tpu.memory_space<hbm>>
        %dma_wait3A_44 = tpu.memref_squeeze %dma_wait3A_43 : memref<1x640x128xf32, #tpu.memory_space<hbm>> -> memref<640x128xf32, #tpu.memory_space<hbm>>
        %dma_wait3A_45 = arith.constant 0 : i32
        %dma_wait3A_46 = tpu.memref_slice %arg11[%mul3A_34, %dma_wait3A_45] : memref<10240x128xf32, #tpu.memory_space<vmem_shared>> -> memref<640x128xf32, #tpu.memory_space<vmem_shared>>
        tpu.wait_dma2 semaphore(%run_scoped3A : memref<!tpu.dma_semaphore, #tpu.memory_space<semaphore_mem>>) src(%dma_wait3A_46 : memref<640x128xf32, #tpu.memory_space<vmem_shared>>) dst(%dma_wait3A_44 : memref<640x128xf32, #tpu.memory_space<hbm>>)
        tpu.yield
      }) : () -> ()
      %barrier3A_37 = arith.constant 0 : index
      tpu.barrier barrier_id(%barrier3A_37)
    }
    %scan3A_4 = arith.constant 4 : i32
    return
  }
}

module attributes {stable_mosaic.version = 14 : i64} {
  func.func @_pre_body(%arg0: i32, %arg1: memref<2x1000x128xf32, #tpu.memory_space<vmem>>, %arg2: memref<1000x1xf32, #tpu.memory_space<vmem>>) attributes {dimension_semantics = [#tpu.dimension_semantics<arbitrary>], iteration_bounds = array<i64: 10>, scalar_prefetch = 0 : i64, scratch_operands = 0 : i64, tpu.core_type = #tpu.core_type<tc>, window_params = [{transform_indices = @transform_0, window_bounds = array<i64: 2, 1000, 128>}, {transform_indices = @transform_1, window_bounds = array<i64: 1000, 1>}]} {
    %get3A = arith.constant 0 : index
    %get3A_0 = arith.constant 0 : index
    %get3A_1 = arith.constant 0 : index
    %get3A_2 = vector.load %arg1[%get3A, %get3A_0, %get3A_1] : memref<2x1000x128xf32, #tpu.memory_space<vmem>>, vector<1x1000x1xf32>
    %get3A_3 = vector.shape_cast %get3A_2 : vector<1x1000x1xf32> to vector<1000x1xf32>
    %get3A_4 = arith.constant 1 : index
    %get3A_5 = arith.constant 0 : index
    %get3A_6 = arith.constant 0 : index
    %get3A_7 = vector.load %arg1[%get3A_4, %get3A_5, %get3A_6] : memref<2x1000x128xf32, #tpu.memory_space<vmem>>, vector<1x1000x1xf32>
    %get3A_8 = vector.shape_cast %get3A_7 : vector<1x1000x1xf32> to vector<1000x1xf32>
    %add3A = arith.addf %get3A_3, %get3A_8 : vector<1000x1xf32>
    %add3A_9 = arith.constant 1.000000e+00 : f32
    %add3A_10 = vector.broadcast %add3A_9 : f32 to vector<1000x1xf32>
    %add3A_11 = arith.addf %add3A, %add3A_10 : vector<1000x1xf32>
    %rsqrt3A = math.rsqrt %add3A_11 : vector<1000x1xf32>
    %swap3A = arith.constant 0 : index
    %swap3A_12 = arith.constant 0 : index
    %swap3A_13 = vector.load %arg2[%swap3A, %swap3A_12] : memref<1000x1xf32, #tpu.memory_space<vmem>>, vector<1000x1xf32>
    tpu.vector_store %arg2[%swap3A, %swap3A_12], %rsqrt3A {strides = array<i32>} : memref<1000x1xf32, #tpu.memory_space<vmem>>, vector<1000x1xf32>,
    return
  }
  func.func @transform_0(%arg0: i32) -> (i32, i32, i32) {
    %c0_i32 = arith.constant 0 : i32
    %c0_i32_0 = arith.constant 0 : i32
    %c0_i32_1 = arith.constant 0 : i32
    return %c0_i32, %arg0, %c0_i32_0 : i32, i32, i32
  }
  func.func @transform_1(%arg0: i32) -> (i32, i32) {
    %c0_i32 = arith.constant 0 : i32
    %c0_i32_0 = arith.constant 0 : i32
    return %arg0, %c0_i32 : i32, i32
  }
}

module attributes {stable_mosaic.version = 14 : i64} {
  func.func @_mm_body(%arg0: i32, %arg1: memref<1000x1024xf32, #tpu.memory_space<vmem>>, %arg2: memref<1000x1xf32, #tpu.memory_space<vmem>>, %arg3: memref<1024x1024xf32, #tpu.memory_space<vmem>>, %arg4: memref<8x1000x128xf32, #tpu.memory_space<vmem>>) attributes {dimension_semantics = [#tpu.dimension_semantics<arbitrary>], iteration_bounds = array<i64: 10>, scalar_prefetch = 0 : i64, scratch_operands = 0 : i64, tpu.core_type = #tpu.core_type<tc>, window_params = [{transform_indices = @transform_0, window_bounds = array<i64: 1000, 1024>}, {transform_indices = @transform_1, window_bounds = array<i64: 1000, 1>}, {pipeline_mode = #tpu.pipeline_mode<synchronous>, transform_indices = @transform_2, window_bounds = array<i64: 1024, 1024>}, {transform_indices = @transform_3, window_bounds = array<i64: 8, 1000, 128>}]} {
    %get3A = arith.constant 0 : index
    %get3A_0 = arith.constant 0 : index
    %get3A_1 = vector.load %arg1[%get3A, %get3A_0] : memref<1000x1024xf32, #tpu.memory_space<vmem>>, vector<1000x1024xf32>
    %get3A_2 = arith.constant 0 : index
    %get3A_3 = arith.constant 0 : index
    %get3A_4 = vector.load %arg2[%get3A_2, %get3A_3] : memref<1000x1xf32, #tpu.memory_space<vmem>>, vector<1000x1xf32>
    %mul3A = vector.broadcast %get3A_4 : vector<1000x1xf32> to vector<1000x1024xf32>
    %mul3A_5 = arith.mulf %get3A_1, %mul3A : vector<1000x1024xf32>
    %get3A_6 = arith.constant 0 : index
    %get3A_7 = arith.constant 0 : index
    %get3A_8 = vector.load %arg3[%get3A_6, %get3A_7] : memref<1024x1024xf32, #tpu.memory_space<vmem>>, vector<1024x1024xf32>
    %dot_general3A = arith.constant dense<0.000000e+00> : vector<1000x1024xf32>
    %dot_general3A_9 = tpu.matmul %mul3A_5, %get3A_8, %dot_general3A {dimension_numbers = #tpu.dot_dimension_numbers<[1], [0], [0], [1], [0, 0, 1, 1], [], []>, transpose_lhs_hint = false} : vector<1000x1024xf32>, vector<1024x1024xf32>, vector<1000x1024xf32> -> vector<1000x1024xf32>
    %slice3A = vector.extract_strided_slice %dot_general3A_9 {offsets = [0, 0], sizes = [1000, 128], strides = [1, 1]} : vector<1000x1024xf32> to vector<1000x128xf32>
    %swap3A = arith.constant 0 : index
    %swap3A_10 = arith.constant 0 : index
    %swap3A_11 = arith.constant 0 : index
    %swap3A_12 = vector.load %arg4[%swap3A, %swap3A_10, %swap3A_11] : memref<8x1000x128xf32, #tpu.memory_space<vmem>>, vector<1x1000x128xf32>
    %swap3A_13 = vector.shape_cast %swap3A_12 : vector<1x1000x128xf32> to vector<1000x128xf32>
    %swap3A_14 = vector.shape_cast %slice3A : vector<1000x128xf32> to vector<1x1000x128xf32>
    tpu.vector_store %arg4[%swap3A, %swap3A_10, %swap3A_11], %swap3A_14 {strides = array<i32>} : memref<8x1000x128xf32, #tpu.memory_space<vmem>>, vector<1x1000x128xf32>,
    %slice3A_15 = vector.extract_strided_slice %dot_general3A_9 {offsets = [0, 128], sizes = [1000, 128], strides = [1, 1]} : vector<1000x1024xf32> to vector<1000x128xf32>
    %swap3A_16 = arith.constant 1 : index
    %swap3A_17 = arith.constant 0 : index
    %swap3A_18 = arith.constant 0 : index
    %swap3A_19 = vector.load %arg4[%swap3A_16, %swap3A_17, %swap3A_18] : memref<8x1000x128xf32, #tpu.memory_space<vmem>>, vector<1x1000x128xf32>
    %swap3A_20 = vector.shape_cast %swap3A_19 : vector<1x1000x128xf32> to vector<1000x128xf32>
    %swap3A_21 = vector.shape_cast %slice3A_15 : vector<1000x128xf32> to vector<1x1000x128xf32>
    tpu.vector_store %arg4[%swap3A_16, %swap3A_17, %swap3A_18], %swap3A_21 {strides = array<i32>} : memref<8x1000x128xf32, #tpu.memory_space<vmem>>, vector<1x1000x128xf32>,
    %slice3A_22 = vector.extract_strided_slice %dot_general3A_9 {offsets = [0, 256], sizes = [1000, 128], strides = [1, 1]} : vector<1000x1024xf32> to vector<1000x128xf32>
    %swap3A_23 = arith.constant 2 : index
    %swap3A_24 = arith.constant 0 : index
    %swap3A_25 = arith.constant 0 : index
    %swap3A_26 = vector.load %arg4[%swap3A_23, %swap3A_24, %swap3A_25] : memref<8x1000x128xf32, #tpu.memory_space<vmem>>, vector<1x1000x128xf32>
    %swap3A_27 = vector.shape_cast %swap3A_26 : vector<1x1000x128xf32> to vector<1000x128xf32>
    %swap3A_28 = vector.shape_cast %slice3A_22 : vector<1000x128xf32> to vector<1x1000x128xf32>
    tpu.vector_store %arg4[%swap3A_23, %swap3A_24, %swap3A_25], %swap3A_28 {strides = array<i32>} : memref<8x1000x128xf32, #tpu.memory_space<vmem>>, vector<1x1000x128xf32>,
    %slice3A_29 = vector.extract_strided_slice %dot_general3A_9 {offsets = [0, 384], sizes = [1000, 128], strides = [1, 1]} : vector<1000x1024xf32> to vector<1000x128xf32>
    %swap3A_30 = arith.constant 3 : index
    %swap3A_31 = arith.constant 0 : index
    %swap3A_32 = arith.constant 0 : index
    %swap3A_33 = vector.load %arg4[%swap3A_30, %swap3A_31, %swap3A_32] : memref<8x1000x128xf32, #tpu.memory_space<vmem>>, vector<1x1000x128xf32>
    %swap3A_34 = vector.shape_cast %swap3A_33 : vector<1x1000x128xf32> to vector<1000x128xf32>
    %swap3A_35 = vector.shape_cast %slice3A_29 : vector<1000x128xf32> to vector<1x1000x128xf32>
    tpu.vector_store %arg4[%swap3A_30, %swap3A_31, %swap3A_32], %swap3A_35 {strides = array<i32>} : memref<8x1000x128xf32, #tpu.memory_space<vmem>>, vector<1x1000x128xf32>,
    %slice3A_36 = vector.extract_strided_slice %dot_general3A_9 {offsets = [0, 512], sizes = [1000, 128], strides = [1, 1]} : vector<1000x1024xf32> to vector<1000x128xf32>
    %swap3A_37 = arith.constant 4 : index
    %swap3A_38 = arith.constant 0 : index
    %swap3A_39 = arith.constant 0 : index
    %swap3A_40 = vector.load %arg4[%swap3A_37, %swap3A_38, %swap3A_39] : memref<8x1000x128xf32, #tpu.memory_space<vmem>>, vector<1x1000x128xf32>
    %swap3A_41 = vector.shape_cast %swap3A_40 : vector<1x1000x128xf32> to vector<1000x128xf32>
    %swap3A_42 = vector.shape_cast %slice3A_36 : vector<1000x128xf32> to vector<1x1000x128xf32>
    tpu.vector_store %arg4[%swap3A_37, %swap3A_38, %swap3A_39], %swap3A_42 {strides = array<i32>} : memref<8x1000x128xf32, #tpu.memory_space<vmem>>, vector<1x1000x128xf32>,
    %slice3A_43 = vector.extract_strided_slice %dot_general3A_9 {offsets = [0, 640], sizes = [1000, 128], strides = [1, 1]} : vector<1000x1024xf32> to vector<1000x128xf32>
    %swap3A_44 = arith.constant 5 : index
    %swap3A_45 = arith.constant 0 : index
    %swap3A_46 = arith.constant 0 : index
    %swap3A_47 = vector.load %arg4[%swap3A_44, %swap3A_45, %swap3A_46] : memref<8x1000x128xf32, #tpu.memory_space<vmem>>, vector<1x1000x128xf32>
    %swap3A_48 = vector.shape_cast %swap3A_47 : vector<1x1000x128xf32> to vector<1000x128xf32>
    %swap3A_49 = vector.shape_cast %slice3A_43 : vector<1000x128xf32> to vector<1x1000x128xf32>
    tpu.vector_store %arg4[%swap3A_44, %swap3A_45, %swap3A_46], %swap3A_49 {strides = array<i32>} : memref<8x1000x128xf32, #tpu.memory_space<vmem>>, vector<1x1000x128xf32>,
    %slice3A_50 = vector.extract_strided_slice %dot_general3A_9 {offsets = [0, 768], sizes = [1000, 128], strides = [1, 1]} : vector<1000x1024xf32> to vector<1000x128xf32>
    %swap3A_51 = arith.constant 6 : index
    %swap3A_52 = arith.constant 0 : index
    %swap3A_53 = arith.constant 0 : index
    %swap3A_54 = vector.load %arg4[%swap3A_51, %swap3A_52, %swap3A_53] : memref<8x1000x128xf32, #tpu.memory_space<vmem>>, vector<1x1000x128xf32>
    %swap3A_55 = vector.shape_cast %swap3A_54 : vector<1x1000x128xf32> to vector<1000x128xf32>
    %swap3A_56 = vector.shape_cast %slice3A_50 : vector<1000x128xf32> to vector<1x1000x128xf32>
    tpu.vector_store %arg4[%swap3A_51, %swap3A_52, %swap3A_53], %swap3A_56 {strides = array<i32>} : memref<8x1000x128xf32, #tpu.memory_space<vmem>>, vector<1x1000x128xf32>,
    %slice3A_57 = vector.extract_strided_slice %dot_general3A_9 {offsets = [0, 896], sizes = [1000, 128], strides = [1, 1]} : vector<1000x1024xf32> to vector<1000x128xf32>
    %swap3A_58 = arith.constant 7 : index
    %swap3A_59 = arith.constant 0 : index
    %swap3A_60 = arith.constant 0 : index
    %swap3A_61 = vector.load %arg4[%swap3A_58, %swap3A_59, %swap3A_60] : memref<8x1000x128xf32, #tpu.memory_space<vmem>>, vector<1x1000x128xf32>
    %swap3A_62 = vector.shape_cast %swap3A_61 : vector<1x1000x128xf32> to vector<1000x128xf32>
    %swap3A_63 = vector.shape_cast %slice3A_57 : vector<1000x128xf32> to vector<1x1000x128xf32>
    tpu.vector_store %arg4[%swap3A_58, %swap3A_59, %swap3A_60], %swap3A_63 {strides = array<i32>} : memref<8x1000x128xf32, #tpu.memory_space<vmem>>, vector<1x1000x128xf32>,
    return
  }
  func.func @transform_0(%arg0: i32) -> (i32, i32) {
    %c0_i32 = arith.constant 0 : i32
    %c0_i32_0 = arith.constant 0 : i32
    return %arg0, %c0_i32 : i32, i32
  }
  func.func @transform_1(%arg0: i32) -> (i32, i32) {
    %c0_i32 = arith.constant 0 : i32
    %c0_i32_0 = arith.constant 0 : i32
    return %arg0, %c0_i32 : i32, i32
  }
  func.func @transform_2(%arg0: i32) -> (i32, i32) {
    %c0_i32 = arith.constant 0 : i32
    %c0_i32_0 = arith.constant 0 : i32
    %c0_i32_1 = arith.constant 0 : i32
    return %c0_i32, %c0_i32_0 : i32, i32
  }
  func.func @transform_3(%arg0: i32) -> (i32, i32, i32) {
    %c0_i32 = arith.constant 0 : i32
    %c0_i32_0 = arith.constant 0 : i32
    %c0_i32_1 = arith.constant 0 : i32
    return %c0_i32, %arg0, %c0_i32_0 : i32, i32, i32
  }
}

module attributes {stable_mosaic.version = 14 : i64} {
  func.func @_ep_body(%arg0: i32, %arg1: memref<1000x1024xf32, #tpu.memory_space<vmem>>, %arg2: memref<8x1000x128xf32, #tpu.memory_space<vmem>>, %arg3: memref<1000x1xf32, #tpu.memory_space<vmem>>, %arg4: memref<8x128xf32, #tpu.memory_space<vmem>>, %arg5: memref<1000x1024xf32, #tpu.memory_space<vmem>>) attributes {dimension_semantics = [#tpu.dimension_semantics<arbitrary>], iteration_bounds = array<i64: 10>, scalar_prefetch = 0 : i64, scratch_operands = 0 : i64, tpu.core_type = #tpu.core_type<tc>, window_params = [{transform_indices = @transform_0, window_bounds = array<i64: 1000, 1024>}, {transform_indices = @transform_1, window_bounds = array<i64: 8, 1000, 128>}, {transform_indices = @transform_2, window_bounds = array<i64: 1000, 1>}, {pipeline_mode = #tpu.pipeline_mode<synchronous>, transform_indices = @transform_3, window_bounds = array<i64: 8, 128>}, {transform_indices = @transform_4, window_bounds = array<i64: 1000, 1024>}]} {
    %get3A = arith.constant 0 : index
    %get3A_0 = arith.constant 0 : index
    %get3A_1 = vector.load %arg3[%get3A, %get3A_0] : memref<1000x1xf32, #tpu.memory_space<vmem>>, vector<1000x1xf32>
    %get3A_2 = arith.constant 0 : index
    %get3A_3 = arith.constant 0 : index
    %get3A_4 = arith.constant 0 : index
    %get3A_5 = vector.load %arg2[%get3A_2, %get3A_3, %get3A_4] : memref<8x1000x128xf32, #tpu.memory_space<vmem>>, vector<1x1000x128xf32>
    %get3A_6 = vector.shape_cast %get3A_5 : vector<1x1000x128xf32> to vector<1000x128xf32>
    %mul3A = vector.broadcast %get3A_1 : vector<1000x1xf32> to vector<1000x128xf32>
    %mul3A_7 = arith.mulf %mul3A, %get3A_6 : vector<1000x128xf32>
    %get3A_8 = arith.constant 0 : index
    %get3A_9 = arith.constant 0 : index
    %get3A_10 = vector.load %arg4[%get3A_8, %get3A_9] : memref<8x128xf32, #tpu.memory_space<vmem>>, vector<1x128xf32>
    %get3A_11 = vector.shape_cast %get3A_10 : vector<1x128xf32> to vector<128xf32>
    %reshape3A = vector.shape_cast %get3A_11 : vector<128xf32> to vector<1x128xf32>
    %add3A = vector.broadcast %reshape3A : vector<1x128xf32> to vector<1000x128xf32>
    %add3A_12 = arith.addf %mul3A_7, %add3A : vector<1000x128xf32>
    %get3A_13 = arith.constant 0 : index
    %get3A_14 = arith.constant 0 : index
    %get3A_15 = vector.load %arg1[%get3A_13, %get3A_14] : memref<1000x1024xf32, #tpu.memory_space<vmem>>, vector<1000x128xf32>
    %add3A_16 = arith.addf %get3A_15, %add3A_12 : vector<1000x128xf32>
    %max3A = arith.constant 0.000000e+00 : f32
    %max3A_17 = vector.broadcast %max3A : f32 to vector<1000x128xf32>
    %max3A_18 = arith.maximumf %add3A_16, %max3A_17 : vector<1000x128xf32>
    %swap3A = arith.constant 0 : index
    %swap3A_19 = arith.constant 0 : index
    %swap3A_20 = vector.load %arg5[%swap3A, %swap3A_19] : memref<1000x1024xf32, #tpu.memory_space<vmem>>, vector<1000x128xf32>
    tpu.vector_store %arg5[%swap3A, %swap3A_19], %max3A_18 {strides = array<i32>} : memref<1000x1024xf32, #tpu.memory_space<vmem>>, vector<1000x128xf32>,
    %get3A_21 = arith.constant 1 : index
    %get3A_22 = arith.constant 0 : index
    %get3A_23 = arith.constant 0 : index
    %get3A_24 = vector.load %arg2[%get3A_21, %get3A_22, %get3A_23] : memref<8x1000x128xf32, #tpu.memory_space<vmem>>, vector<1x1000x128xf32>
    %get3A_25 = vector.shape_cast %get3A_24 : vector<1x1000x128xf32> to vector<1000x128xf32>
    %mul3A_26 = vector.broadcast %get3A_1 : vector<1000x1xf32> to vector<1000x128xf32>
    %mul3A_27 = arith.mulf %mul3A_26, %get3A_25 : vector<1000x128xf32>
    %get3A_28 = arith.constant 1 : index
    %get3A_29 = arith.constant 0 : index
    %get3A_30 = vector.load %arg4[%get3A_28, %get3A_29] : memref<8x128xf32, #tpu.memory_space<vmem>>, vector<1x128xf32>
    %get3A_31 = vector.shape_cast %get3A_30 : vector<1x128xf32> to vector<128xf32>
    %reshape3A_32 = vector.shape_cast %get3A_31 : vector<128xf32> to vector<1x128xf32>
    %add3A_33 = vector.broadcast %reshape3A_32 : vector<1x128xf32> to vector<1000x128xf32>
    %add3A_34 = arith.addf %mul3A_27, %add3A_33 : vector<1000x128xf32>
    %get3A_35 = arith.constant 0 : index
    %get3A_36 = arith.constant 128 : index
    %get3A_37 = vector.load %arg1[%get3A_35, %get3A_36] : memref<1000x1024xf32, #tpu.memory_space<vmem>>, vector<1000x128xf32>
    %add3A_38 = arith.addf %get3A_37, %add3A_34 : vector<1000x128xf32>
    %max3A_39 = arith.constant 0.000000e+00 : f32
    %max3A_40 = vector.broadcast %max3A_39 : f32 to vector<1000x128xf32>
    %max3A_41 = arith.maximumf %add3A_38, %max3A_40 : vector<1000x128xf32>
    %swap3A_42 = arith.constant 0 : index
    %swap3A_43 = arith.constant 128 : index
    %swap3A_44 = vector.load %arg5[%swap3A_42, %swap3A_43] : memref<1000x1024xf32, #tpu.memory_space<vmem>>, vector<1000x128xf32>
    tpu.vector_store %arg5[%swap3A_42, %swap3A_43], %max3A_41 {strides = array<i32>} : memref<1000x1024xf32, #tpu.memory_space<vmem>>, vector<1000x128xf32>,
    %get3A_45 = arith.constant 2 : index
    %get3A_46 = arith.constant 0 : index
    %get3A_47 = arith.constant 0 : index
    %get3A_48 = vector.load %arg2[%get3A_45, %get3A_46, %get3A_47] : memref<8x1000x128xf32, #tpu.memory_space<vmem>>, vector<1x1000x128xf32>
    %get3A_49 = vector.shape_cast %get3A_48 : vector<1x1000x128xf32> to vector<1000x128xf32>
    %mul3A_50 = vector.broadcast %get3A_1 : vector<1000x1xf32> to vector<1000x128xf32>
    %mul3A_51 = arith.mulf %mul3A_50, %get3A_49 : vector<1000x128xf32>
    %get3A_52 = arith.constant 2 : index
    %get3A_53 = arith.constant 0 : index
    %get3A_54 = vector.load %arg4[%get3A_52, %get3A_53] : memref<8x128xf32, #tpu.memory_space<vmem>>, vector<1x128xf32>
    %get3A_55 = vector.shape_cast %get3A_54 : vector<1x128xf32> to vector<128xf32>
    %reshape3A_56 = vector.shape_cast %get3A_55 : vector<128xf32> to vector<1x128xf32>
    %add3A_57 = vector.broadcast %reshape3A_56 : vector<1x128xf32> to vector<1000x128xf32>
    %add3A_58 = arith.addf %mul3A_51, %add3A_57 : vector<1000x128xf32>
    %get3A_59 = arith.constant 0 : index
    %get3A_60 = arith.constant 256 : index
    %get3A_61 = vector.load %arg1[%get3A_59, %get3A_60] : memref<1000x1024xf32, #tpu.memory_space<vmem>>, vector<1000x128xf32>
    %add3A_62 = arith.addf %get3A_61, %add3A_58 : vector<1000x128xf32>
    %max3A_63 = arith.constant 0.000000e+00 : f32
    %max3A_64 = vector.broadcast %max3A_63 : f32 to vector<1000x128xf32>
    %max3A_65 = arith.maximumf %add3A_62, %max3A_64 : vector<1000x128xf32>
    %swap3A_66 = arith.constant 0 : index
    %swap3A_67 = arith.constant 256 : index
    %swap3A_68 = vector.load %arg5[%swap3A_66, %swap3A_67] : memref<1000x1024xf32, #tpu.memory_space<vmem>>, vector<1000x128xf32>
    tpu.vector_store %arg5[%swap3A_66, %swap3A_67], %max3A_65 {strides = array<i32>} : memref<1000x1024xf32, #tpu.memory_space<vmem>>, vector<1000x128xf32>,
    %get3A_69 = arith.constant 3 : index
    %get3A_70 = arith.constant 0 : index
    %get3A_71 = arith.constant 0 : index
    %get3A_72 = vector.load %arg2[%get3A_69, %get3A_70, %get3A_71] : memref<8x1000x128xf32, #tpu.memory_space<vmem>>, vector<1x1000x128xf32>
    %get3A_73 = vector.shape_cast %get3A_72 : vector<1x1000x128xf32> to vector<1000x128xf32>
    %mul3A_74 = vector.broadcast %get3A_1 : vector<1000x1xf32> to vector<1000x128xf32>
    %mul3A_75 = arith.mulf %mul3A_74, %get3A_73 : vector<1000x128xf32>
    %get3A_76 = arith.constant 3 : index
    %get3A_77 = arith.constant 0 : index
    %get3A_78 = vector.load %arg4[%get3A_76, %get3A_77] : memref<8x128xf32, #tpu.memory_space<vmem>>, vector<1x128xf32>
    %get3A_79 = vector.shape_cast %get3A_78 : vector<1x128xf32> to vector<128xf32>
    %reshape3A_80 = vector.shape_cast %get3A_79 : vector<128xf32> to vector<1x128xf32>
    %add3A_81 = vector.broadcast %reshape3A_80 : vector<1x128xf32> to vector<1000x128xf32>
    %add3A_82 = arith.addf %mul3A_75, %add3A_81 : vector<1000x128xf32>
    %get3A_83 = arith.constant 0 : index
    %get3A_84 = arith.constant 384 : index
    %get3A_85 = vector.load %arg1[%get3A_83, %get3A_84] : memref<1000x1024xf32, #tpu.memory_space<vmem>>, vector<1000x128xf32>
    %add3A_86 = arith.addf %get3A_85, %add3A_82 : vector<1000x128xf32>
    %max3A_87 = arith.constant 0.000000e+00 : f32
    %max3A_88 = vector.broadcast %max3A_87 : f32 to vector<1000x128xf32>
    %max3A_89 = arith.maximumf %add3A_86, %max3A_88 : vector<1000x128xf32>
    %swap3A_90 = arith.constant 0 : index
    %swap3A_91 = arith.constant 384 : index
    %swap3A_92 = vector.load %arg5[%swap3A_90, %swap3A_91] : memref<1000x1024xf32, #tpu.memory_space<vmem>>, vector<1000x128xf32>
    tpu.vector_store %arg5[%swap3A_90, %swap3A_91], %max3A_89 {strides = array<i32>} : memref<1000x1024xf32, #tpu.memory_space<vmem>>, vector<1000x128xf32>,
    %get3A_93 = arith.constant 4 : index
    %get3A_94 = arith.constant 0 : index
    %get3A_95 = arith.constant 0 : index
    %get3A_96 = vector.load %arg2[%get3A_93, %get3A_94, %get3A_95] : memref<8x1000x128xf32, #tpu.memory_space<vmem>>, vector<1x1000x128xf32>
    %get3A_97 = vector.shape_cast %get3A_96 : vector<1x1000x128xf32> to vector<1000x128xf32>
    %mul3A_98 = vector.broadcast %get3A_1 : vector<1000x1xf32> to vector<1000x128xf32>
    %mul3A_99 = arith.mulf %mul3A_98, %get3A_97 : vector<1000x128xf32>
    %get3A_100 = arith.constant 4 : index
    %get3A_101 = arith.constant 0 : index
    %get3A_102 = vector.load %arg4[%get3A_100, %get3A_101] : memref<8x128xf32, #tpu.memory_space<vmem>>, vector<1x128xf32>
    %get3A_103 = vector.shape_cast %get3A_102 : vector<1x128xf32> to vector<128xf32>
    %reshape3A_104 = vector.shape_cast %get3A_103 : vector<128xf32> to vector<1x128xf32>
    %add3A_105 = vector.broadcast %reshape3A_104 : vector<1x128xf32> to vector<1000x128xf32>
    %add3A_106 = arith.addf %mul3A_99, %add3A_105 : vector<1000x128xf32>
    %get3A_107 = arith.constant 0 : index
    %get3A_108 = arith.constant 512 : index
    %get3A_109 = vector.load %arg1[%get3A_107, %get3A_108] : memref<1000x1024xf32, #tpu.memory_space<vmem>>, vector<1000x128xf32>
    %add3A_110 = arith.addf %get3A_109, %add3A_106 : vector<1000x128xf32>
    %max3A_111 = arith.constant 0.000000e+00 : f32
    %max3A_112 = vector.broadcast %max3A_111 : f32 to vector<1000x128xf32>
    %max3A_113 = arith.maximumf %add3A_110, %max3A_112 : vector<1000x128xf32>
    %swap3A_114 = arith.constant 0 : index
    %swap3A_115 = arith.constant 512 : index
    %swap3A_116 = vector.load %arg5[%swap3A_114, %swap3A_115] : memref<1000x1024xf32, #tpu.memory_space<vmem>>, vector<1000x128xf32>
    tpu.vector_store %arg5[%swap3A_114, %swap3A_115], %max3A_113 {strides = array<i32>} : memref<1000x1024xf32, #tpu.memory_space<vmem>>, vector<1000x128xf32>,
    %get3A_117 = arith.constant 5 : index
    %get3A_118 = arith.constant 0 : index
    %get3A_119 = arith.constant 0 : index
    %get3A_120 = vector.load %arg2[%get3A_117, %get3A_118, %get3A_119] : memref<8x1000x128xf32, #tpu.memory_space<vmem>>, vector<1x1000x128xf32>
    %get3A_121 = vector.shape_cast %get3A_120 : vector<1x1000x128xf32> to vector<1000x128xf32>
    %mul3A_122 = vector.broadcast %get3A_1 : vector<1000x1xf32> to vector<1000x128xf32>
    %mul3A_123 = arith.mulf %mul3A_122, %get3A_121 : vector<1000x128xf32>
    %get3A_124 = arith.constant 5 : index
    %get3A_125 = arith.constant 0 : index
    %get3A_126 = vector.load %arg4[%get3A_124, %get3A_125] : memref<8x128xf32, #tpu.memory_space<vmem>>, vector<1x128xf32>
    %get3A_127 = vector.shape_cast %get3A_126 : vector<1x128xf32> to vector<128xf32>
    %reshape3A_128 = vector.shape_cast %get3A_127 : vector<128xf32> to vector<1x128xf32>
    %add3A_129 = vector.broadcast %reshape3A_128 : vector<1x128xf32> to vector<1000x128xf32>
    %add3A_130 = arith.addf %mul3A_123, %add3A_129 : vector<1000x128xf32>
    %get3A_131 = arith.constant 0 : index
    %get3A_132 = arith.constant 640 : index
    %get3A_133 = vector.load %arg1[%get3A_131, %get3A_132] : memref<1000x1024xf32, #tpu.memory_space<vmem>>, vector<1000x128xf32>
    %add3A_134 = arith.addf %get3A_133, %add3A_130 : vector<1000x128xf32>
    %max3A_135 = arith.constant 0.000000e+00 : f32
    %max3A_136 = vector.broadcast %max3A_135 : f32 to vector<1000x128xf32>
    %max3A_137 = arith.maximumf %add3A_134, %max3A_136 : vector<1000x128xf32>
    %swap3A_138 = arith.constant 0 : index
    %swap3A_139 = arith.constant 640 : index
    %swap3A_140 = vector.load %arg5[%swap3A_138, %swap3A_139] : memref<1000x1024xf32, #tpu.memory_space<vmem>>, vector<1000x128xf32>
    tpu.vector_store %arg5[%swap3A_138, %swap3A_139], %max3A_137 {strides = array<i32>} : memref<1000x1024xf32, #tpu.memory_space<vmem>>, vector<1000x128xf32>,
    %get3A_141 = arith.constant 6 : index
    %get3A_142 = arith.constant 0 : index
    %get3A_143 = arith.constant 0 : index
    %get3A_144 = vector.load %arg2[%get3A_141, %get3A_142, %get3A_143] : memref<8x1000x128xf32, #tpu.memory_space<vmem>>, vector<1x1000x128xf32>
    %get3A_145 = vector.shape_cast %get3A_144 : vector<1x1000x128xf32> to vector<1000x128xf32>
    %mul3A_146 = vector.broadcast %get3A_1 : vector<1000x1xf32> to vector<1000x128xf32>
    %mul3A_147 = arith.mulf %mul3A_146, %get3A_145 : vector<1000x128xf32>
    %get3A_148 = arith.constant 6 : index
    %get3A_149 = arith.constant 0 : index
    %get3A_150 = vector.load %arg4[%get3A_148, %get3A_149] : memref<8x128xf32, #tpu.memory_space<vmem>>, vector<1x128xf32>
    %get3A_151 = vector.shape_cast %get3A_150 : vector<1x128xf32> to vector<128xf32>
    %reshape3A_152 = vector.shape_cast %get3A_151 : vector<128xf32> to vector<1x128xf32>
    %add3A_153 = vector.broadcast %reshape3A_152 : vector<1x128xf32> to vector<1000x128xf32>
    %add3A_154 = arith.addf %mul3A_147, %add3A_153 : vector<1000x128xf32>
    %get3A_155 = arith.constant 0 : index
    %get3A_156 = arith.constant 768 : index
    %get3A_157 = vector.load %arg1[%get3A_155, %get3A_156] : memref<1000x1024xf32, #tpu.memory_space<vmem>>, vector<1000x128xf32>
    %add3A_158 = arith.addf %get3A_157, %add3A_154 : vector<1000x128xf32>
    %max3A_159 = arith.constant 0.000000e+00 : f32
    %max3A_160 = vector.broadcast %max3A_159 : f32 to vector<1000x128xf32>
    %max3A_161 = arith.maximumf %add3A_158, %max3A_160 : vector<1000x128xf32>
    %swap3A_162 = arith.constant 0 : index
    %swap3A_163 = arith.constant 768 : index
    %swap3A_164 = vector.load %arg5[%swap3A_162, %swap3A_163] : memref<1000x1024xf32, #tpu.memory_space<vmem>>, vector<1000x128xf32>
    tpu.vector_store %arg5[%swap3A_162, %swap3A_163], %max3A_161 {strides = array<i32>} : memref<1000x1024xf32, #tpu.memory_space<vmem>>, vector<1000x128xf32>,
    %get3A_165 = arith.constant 7 : index
    %get3A_166 = arith.constant 0 : index
    %get3A_167 = arith.constant 0 : index
    %get3A_168 = vector.load %arg2[%get3A_165, %get3A_166, %get3A_167] : memref<8x1000x128xf32, #tpu.memory_space<vmem>>, vector<1x1000x128xf32>
    %get3A_169 = vector.shape_cast %get3A_168 : vector<1x1000x128xf32> to vector<1000x128xf32>
    %mul3A_170 = vector.broadcast %get3A_1 : vector<1000x1xf32> to vector<1000x128xf32>
    %mul3A_171 = arith.mulf %mul3A_170, %get3A_169 : vector<1000x128xf32>
    %get3A_172 = arith.constant 7 : index
    %get3A_173 = arith.constant 0 : index
    %get3A_174 = vector.load %arg4[%get3A_172, %get3A_173] : memref<8x128xf32, #tpu.memory_space<vmem>>, vector<1x128xf32>
    %get3A_175 = vector.shape_cast %get3A_174 : vector<1x128xf32> to vector<128xf32>
    %reshape3A_176 = vector.shape_cast %get3A_175 : vector<128xf32> to vector<1x128xf32>
    %add3A_177 = vector.broadcast %reshape3A_176 : vector<1x128xf32> to vector<1000x128xf32>
    %add3A_178 = arith.addf %mul3A_171, %add3A_177 : vector<1000x128xf32>
    %get3A_179 = arith.constant 0 : index
    %get3A_180 = arith.constant 896 : index
    %get3A_181 = vector.load %arg1[%get3A_179, %get3A_180] : memref<1000x1024xf32, #tpu.memory_space<vmem>>, vector<1000x128xf32>
    %add3A_182 = arith.addf %get3A_181, %add3A_178 : vector<1000x128xf32>
    %max3A_183 = arith.constant 0.000000e+00 : f32
    %max3A_184 = vector.broadcast %max3A_183 : f32 to vector<1000x128xf32>
    %max3A_185 = arith.maximumf %add3A_182, %max3A_184 : vector<1000x128xf32>
    %swap3A_186 = arith.constant 0 : index
    %swap3A_187 = arith.constant 896 : index
    %swap3A_188 = vector.load %arg5[%swap3A_186, %swap3A_187] : memref<1000x1024xf32, #tpu.memory_space<vmem>>, vector<1000x128xf32>
    tpu.vector_store %arg5[%swap3A_186, %swap3A_187], %max3A_185 {strides = array<i32>} : memref<1000x1024xf32, #tpu.memory_space<vmem>>, vector<1000x128xf32>,
    return
  }
  func.func @transform_0(%arg0: i32) -> (i32, i32) {
    %c0_i32 = arith.constant 0 : i32
    %c0_i32_0 = arith.constant 0 : i32
    return %arg0, %c0_i32 : i32, i32
  }
  func.func @transform_1(%arg0: i32) -> (i32, i32, i32) {
    %c0_i32 = arith.constant 0 : i32
    %c0_i32_0 = arith.constant 0 : i32
    %c0_i32_1 = arith.constant 0 : i32
    return %c0_i32, %arg0, %c0_i32_0 : i32, i32, i32
  }
  func.func @transform_2(%arg0: i32) -> (i32, i32) {
    %c0_i32 = arith.constant 0 : i32
    %c0_i32_0 = arith.constant 0 : i32
    return %arg0, %c0_i32 : i32, i32
  }
  func.func @transform_3(%arg0: i32) -> (i32, i32) {
    %c0_i32 = arith.constant 0 : i32
    %c0_i32_0 = arith.constant 0 : i32
    %c0_i32_1 = arith.constant 0 : i32
    return %c0_i32, %c0_i32_0 : i32, i32
  }
  func.func @transform_4(%arg0: i32) -> (i32, i32) {
    %c0_i32 = arith.constant 0 : i32
    %c0_i32_0 = arith.constant 0 : i32
    return %arg0, %c0_i32 : i32, i32
  }
}

module attributes {stable_mosaic.version = 14 : i64} {
  func.func @_pool_body(%arg0: i32, %arg1: memref<1000x1024xf32, #tpu.memory_space<vmem>>, %arg2: memref<1000x1xi32, #tpu.memory_space<vmem>>, %arg3: memref<1024x2xf32, #tpu.memory_space<vmem>>, %arg4: memref<1x2xf32, #tpu.memory_space<vmem>>, %arg5: memref<64x2xf32, #tpu.memory_space<vmem>>, %arg6: memref<64x1024xf32, #tpu.memory_space<vmem>>, %arg7: memref<64x1xf32, #tpu.memory_space<vmem>>) attributes {dimension_semantics = [#tpu.dimension_semantics<arbitrary>], iteration_bounds = array<i64: 10>, scalar_prefetch = 0 : i64, scratch_operands = 2 : i64, tpu.core_type = #tpu.core_type<tc>, window_params = [{transform_indices = @transform_0, window_bounds = array<i64: 1000, 1024>}, {transform_indices = @transform_1, window_bounds = array<i64: 1000, 1>}, {pipeline_mode = #tpu.pipeline_mode<synchronous>, transform_indices = @transform_2, window_bounds = array<i64: 1024, 2>}, {pipeline_mode = #tpu.pipeline_mode<synchronous>, transform_indices = @transform_3, window_bounds = array<i64: 1, 2>}, {pipeline_mode = #tpu.pipeline_mode<synchronous>, transform_indices = @transform_4, window_bounds = array<i64: 64, 2>}]} {
    %eq3A = arith.constant 0 : i32
    %eq3A_0 = arith.cmpi eq, %arg0, %eq3A : i32
    %convert_element_type3A = arith.extui %eq3A_0 : i1 to i32
    %cond3A = arith.constant 0 : i32
    %cond3A_1 = arith.cmpi ne, %convert_element_type3A, %cond3A : i32
    scf.if %cond3A_1 {
      %broadcast_in_dim3A_32 = arith.constant 0.000000e+00 : f32
      %broadcast_in_dim3A_33 = vector.broadcast %broadcast_in_dim3A_32 : f32 to vector<64x1024xf32>
      %swap3A_34 = arith.constant 0 : index
      %swap3A_35 = arith.constant 0 : index
      %swap3A_36 = vector.load %arg6[%swap3A_34, %swap3A_35] : memref<64x1024xf32, #tpu.memory_space<vmem>>, vector<64x1024xf32>
      tpu.vector_store %arg6[%swap3A_34, %swap3A_35], %broadcast_in_dim3A_33 {strides = array<i32>} : memref<64x1024xf32, #tpu.memory_space<vmem>>, vector<64x1024xf32>,
      %broadcast_in_dim3A_37 = arith.constant 0.000000e+00 : f32
      %broadcast_in_dim3A_38 = vector.broadcast %broadcast_in_dim3A_37 : f32 to vector<64x1xf32>
      %swap3A_39 = arith.constant 0 : index
      %swap3A_40 = arith.constant 0 : index
      %swap3A_41 = vector.load %arg7[%swap3A_39, %swap3A_40] : memref<64x1xf32, #tpu.memory_space<vmem>>, vector<64x1xf32>
      tpu.vector_store %arg7[%swap3A_39, %swap3A_40], %broadcast_in_dim3A_38 {strides = array<i32>} : memref<64x1xf32, #tpu.memory_space<vmem>>, vector<64x1xf32>,
    } else {
    }
    %iota3A = tpu.iota {dimensions = array<i32: 1>} : vector<1000x64xi32>
    %get3A = arith.constant 0 : index
    %get3A_2 = arith.constant 0 : index
    %get3A_3 = vector.load %arg2[%get3A, %get3A_2] : memref<1000x1xi32, #tpu.memory_space<vmem>>, vector<1000x1xi32>
    %eq3A_4 = vector.broadcast %get3A_3 : vector<1000x1xi32> to vector<1000x64xi32>
    %eq3A_5 = arith.cmpi eq, %iota3A, %eq3A_4 : vector<1000x64xi32>
    %convert_element_type3A_6 = arith.extui %eq3A_5 : vector<1000x64xi1> to vector<1000x64xi32>
    %convert_element_type3A_7 = arith.sitofp %convert_element_type3A_6 : vector<1000x64xi32> to vector<1000x64xf32>
    %get3A_8 = arith.constant 0 : index
    %get3A_9 = arith.constant 0 : index
    %get3A_10 = vector.load %arg6[%get3A_8, %get3A_9] : memref<64x1024xf32, #tpu.memory_space<vmem>>, vector<64x1024xf32>
    %get3A_11 = arith.constant 0 : index
    %get3A_12 = arith.constant 0 : index
    %get3A_13 = vector.load %arg1[%get3A_11, %get3A_12] : memref<1000x1024xf32, #tpu.memory_space<vmem>>, vector<1000x1024xf32>
    %dot_general3A = arith.constant dense<0.000000e+00> : vector<64x1024xf32>
    %dot_general3A_14 = tpu.matmul %convert_element_type3A_7, %get3A_13, %dot_general3A {dimension_numbers = #tpu.dot_dimension_numbers<[0], [0], [1], [1], [0, 1, 1, 1], [], []>, transpose_lhs_hint = false} : vector<1000x64xf32>, vector<1000x1024xf32>, vector<64x1024xf32> -> vector<64x1024xf32>
    %add3A = arith.addf %get3A_10, %dot_general3A_14 : vector<64x1024xf32>
    %swap3A = arith.constant 0 : index
    %swap3A_15 = arith.constant 0 : index
    %swap3A_16 = vector.load %arg6[%swap3A, %swap3A_15] : memref<64x1024xf32, #tpu.memory_space<vmem>>, vector<64x1024xf32>
    tpu.vector_store %arg6[%swap3A, %swap3A_15], %add3A {strides = array<i32>} : memref<64x1024xf32, #tpu.memory_space<vmem>>, vector<64x1024xf32>,
    %get3A_17 = arith.constant 0 : index
    %get3A_18 = arith.constant 0 : index
    %get3A_19 = vector.load %arg7[%get3A_17, %get3A_18] : memref<64x1xf32, #tpu.memory_space<vmem>>, vector<64x1xf32>
    %broadcast_in_dim3A = arith.constant 1.000000e+00 : f32
    %broadcast_in_dim3A_20 = vector.broadcast %broadcast_in_dim3A : f32 to vector<1000x1xf32>
    %dot_general3A_21 = arith.constant dense<0.000000e+00> : vector<64x1xf32>
    %dot_general3A_22 = tpu.matmul %convert_element_type3A_7, %broadcast_in_dim3A_20, %dot_general3A_21 {dimension_numbers = #tpu.dot_dimension_numbers<[0], [0], [1], [1], [0, 1, 1, 1], [], []>, transpose_lhs_hint = false} : vector<1000x64xf32>, vector<1000x1xf32>, vector<64x1xf32> -> vector<64x1xf32>
    %add3A_23 = arith.addf %get3A_19, %dot_general3A_22 : vector<64x1xf32>
    %swap3A_24 = arith.constant 0 : index
    %swap3A_25 = arith.constant 0 : index
    %swap3A_26 = vector.load %arg7[%swap3A_24, %swap3A_25] : memref<64x1xf32, #tpu.memory_space<vmem>>, vector<64x1xf32>
    tpu.vector_store %arg7[%swap3A_24, %swap3A_25], %add3A_23 {strides = array<i32>} : memref<64x1xf32, #tpu.memory_space<vmem>>, vector<64x1xf32>,
    %eq3A_27 = arith.constant 9 : i32
    %eq3A_28 = arith.cmpi eq, %arg0, %eq3A_27 : i32
    %convert_element_type3A_29 = arith.extui %eq3A_28 : i1 to i32
    %cond3A_30 = arith.constant 0 : i32
    %cond3A_31 = arith.cmpi ne, %convert_element_type3A_29, %cond3A_30 : i32
    scf.if %cond3A_31 {
      %get3A_32 = arith.constant 0 : index
      %get3A_33 = arith.constant 0 : index
      %get3A_34 = vector.load %arg6[%get3A_32, %get3A_33] : memref<64x1024xf32, #tpu.memory_space<vmem>>, vector<64x1024xf32>
      %get3A_35 = arith.constant 0 : index
      %get3A_36 = arith.constant 0 : index
      %get3A_37 = vector.load %arg7[%get3A_35, %get3A_36] : memref<64x1xf32, #tpu.memory_space<vmem>>, vector<64x1xf32>
      %max3A = arith.constant 1.000000e+00 : f32
      %max3A_38 = vector.broadcast %max3A : f32 to vector<64x1xf32>
      %max3A_39 = arith.maximumf %get3A_37, %max3A_38 : vector<64x1xf32>
      %div3A = vector.broadcast %max3A_39 : vector<64x1xf32> to vector<64x1024xf32>
      %div3A_40 = arith.divf %get3A_34, %div3A : vector<64x1024xf32>
      %get3A_41 = arith.constant 0 : index
      %get3A_42 = arith.constant 0 : index
      %get3A_43 = vector.load %arg3[%get3A_41, %get3A_42] : memref<1024x2xf32, #tpu.memory_space<vmem>>, vector<1024x2xf32>
      %dot_general3A_44 = arith.constant dense<0.000000e+00> : vector<64x2xf32>
      %dot_general3A_45 = tpu.matmul %div3A_40, %get3A_43, %dot_general3A_44 {dimension_numbers = #tpu.dot_dimension_numbers<[1], [0], [0], [1], [0, 0, 1, 1], [], []>, transpose_lhs_hint = false} : vector<64x1024xf32>, vector<1024x2xf32>, vector<64x2xf32> -> vector<64x2xf32>
      %get3A_46 = arith.constant 0 : index
      %get3A_47 = arith.constant 0 : index
      %get3A_48 = vector.load %arg4[%get3A_46, %get3A_47] : memref<1x2xf32, #tpu.memory_space<vmem>>, vector<1x2xf32>
      %add3A_49 = vector.broadcast %get3A_48 : vector<1x2xf32> to vector<64x2xf32>
      %add3A_50 = arith.addf %dot_general3A_45, %add3A_49 : vector<64x2xf32>
      %swap3A_51 = arith.constant 0 : index
      %swap3A_52 = arith.constant 0 : index
      %swap3A_53 = vector.load %arg5[%swap3A_51, %swap3A_52] : memref<64x2xf32, #tpu.memory_space<vmem>>, vector<64x2xf32>
      tpu.vector_store %arg5[%swap3A_51, %swap3A_52], %add3A_50 {strides = array<i32>} : memref<64x2xf32, #tpu.memory_space<vmem>>, vector<64x2xf32>,
    } else {
    }
    return
  }
  func.func @transform_0(%arg0: i32) -> (i32, i32) {
    %c0_i32 = arith.constant 0 : i32
    %c0_i32_0 = arith.constant 0 : i32
    return %arg0, %c0_i32 : i32, i32
  }
  func.func @transform_1(%arg0: i32) -> (i32, i32) {
    %c0_i32 = arith.constant 0 : i32
    %c0_i32_0 = arith.constant 0 : i32
    return %arg0, %c0_i32 : i32, i32
  }
  func.func @transform_2(%arg0: i32) -> (i32, i32) {
    %c0_i32 = arith.constant 0 : i32
    %c0_i32_0 = arith.constant 0 : i32
    %c0_i32_1 = arith.constant 0 : i32
    return %c0_i32, %c0_i32_0 : i32, i32
  }
  func.func @transform_3(%arg0: i32) -> (i32, i32) {
    %c0_i32 = arith.constant 0 : i32
    %c0_i32_0 = arith.constant 0 : i32
    %c0_i32_1 = arith.constant 0 : i32
    return %c0_i32, %c0_i32_0 : i32, i32
  }
  func.func @transform_4(%arg0: i32) -> (i32, i32) {
    %c0_i32 = arith.constant 0 : i32
    %c0_i32_0 = arith.constant 0 : i32
    %c0_i32_1 = arith.constant 0 : i32
    return %c0_i32, %c0_i32_0 : i32, i32
  }
}

</mosaic_0001>

<sc_bundles>
// kernel: kernel.17.cloned.1.call-start
scs
__scs_entry_jumppad:
0x0: {  	(pc) =	sbr.rel $0x88, $3  }
0x1: {  	(tag) =	ssettag $0x0;
	lr =	simm.s32 $0x1  }
0x2: {  	[smem:$0x3F9A] =	sst lr;
	_ =	strace $0xD0000000  }
0x3: {  	_ = 	snop  }
0x4: {  	_ = 	snop  }
0x5: {  	_ = 	snop  }
0x6: {  	_ = 	snop  }
0x7: {  	_ = 	snop  }
__scs_overlays_trampoline_lowered:
0x8: {  	[smem:$0x3FA9] =	sst s0  }
0x9: {  	[smem:$0x3FAA] =	sst s1  }
0xa: {  	[smem:$0x3FAB] =	sst s2  }
0xb: {  	[smem:$0x3FAC] =	sst s3  }
0xc: {  	[smem:$0x3FAD] =	sst s4  }
0xd: {  	[smem:$0x3FAE] =	sst s5  }
0xe: {  	[smem:$0x3FAF] =	sst s6  }
0xf: {  	[smem:$0x3FB0] =	sst s7  }
0x10: {  	[smem:$0x3FB1] =	sst s8  }
0x11: {  	[smem:$0x3FB2] =	sst s9;
	s0 =	simm.s32 @!p0 $0x0  }
0x12: {  	s1 =	sld [smem:$0x3F98];
	s0 =	simm.s32 @p0 $0x1  }
0x13: {  	[smem:$0x3FB3] =	sst s0;
	s0 =	simm.s32 @!p1 $0x0  }
0x14: {  	s2 =	sld [smem:$0x3F97];
	s0 =	simm.s32 @p1 $0x1  }
0x15: {  	[smem:$0x3FB4] =	sst s0;
	s0 =	simm.s32 @!p2 $0x0  }
0x16: {  	s3 =	sld [smem:$0x3FDB];
	s0 =	simm.s32 @p2 $0x1  }
0x17: {  	s4 =	simm.s32 $0x1BF5;
	[smem:$0x3FB6] =	sst s0  }
0x18: {  	s0 =	sld [smem:$0x3F99];
	_ =	swait.ge [sflag:s4], $0x0  }
0x19: {  	s7 =	sld [smem:$0x3F9A]  }
0x1a: {  	s8 =	sadd.s32 $0xFFFFE003, lr  }
0x1b: {  	s9 =	sadd.s32 $0xFFFFFEF7, lr;
	s5 =	simm.s32 $0xFFFFFFFF;
	p2 =	slt.u32 s8, $0xFFFFF086  }
0x1c: {  	p1 =	slt.u32 s9, $0xF7A;
	s5 =	simm.s32 @!p2 $0x0  }
0x1d: {  	s5 =	simm.s32 @p1 $0x1;
	p0 =	seq.s32 s7, s2  }
0x1e: {  	s7 =	smul.u32 @!p0 $0xF7A, s2;
	p2 =	seq.s32 @!p0 s5, $0x0  }
0x1f: {  	s9 =	smul.u32 $0xF7A, s1;
	s8 =	simm.s32 @!p0 $0x1BF5;
	p2 =	por !p2, p0  }
0x20: {  	[sflag:s8] =	ssyncset.s32 @!p0 $0xFFFFF086;
	s6 =	sadd.s32 @!p0 s3, s7;
	s7 =	simm.s32 @!p0 $0x108  }
0x21: {  	s3 =	sadd.s32 s3, s9;
	s6 =	sadd.s32 @!p0 $0x88, s6;
	s7 =	simm.s32 @p2 $0x1082  }
0x22: {  	[simem:s7], [sflag:s8] =	dma.local @!p0 [hbm:s6], $0xF7A  }
0x23: {  	s9 =	sor.u32 $0xD0000000, s2;
	s6 =	simm.s32 $0x108;
	_ =	swait.ge @!p0 [sflag:s8], $0x0  }
0x24: {  	s3 =	sadd.s32 $0x88, s3;
	s6 =	simm.s32 @!p1 $0x1082;
	[sflag:s4] =	ssyncset.s32 $0xFFFFF086  }
0x25: {  	[simem:s6], [sflag:s4] =	dma.local [hbm:s3], $0xF7A  }
0x26: {  	[smem:$0x3F9A] =	sst s1;
	(tag) =	ssettag s2;
	_ =	strace s9  }
0x27: {  	s1 =	sld [smem:$0x3FAA]  }
0x28: {  	s2 =	sld [smem:$0x3FAB]  }
0x29: {  	s4 =	sld [smem:$0x3FAD]  }
0x2a: {  	p0 =	seq.s32 s5, $0x0;
	s5 =	sld [smem:$0x3FAE]  }
0x2b: {  	s6 =	sld [smem:$0x3FAF]  }
0x2c: {  	s7 =	sld [smem:$0x3FB0]  }
0x2d: {  	s3 =	simm.s32 $0x108;
	s8 =	sld [smem:$0x3FB1]  }
0x2e: {  	s3 =	simm.s32 @!p0 $0x1082;
	s9 =	sld [smem:$0x3FB2]  }
0x2f: {  	lr =	sadd.s32 s0, s3;
	s0 =	sld [smem:$0x3FA9]  }
0x30: {  	s3 =	sld [smem:$0x3FAC]  }
0x31: {  	[smem:$0x3FB5] =	sst s10  }
0x32: {  	s10 =	sld [smem:$0x3FB3];
	_ =	sdelay $0x3  }
0x33: {  	p0 =	seq.s32 s10, $0x1;
	s10 =	sld [smem:$0x3FB5];
	_ =	sdelay $0x3  }
0x34: {  	[smem:$0x3FB5] =	sst s10  }
0x35: {  	s10 =	sld [smem:$0x3FB4];
	_ =	sdelay $0x3  }
0x36: {  	p1 =	seq.s32 s10, $0x1;
	s10 =	sld [smem:$0x3FB5];
	_ =	sdelay $0x3  }
0x37: {  	[smem:$0x3FB5] =	sst s10  }
0x38: {  	s10 =	sld [smem:$0x3FB6]  }
0x39: {  	_ = 	snop;
	(pc) =	sbr.ind lr, $3  }
0x3a: {  	_ = 	snop  }
0x3b: {  	_ = 	snop  }
0x3c: {  	p2 =	seq.s32 s10, $0x1;
	s10 =	sld [smem:$0x3FB5]  }
0x3d: {  	_ =	shalt  }
0x3e: {  	_ =	shalt  }
0x3f: {  	_ =	shalt  }
0x40: {  	_ =	shalt  }
0x41: {  	_ =	shalt  }
0x42: {  	_ =	shalt  }
0x43: {  	_ =	shalt  }
0x44: {  	_ =	shalt  }
0x45: {  	_ =	shalt  }
0x46: {  	_ =	shalt  }
0x47: {  	_ =	shalt  }
0x48: {  	_ =	shalt  }
0x49: {  	_ =	shalt  }
0x4a: {  	_ =	shalt  }
0x4b: {  	_ =	shalt  }
0x4c: {  	_ =	shalt  }
0x4d: {  	_ =	shalt  }
0x4e: {  	_ =	shalt  }
0x4f: {  	_ =	shalt  }
0x50: {  	_ =	shalt  }
0x51: {  	_ =	shalt  }
0x52: {  	_ =	shalt  }
0x53: {  	_ =	shalt  }
0x54: {  	_ =	shalt  }
0x55: {  	_ =	shalt  }
0x56: {  	_ =	shalt  }
0x57: {  	_ =	shalt  }
0x58: {  	_ =	shalt  }
0x59: {  	_ =	shalt  }
0x5a: {  	_ =	shalt  }
0x5b: {  	_ =	shalt  }
0x5c: {  	_ =	shalt  }
0x5d: {  	_ =	shalt  }
0x5e: {  	_ =	shalt  }
0x5f: {  	_ =	shalt  }
0x60: {  	_ =	shalt  }
0x61: {  	_ =	shalt  }
0x62: {  	_ =	shalt  }
0x63: {  	_ =	shalt  }
0x64: {  	_ =	shalt  }
0x65: {  	_ =	shalt  }
0x66: {  	_ =	shalt  }
0x67: {  	_ =	shalt  }
0x68: {  	_ =	shalt  }
0x69: {  	_ =	shalt  }
0x6a: {  	_ =	shalt  }
0x6b: {  	_ =	shalt  }
0x6c: {  	_ =	shalt  }
0x6d: {  	_ =	shalt  }
0x6e: {  	_ =	shalt  }
0x6f: {  	_ =	shalt  }
0x70: {  	_ =	shalt  }
0x71: {  	_ =	shalt  }
0x72: {  	_ =	shalt  }
0x73: {  	_ =	shalt  }
0x74: {  	_ =	shalt  }
0x75: {  	_ =	shalt  }
0x76: {  	_ =	shalt  }
0x77: {  	_ =	shalt  }
0x78: {  	_ =	shalt  }
0x79: {  	_ =	shalt  }
0x7a: {  	_ =	shalt  }
0x7b: {  	_ =	shalt  }
0x7c: {  	_ =	shalt  }
0x7d: {  	_ =	shalt  }
0x7e: {  	_ =	shalt  }
0x7f: {  	_ =	shalt  }
0x80: {  	_ =	shalt  }
0x81: {  	_ =	shalt  }
0x82: {  	_ =	shalt  }
0x83: {  	_ =	shalt  }
0x84: {  	_ =	shalt  }
0x85: {  	_ =	shalt  }
0x86: {  	_ =	shalt  }
0x87: {  	_ =	shalt  }
.Lfunc_end0:
.L_simem_size_0:
called_computation_lowered:
.L_overlay_start_0:
0x88: {  	s2 =	sld [smem:$0x3FD9]  }
0x89: {  	s3 =	sld [smem:$0x3FFE];
	_ =	sdelay $0x1  }
0x8a: {  	s1 =	srdreg.scid  }
0x8b: {  	s0 =	sand.u32 $0x1, s1  }
0x8c: {  	s16 =	sshll.u32 s0, $0xA;
	s2 =	sadd.s32 s3, s2  }
0x8d: {  	s2 =	sadd.s32 s2, s16  }
0x8e: {  	[smem:$0x3FC1] =	sst s2  }
0x8f: {  	_ = 	snop  }
0x90: {  	(tm) =	ssettm $0x1  }
0x91: {  	s17 =	sld [smem:$0x3FFB];
	_ =	sdelay $0x3  }
0x92: {  	_ =	strace s17  }
0x93: {  	s2 =	sld [smem:$0x3FFC];
	_ =	sdelay $0x3  }
0x94: {  	_ =	strace s2  }
0x95: {  	s2 =	sld [smem:$0x3FFD];
	_ =	sdelay $0x3  }
0x96: {  	_ =	strace s2  }
0x97: {  	_ =	strace $0x8FFFFFFF  }
0x98: {  	s18 =	sld [smem:$0x3FDB];
	_ =	sdelay $0x1  }
0x99: {  	s19 =	simm.s32 $_scs_section_size  }
0x9a: {  	s4 =	simm.s32 $_size__tile_overlayer_lowered;
	s5 =	simm.s32 $_tile_overlayer_lowered  }
0x9b: {  	s22 =	simm.s32 $0x1BFF;
	s21 =	sshll.u32 s5, $0x1;
	s2 =	sadd.s32 s19, s18  }
0x9c: {  	s6 =	simm.s32 $0x0;
	s20 =	sshll.u32 s4, $0x1;
	s4 =	sadd.s32 s21, s2  }
0x9d: {  	[timem:s6], [sflag:s22] =	dma.local [hbm:s4], s20  }
0x9e: {  	_ =	swait.ge [sflag:s22], s20  }
0x9f: {  	s3 =	ssub.s32 $0x0, s20;
	[sflag:s22] =	ssyncset.done $0x0  }
0xa0: {  	[sflag:s22] =	ssyncadd.s32 s3;
	_ =	sdelay $0x1  }
0xa1: {  	s23 =	simm.s32 $0x1B8B  }
0xa2: {  	_ =	swait.ge [sflag:s23], $0x1  }
0xa3: {  	[sflag:s23] =	ssyncset.done $0x0  }
0xa4: {  	s25 =	simm.s32 $0x1B8E;
	s24 =	sld [smem:$0x3FFE];
	[sflag:s23] =	ssyncadd.s32 $0xFFFFFFFF  }
0xa5: {  	s26 =	simm.s32 $execute0_lowered;
	[smem:$0x3FD2] =	sst s25  }
0xa6: {  	s4 =	sshll.u32 s26, $0x1;
	_ =	strace $0x80000046;
	[dreg:$0x1] =	wrdreg $0xFFFFFFFF  }
0xa7: {  	s28 =	simm.s32 $_size_execute0_lowered;
	s2 =	sadd.s32 s2, s4;
	[dreg:$0x0] =	wrdreg $0x0  }
0xa8: {  	s4 =	sshll.u32 s28, $0x1;
	[dreg:$0x2] =	wrdreg s2  }
0xa9: {  	[dreg:$0x3] =	wrdreg s4  }
0xaa: {  	[dreg:$0x4] =	wrdreg $0xC0  }
0xab: {  	_ =	task [dreg:s6], $0x5FFFF  }
0xac: {  	[dreg:$0x1] =	wrdreg $0xFFFFFFFF  }
0xad: {  	[dreg:$0x0] =	wrdreg $0x60  }
0xae: {  	[dreg:$0x2] =	wrdreg s24  }
0xaf: {  	[dreg:$0x3] =	wrdreg $0x40800  }
0xb0: {  	[dreg:$0x4] =	wrdreg $0x9  }
0xb1: {  	_ =	task.clear_ibuf [dreg:s6], $0x5FFFF;
	_ =	strace $0x90000046  }
0xb2: {  	s29 =	simm.s32 $0x9;
	_ =	strace $0x80000048  }
0xb3: {  	_ =	swait.ge [sflag:s29], $0x1  }
0xb4: {  	[sflag:s29] =	ssyncadd.s32 $0xFFFFFFFF  }
0xb5: {  	_ =	strace $0x90000048  }
0xb6: {  	_ =	sfence  }
0xb7: {  	s30 =	sld [smem:$0x0];
	_ =	sdelay $0x2  }
0xb8: {  	s31 =	sshll.u32 s1, $0xD;
	s1 =	sshrl.u32 s1, $0x2  }
0xb9: {  	s3 =	sand.u32 $0x4000, s31;
	s1 =	sadd.s32 s1, s30  }
0xba: {  	s0 =	sor.u32 s3, s0;
	s1 =	sshll.u32 s1, $0x11  }
0xbb: {  	s0 =	sor.u32 s1, s0  }
0xbc: {  	s0 =	sadd.s32 $0x8F2B, s0  }
0xbd: {  	[sflag:s0] =	ssyncadd.remote.s32 $0x1  }
0xbe: {  	_ =	sfence.sel $0xFFFF  }
0xbf: {  	[dreg:$0x0] =	wrdreg $0xFFFFFFFF;
	(pc) =	sbr.abs _section_cstart, $3  }
0xc0: {  	[dreg:$0x1] =	wrdreg $0xFFFFFFFF  }
0xc1: {  	_ =	task.clear_ibuf [dreg:s6], $0x2FFFF;
	_ =	strace $0x9FFFFFFF  }
0xc2: {  	(tm) =	ssettm $0x7FFFFFFF  }
0xc3: {  	_ =	shalt  }
tec
execute0_lowered:
.L_overlay_start_1:
0x0: {  	(tag) =	ssettag $0x1  }
0x1: {  	s6 =	rddreg [dreg:$0x0]  }
0x2: {  	s1 =	rddreg [dreg:$0x1];
	s2 =	srdreg.scid  }
0x3: {  	s0 =	rddreg [dreg:$0x2];
	s3 =	simm.s32 $0x0;
	s12 =	simm.s32 $0x4000  }
0x4: {  	s13 =	simm.s32 $0x80;
	s5 =	sand.u32 $0x1, s2;
	s2 =	stileid.u32  }
0x5: {  	s14 =	simm.s32 $0x0;
	[smem:$0x7FF] =	sst s3;
	s7 =	smul.u32 $0x140000, s5  }
0x6: {  	s8 =	smul.u32 $0x14000, s2;
	_ =	strace $0x80000047;
	s4 =	sshll.u32 s5, $0xC  }
0x7: {  	s25 =	ssub.s32 $0x2, s5;
	s10 =	smul.u32 $0x50000, s2;
	s5 =	sadd.s32 $0x7C00, s6  }
0x8: {  	s29 =	sshll.u32 s2, $0x8;
	s31 =	sshll.u32 s2, $0x6;
	s9 =	sadd.s32 s4, s6  }
0x9: {  	s4 =	sadd.s32 $0xA400, s6;
	s26 =	sshrl.u32 s25, $0x1;
	s7 =	sadd.s32 s8, s7  }
0xa: {  	s28 =	sshrl.u32 s10, $0x2;
	s30 =	sadd.s32 s29, s9;
	s9 =	simm.s32 $0x1  }
0xb: {  	s10 =	sor.u32 $0x1C01, s31;
	s7 =	sshrl.u32 s7, $0x3;
	s11 =	sadd.s32 s28, s1  }
0xc: {  	s8 =	sadd.s32 $0x5C00, s30;
	s6 =	sadd.s32 s7, s6;
	s7 =	ssub.s32 s25, s26  }
0xd: {  	s11 =	sshrl.u32 s11, $0x3;
	s6 =	sadd.s32 $0xAC00, s6;
	s7 =	smax.u32 s7, $0x1  }
.LBB2_1:
0xe: {  	[tilespmem:s3], [sflag:$0x1] =	stream.linear.gather [hbm4b:s4+s3], $0x4000, $0x38;
	[tilespmem:$0x18080] =	vst v63  }
0xf: {  	_ =	swait.ge [sflag:s9], $0x4000  }
0x10: {  	[sflag:s9] =	ssyncset.done $0x0  }
0x11: {  	[sflag:s9] =	ssyncadd.s32 $0xFFFFC000  }
0x12: {  	[spmem:s11], [sflag:s10] =	dma.local [hbm:s5], $0x2800  }
0x13: {  	_ =	swait.ge [sflag:s9], $0x2800  }
0x14: {  	[sflag:s9] =	ssyncset.done $0x0  }
0x15: {  	[sflag:s9] =	ssyncadd.s32 $0xFFFFD800  }
0x16: {  	s15 =	sadd.s32 $0x0, s8;
	[bflag:$0x0] =	sbarrier.arrive $0xFFFF  }
0x17: {  	[tilespmem:s12], [sflag:$0x1] =	stream.linear.gather [hbm4b:s15+s3], $0x80, $0x38;
	[tilespmem:$0x18080] =	vst v63  }
0x18: {  	_ =	swait.ge [sflag:s9], $0x80  }
0x19: {  	[sflag:s9] =	ssyncset.done $0x0  }
0x1a: {  	[sflag:s9] =	ssyncadd.s32 $0xFFFFFF80  }
0x1b: {  	[spmem:s1] =	stream.indirect.scatter.add.f32 [tilespmem:s3], [sflag:$0x1], $0x80, s12, s13, $0xb8;
	[tilespmem:$0x18080] =	vst v63  }
0x1c: {  	_ =	swait.ge [sflag:s9], $0x4000  }
0x1d: {  	s16 =	simm.s32 $0x20;
	s15 =	simm.s32 $0x10;
	[sflag:s9] =	ssyncset.done $0x0  }
.LBB2_2:
0x1e: {  	s17 =	sadd.s32 s15, s8  }
0x1f: {  	[sflag:s9] =	ssyncadd.s32 $0xFFFFC000;
	s15 =	smov.u32 s16;
	s18 =	sadd.s32 $0x10, s16  }
0x20: {  	[tilespmem:s12], [sflag:$0x1] =	stream.linear.gather [hbm4b:s17+s3], $0x80, $0x38;
	[tilespmem:$0x18080] =	vst v63  }
0x21: {  	p0 =	sne.s32 s16, $0xF0;
	_ =	swait.ge [sflag:s9], $0x80  }
.Ltmp0:
0x22: {  	[sflag:s9] =	ssyncset.done $0x0;
	(pc) =	sbr.rel @p0 .LBB2_2-.Ltmp0, $4  }
0x23: {  	[sflag:s9] =	ssyncadd.s32 $0xFFFFFF80  }
0x24: {  	[spmem:s1] =	stream.indirect.scatter.add.f32 [tilespmem:s3], [sflag:$0x1], $0x80, s12, s13, $0xb8;
	[tilespmem:$0x18080] =	vst v63  }
0x25: {  	_ =	swait.ge [sflag:s9], $0x4000  }
0x26: {  	s16 =	smov.u32 s18;
	[sflag:s9] =	ssyncset.done $0x0  }
0x27: {  	s15 =	sadd.s32 s15, s8;
	[sflag:s9] =	ssyncadd.s32 $0xFFFFC000  }
0x28: {  	[tilespmem:s12], [sflag:$0x1] =	stream.linear.gather [hbm4b:s15+s3], $0x80, $0x38;
	[tilespmem:$0x18080] =	vst v63  }
0x29: {  	_ =	swait.ge [sflag:s9], $0x80  }
0x2a: {  	[sflag:s9] =	ssyncset.done $0x0  }
0x2b: {  	[sflag:s9] =	ssyncadd.s32 $0xFFFFFF80  }
0x2c: {  	[spmem:s1] =	stream.indirect.scatter.add.f32 [tilespmem:s3], [sflag:$0x1], $0x80, s12, s13, $0xb8;
	[tilespmem:$0x18080] =	vst v63  }
0x2d: {  	_ =	swait.ge [sflag:s9], $0x4000  }
0x2e: {  	s14 =	sadd.s32 $0x1, s14;
	[sflag:s9] =	ssyncset.done $0x0  }
0x2f: {  	p0 =	sne.s32 s14, s7;
	[sflag:s9] =	ssyncadd.s32 $0xFFFFC000  }
.Ltmp1:
0x30: {  	[bflag:$0x0] =	sbarrier.arrive $0xFFFF;
	(pc) =	sbr.rel @p0 .LBB2_1-.Ltmp1, $4  }
0x31: {  	[hbm:s6], [sflag:s10] =	dma.local [spmem:s11], $0x2800  }
0x32: {  	_ =	swait.ge [sflag:s9], $0x2800  }
0x33: {  	[sflag:s9] =	ssyncset.done $0x0  }
0x34: {  	[sflag:s9] =	ssyncadd.s32 $0xFFFFD800  }
0x35: {  	_ =	sfence.sel $0x180000  }
0x36: {  	[bflag:$0x0] =	sbarrier.arrive $0xFFFF  }
0x37: {  	p0 =	sne.s32 s2, $0x0;
	_ =	strace $0x90000047  }
0x38: {  	s0 =	sadd.s32 @!p0 $0x100000, s0;
	[bflag:$0x2] =	sbarrier.arrive $0xFFFF  }
0x39: {  	[sflag:s0] =	ssyncadd.tile.s32 @!p0 $0x1;
	_ =	shalt  }
.Lfunc_end2:
_tile_overlayer_lowered:
.L_overlay_start_2:
0x3a: {  	(tag) =	ssettag $0x2  }
0x3b: {  	s0 =	rddreg [dreg:$0x0];
	s2 =	stileid.u32  }
0x3c: {  	s1 =	rddreg [dreg:$0x1];
	p0 =	sne.s32 s2, $0x0  }
0x3d: {  	s3 =	rddreg [dreg:$0x2];
	[bflag:$0x3] =	sbarrier.arrive $0xFFFF;
	s2 =	simm.s32 @!p0 $0x1C01  }
0x3e: {  	[timem:s3], [sflag:s2] =	dma.local @!p0 [hbm:s0], s1  }
0x3f: {  	s0 =	simm.s32 @!p0 $0x1  }
0x40: {  	_ =	swait.ge @!p0 [sflag:s0], s1  }
0x41: {  	s1 =	ssub.s32 @!p0 $0x0, s1;
	[sflag:s0] =	ssyncset.done @!p0 $0x0  }
0x42: {  	[sflag:s0] =	ssyncadd.s32 @!p0 s1  }
0x43: {  	[bflag:$0x3] =	sbarrier.arrive $0xFFFF  }
0x44: {  	_ =	shalt  }

// kernel: kernel.20.cloned.1.call-start
scs
__scs_entry_jumppad:
0x0: {  	(pc) =	sbr.rel $0x88, $3  }
0x1: {  	(tag) =	ssettag $0x0;
	lr =	simm.s32 $0x1  }
0x2: {  	[smem:$0x3F9A] =	sst lr;
	_ =	strace $0xD0000000  }
0x3: {  	_ = 	snop  }
0x4: {  	_ = 	snop  }
0x5: {  	_ = 	snop  }
0x6: {  	_ = 	snop  }
0x7: {  	_ = 	snop  }
__scs_overlays_trampoline_lowered:
0x8: {  	[smem:$0x3FA9] =	sst s0  }
0x9: {  	[smem:$0x3FAA] =	sst s1  }
0xa: {  	[smem:$0x3FAB] =	sst s2  }
0xb: {  	[smem:$0x3FAC] =	sst s3  }
0xc: {  	[smem:$0x3FAD] =	sst s4  }
0xd: {  	[smem:$0x3FAE] =	sst s5  }
0xe: {  	[smem:$0x3FAF] =	sst s6  }
0xf: {  	[smem:$0x3FB0] =	sst s7  }
0x10: {  	[smem:$0x3FB1] =	sst s8  }
0x11: {  	[smem:$0x3FB2] =	sst s9;
	s0 =	simm.s32 @!p0 $0x0  }
0x12: {  	s1 =	sld [smem:$0x3F98];
	s0 =	simm.s32 @p0 $0x1  }
0x13: {  	[smem:$0x3FB3] =	sst s0;
	s0 =	simm.s32 @!p1 $0x0  }
0x14: {  	s2 =	sld [smem:$0x3F97];
	s0 =	simm.s32 @p1 $0x1  }
0x15: {  	[smem:$0x3FB4] =	sst s0;
	s0 =	simm.s32 @!p2 $0x0  }
0x16: {  	s3 =	sld [smem:$0x3FDB];
	s0 =	simm.s32 @p2 $0x1  }
0x17: {  	s4 =	simm.s32 $0x1BF5;
	[smem:$0x3FB6] =	sst s0  }
0x18: {  	s0 =	sld [smem:$0x3F99];
	_ =	swait.ge [sflag:s4], $0x0  }
0x19: {  	s7 =	sld [smem:$0x3F9A]  }
0x1a: {  	s8 =	sadd.s32 $0xFFFFE003, lr  }
0x1b: {  	s9 =	sadd.s32 $0xFFFFFEF7, lr;
	s5 =	simm.s32 $0xFFFFFFFF;
	p2 =	slt.u32 s8, $0xFFFFF086  }
0x1c: {  	p1 =	slt.u32 s9, $0xF7A;
	s5 =	simm.s32 @!p2 $0x0  }
0x1d: {  	s5 =	simm.s32 @p1 $0x1;
	p0 =	seq.s32 s7, s2  }
0x1e: {  	s7 =	smul.u32 @!p0 $0xF7A, s2;
	p2 =	seq.s32 @!p0 s5, $0x0  }
0x1f: {  	s9 =	smul.u32 $0xF7A, s1;
	s8 =	simm.s32 @!p0 $0x1BF5;
	p2 =	por !p2, p0  }
0x20: {  	[sflag:s8] =	ssyncset.s32 @!p0 $0xFFFFF086;
	s6 =	sadd.s32 @!p0 s3, s7;
	s7 =	simm.s32 @!p0 $0x108  }
0x21: {  	s3 =	sadd.s32 s3, s9;
	s6 =	sadd.s32 @!p0 $0x88, s6;
	s7 =	simm.s32 @p2 $0x1082  }
0x22: {  	[simem:s7], [sflag:s8] =	dma.local @!p0 [hbm:s6], $0xF7A  }
0x23: {  	s9 =	sor.u32 $0xD0000000, s2;
	s6 =	simm.s32 $0x108;
	_ =	swait.ge @!p0 [sflag:s8], $0x0  }
0x24: {  	s3 =	sadd.s32 $0x88, s3;
	s6 =	simm.s32 @!p1 $0x1082;
	[sflag:s4] =	ssyncset.s32 $0xFFFFF086  }
0x25: {  	[simem:s6], [sflag:s4] =	dma.local [hbm:s3], $0xF7A  }
0x26: {  	[smem:$0x3F9A] =	sst s1;
	(tag) =	ssettag s2;
	_ =	strace s9  }
0x27: {  	s1 =	sld [smem:$0x3FAA]  }
0x28: {  	s2 =	sld [smem:$0x3FAB]  }
0x29: {  	s4 =	sld [smem:$0x3FAD]  }
0x2a: {  	p0 =	seq.s32 s5, $0x0;
	s5 =	sld [smem:$0x3FAE]  }
0x2b: {  	s6 =	sld [smem:$0x3FAF]  }
0x2c: {  	s7 =	sld [smem:$0x3FB0]  }
0x2d: {  	s3 =	simm.s32 $0x108;
	s8 =	sld [smem:$0x3FB1]  }
0x2e: {  	s3 =	simm.s32 @!p0 $0x1082;
	s9 =	sld [smem:$0x3FB2]  }
0x2f: {  	lr =	sadd.s32 s0, s3;
	s0 =	sld [smem:$0x3FA9]  }
0x30: {  	s3 =	sld [smem:$0x3FAC]  }
0x31: {  	[smem:$0x3FB5] =	sst s10  }
0x32: {  	s10 =	sld [smem:$0x3FB3];
	_ =	sdelay $0x3  }
0x33: {  	p0 =	seq.s32 s10, $0x1;
	s10 =	sld [smem:$0x3FB5];
	_ =	sdelay $0x3  }
0x34: {  	[smem:$0x3FB5] =	sst s10  }
0x35: {  	s10 =	sld [smem:$0x3FB4];
	_ =	sdelay $0x3  }
0x36: {  	p1 =	seq.s32 s10, $0x1;
	s10 =	sld [smem:$0x3FB5];
	_ =	sdelay $0x3  }
0x37: {  	[smem:$0x3FB5] =	sst s10  }
0x38: {  	s10 =	sld [smem:$0x3FB6]  }
0x39: {  	_ = 	snop;
	(pc) =	sbr.ind lr, $3  }
0x3a: {  	_ = 	snop  }
0x3b: {  	_ = 	snop  }
0x3c: {  	p2 =	seq.s32 s10, $0x1;
	s10 =	sld [smem:$0x3FB5]  }
0x3d: {  	_ =	shalt  }
0x3e: {  	_ =	shalt  }
0x3f: {  	_ =	shalt  }
0x40: {  	_ =	shalt  }
0x41: {  	_ =	shalt  }
0x42: {  	_ =	shalt  }
0x43: {  	_ =	shalt  }
0x44: {  	_ =	shalt  }
0x45: {  	_ =	shalt  }
0x46: {  	_ =	shalt  }
0x47: {  	_ =	shalt  }
0x48: {  	_ =	shalt  }
0x49: {  	_ =	shalt  }
0x4a: {  	_ =	shalt  }
0x4b: {  	_ =	shalt  }
0x4c: {  	_ =	shalt  }
0x4d: {  	_ =	shalt  }
0x4e: {  	_ =	shalt  }
0x4f: {  	_ =	shalt  }
0x50: {  	_ =	shalt  }
0x51: {  	_ =	shalt  }
0x52: {  	_ =	shalt  }
0x53: {  	_ =	shalt  }
0x54: {  	_ =	shalt  }
0x55: {  	_ =	shalt  }
0x56: {  	_ =	shalt  }
0x57: {  	_ =	shalt  }
0x58: {  	_ =	shalt  }
0x59: {  	_ =	shalt  }
0x5a: {  	_ =	shalt  }
0x5b: {  	_ =	shalt  }
0x5c: {  	_ =	shalt  }
0x5d: {  	_ =	shalt  }
0x5e: {  	_ =	shalt  }
0x5f: {  	_ =	shalt  }
0x60: {  	_ =	shalt  }
0x61: {  	_ =	shalt  }
0x62: {  	_ =	shalt  }
0x63: {  	_ =	shalt  }
0x64: {  	_ =	shalt  }
0x65: {  	_ =	shalt  }
0x66: {  	_ =	shalt  }
0x67: {  	_ =	shalt  }
0x68: {  	_ =	shalt  }
0x69: {  	_ =	shalt  }
0x6a: {  	_ =	shalt  }
0x6b: {  	_ =	shalt  }
0x6c: {  	_ =	shalt  }
0x6d: {  	_ =	shalt  }
0x6e: {  	_ =	shalt  }
0x6f: {  	_ =	shalt  }
0x70: {  	_ =	shalt  }
0x71: {  	_ =	shalt  }
0x72: {  	_ =	shalt  }
0x73: {  	_ =	shalt  }
0x74: {  	_ =	shalt  }
0x75: {  	_ =	shalt  }
0x76: {  	_ =	shalt  }
0x77: {  	_ =	shalt  }
0x78: {  	_ =	shalt  }
0x79: {  	_ =	shalt  }
0x7a: {  	_ =	shalt  }
0x7b: {  	_ =	shalt  }
0x7c: {  	_ =	shalt  }
0x7d: {  	_ =	shalt  }
0x7e: {  	_ =	shalt  }
0x7f: {  	_ =	shalt  }
0x80: {  	_ =	shalt  }
0x81: {  	_ =	shalt  }
0x82: {  	_ =	shalt  }
0x83: {  	_ =	shalt  }
0x84: {  	_ =	shalt  }
0x85: {  	_ =	shalt  }
0x86: {  	_ =	shalt  }
0x87: {  	_ =	shalt  }
.Lfunc_end0:
.L_simem_size_0:
called_computation.1_lowered:
.L_overlay_start_0:
0x88: {  	s2 =	sld [smem:$0x3FD9]  }
0x89: {  	s3 =	sld [smem:$0x3FFE];
	_ =	sdelay $0x1  }
0x8a: {  	s1 =	srdreg.scid  }
0x8b: {  	s0 =	sand.u32 $0x1, s1  }
0x8c: {  	s16 =	sshll.u32 s0, $0xA;
	s2 =	sadd.s32 s3, s2  }
0x8d: {  	s2 =	sadd.s32 s2, s16  }
0x8e: {  	[smem:$0x3FC1] =	sst s2  }
0x8f: {  	_ = 	snop  }
0x90: {  	(tm) =	ssettm $0x1  }
0x91: {  	s17 =	sld [smem:$0x3FFB];
	_ =	sdelay $0x3  }
0x92: {  	_ =	strace s17  }
0x93: {  	s2 =	sld [smem:$0x3FFC];
	_ =	sdelay $0x3  }
0x94: {  	_ =	strace s2  }
0x95: {  	s2 =	sld [smem:$0x3FFD];
	_ =	sdelay $0x3  }
0x96: {  	_ =	strace s2  }
0x97: {  	_ =	strace $0x8FFFFFFF  }
0x98: {  	s18 =	sld [smem:$0x3FDB];
	_ =	sdelay $0x1  }
0x99: {  	s19 =	simm.s32 $_scs_section_size  }
0x9a: {  	s4 =	simm.s32 $_size__tile_overlayer_lowered;
	s5 =	simm.s32 $_tile_overlayer_lowered  }
0x9b: {  	s22 =	simm.s32 $0x1BFF;
	s21 =	sshll.u32 s5, $0x1;
	s2 =	sadd.s32 s19, s18  }
0x9c: {  	s6 =	simm.s32 $0x0;
	s20 =	sshll.u32 s4, $0x1;
	s4 =	sadd.s32 s21, s2  }
0x9d: {  	[timem:s6], [sflag:s22] =	dma.local [hbm:s4], s20  }
0x9e: {  	_ =	swait.ge [sflag:s22], s20  }
0x9f: {  	s3 =	ssub.s32 $0x0, s20;
	[sflag:s22] =	ssyncset.done $0x0  }
0xa0: {  	[sflag:s22] =	ssyncadd.s32 s3;
	_ =	sdelay $0x1  }
0xa1: {  	s23 =	simm.s32 $0x1B8B  }
0xa2: {  	_ =	swait.ge [sflag:s23], $0x1  }
0xa3: {  	[sflag:s23] =	ssyncset.done $0x0  }
0xa4: {  	s25 =	simm.s32 $0x1B8E;
	s24 =	sld [smem:$0x3FFE];
	[sflag:s23] =	ssyncadd.s32 $0xFFFFFFFF  }
0xa5: {  	s26 =	simm.s32 $execute0_lowered;
	[smem:$0x3FD2] =	sst s25  }
0xa6: {  	s4 =	sshll.u32 s26, $0x1;
	_ =	strace $0x80000049;
	[dreg:$0x1] =	wrdreg $0xFFFFFFFF  }
0xa7: {  	s28 =	simm.s32 $_size_execute0_lowered;
	s2 =	sadd.s32 s2, s4;
	[dreg:$0x0] =	wrdreg $0x0  }
0xa8: {  	s4 =	sshll.u32 s28, $0x1;
	[dreg:$0x2] =	wrdreg s2  }
0xa9: {  	[dreg:$0x3] =	wrdreg s4  }
0xaa: {  	[dreg:$0x4] =	wrdreg $0xC0  }
0xab: {  	_ =	task [dreg:s6], $0x5FFFF  }
0xac: {  	[dreg:$0x1] =	wrdreg $0xFFFFFFFF  }
0xad: {  	[dreg:$0x0] =	wrdreg $0x60  }
0xae: {  	[dreg:$0x2] =	wrdreg s24  }
0xaf: {  	[dreg:$0x3] =	wrdreg $0xB0000  }
0xb0: {  	[dreg:$0x4] =	wrdreg $0x9  }
0xb1: {  	_ =	task.clear_ibuf [dreg:s6], $0x5FFFF;
	_ =	strace $0x90000049  }
0xb2: {  	s29 =	simm.s32 $0x9;
	_ =	strace $0x8000004B  }
0xb3: {  	_ =	swait.ge [sflag:s29], $0x1  }
0xb4: {  	[sflag:s29] =	ssyncadd.s32 $0xFFFFFFFF  }
0xb5: {  	_ =	strace $0x9000004B  }
0xb6: {  	_ =	sfence  }
0xb7: {  	s30 =	sld [smem:$0x0];
	_ =	sdelay $0x2  }
0xb8: {  	s31 =	sshll.u32 s1, $0xD;
	s1 =	sshrl.u32 s1, $0x2  }
0xb9: {  	s3 =	sand.u32 $0x4000, s31;
	s1 =	sadd.s32 s1, s30  }
0xba: {  	s0 =	sor.u32 s3, s0;
	s1 =	sshll.u32 s1, $0x11  }
0xbb: {  	s0 =	sor.u32 s1, s0  }
0xbc: {  	s0 =	sadd.s32 $0x8F2B, s0  }
0xbd: {  	[sflag:s0] =	ssyncadd.remote.s32 $0x1  }
0xbe: {  	_ =	sfence.sel $0xFFFF  }
0xbf: {  	[dreg:$0x0] =	wrdreg $0xFFFFFFFF;
	(pc) =	sbr.abs _section_cstart, $3  }
0xc0: {  	[dreg:$0x1] =	wrdreg $0xFFFFFFFF  }
0xc1: {  	_ =	task.clear_ibuf [dreg:s6], $0x2FFFF;
	_ =	strace $0x9FFFFFFF  }
0xc2: {  	(tm) =	ssettm $0x7FFFFFFF  }
0xc3: {  	_ =	shalt  }
tec
execute0_lowered:
.L_overlay_start_1:
0x0: {  	(tag) =	ssettag $0x1  }
0x1: {  	s0 =	rddreg [dreg:$0x0]  }
0x2: {  	s2 =	rddreg [dreg:$0x1];
	s3 =	simm.s32 $0x0  }
0x3: {  	s1 =	stileid.u32;
	s4 =	srdreg.scid;
	s12 =	simm.s32 $0x8000  }
0x4: {  	s13 =	simm.s32 $0x3;
	s14 =	simm.s32 $0xA000;
	s17 =	simm.s32 $0x80  }
0x5: {  	s18 =	simm.s32 $0x9000;
	s19 =	simm.s32 $0x4000;
	s20 =	simm.s32 $0x1  }
0x6: {  	s21 =	simm.s32 $0x2;
	s22 =	simm.s32 $0x9F80;
	s23 =	simm.s32 $0xAF00  }
0x7: {  	s24 =	simm.s32 $0xAF80;
	s25 =	simm.s32 $0x0;
	[smem:$0x7FF] =	sst s3  }
0x8: {  	s5 =	sshll.u32 s1, $0x9;
	s8 =	sand.u32 $0x1, s4;
	s4 =	sadd.s32 $0x9AC00, s0  }
0x9: {  	s9 =	smul.u32 $0x50000, s1;
	s31 =	sshll.u32 s1, $0x6;
	_ =	strace $0x8000004A  }
0xa: {  	s7 =	sadd.s32 s5, s0;
	s6 =	ssub.s32 $0x2, s8;
	s5 =	sadd.s32 $0x1DAC00, s0  }
0xb: {  	s8 =	sshll.u32 s8, $0x2;
	s15 =	sor.u32 $0x1C03, s31;
	s30 =	sshrl.u32 s6, $0x1  }
0xc: {  	s10 =	sshrl.u32 s9, $0x2;
	s9 =	smul.u32 $0x280, s1;
	s0 =	ssub.s32 s6, s30  }
0xd: {  	s6 =	sadd.s32 $0x3C00, s7;
	s7 =	sadd.s32 $0x5C00, s7;
	s16 =	sadd.s32 s10, s2  }
0xe: {  	s10 =	smul.u32 $0x14000, s1;
	s11 =	smax.u32 s0, $0x1;
	s16 =	sshrl.u32 s16, $0x3  }
.LBB2_1:
0xf: {  	[tilespmem:s12], [sflag:$0x3] =	stream.linear.gather [hbm4b:s6+s3], $0x1000, $0x38;
	[tilespmem:$0x1F000] =	vst v63  }
0x10: {  	_ =	swait.ge [sflag:s13], $0x1000  }
0x11: {  	[sflag:s13] =	ssyncset.done $0x0  }
0x12: {  	[sflag:s13] =	ssyncadd.s32 $0xFFFFF000  }
0x13: {  	[tilespmem:s14], [sflag:$0x3] =	stream.linear.gather [hbm4b:s7+s3], $0x1000, $0x38;
	[tilespmem:$0x1F000] =	vst v63  }
0x14: {  	_ =	swait.ge [sflag:s13], $0x1000  }
0x15: {  	[sflag:s13] =	ssyncset.done $0x0  }
0x16: {  	s26 =	simm.s32 $0x0;
	[sflag:s13] =	ssyncadd.s32 $0xFFFFF000  }
.LBB2_2:
0x17: {  	s30 =	simm.s32 $0x0  }
0x18: {  	v3 =	vld [tilespmem:s30+$0x8070]  }
0x19: {  	s28 =	sadd.s32 s8, s26;
	v5 =	vld [tilespmem:s30+$0x8000]  }
0x1a: {  	v6 =	vld [tilespmem:s30+$0x8010];
	s29 =	smul.u32 $0x2800, s28  }
0x1b: {  	v4 =	vld [tilespmem:s30+$0x8020]  }
0x1c: {  	v2 =	vld [tilespmem:s30+$0x8030];
	v0 =	vmov s29  }
0x1d: {  	v1 =	vld [tilespmem:s30+$0x8040];
	v7 =	vadd.s32 v0, v3  }
0x1e: {  	v3 =	vld [tilespmem:s30+$0x8050];
	v5 =	vadd.s32 v0, v5;
	[tilespmem:s30+$0x9070] =	vst v7  }
0x1f: {  	s31 =	simm.s32 $0x80;
	s0 =	simm.s32 $0x400;
	v6 =	vadd.s32 v0, v6;
	[tilespmem:s30+$0x9000] =	vst v5;
	v5 =	vld [tilespmem:s30+$0x8060]  }
.LBB2_3:
0x20: {  	p0 =	sne.s32 s0, $0x3E00;
	v7 =	vld [tilespmem:s31+$0x8070];
	[tilespmem:s30+$0x9010] =	vst v6;
	v4 =	vadd.s32 v0, v4  }
0x21: {  	v6 =	vld [tilespmem:s31+$0x8000];
	[tilespmem:s30+$0x9020] =	vst v4;
	v2 =	vadd.s32 v0, v2  }
0x22: {  	v8 =	vld [tilespmem:s31+$0x8010];
	[tilespmem:s30+$0x9030] =	vst v2;
	v1 =	vadd.s32 v0, v1  }
.Ltmp0:
0x23: {  	v4 =	vld [tilespmem:s31+$0x8020];
	[tilespmem:s30+$0x9040] =	vst v1;
	v1 =	vadd.s32 v0, v3;
	(pc) =	sbr.rel @p0 .LBB2_3-.Ltmp0, $4  }
0x24: {  	v2 =	vld [tilespmem:s31+$0x8030];
	[tilespmem:s30+$0x9050] =	vst v1;
	v3 =	vadd.s32 v0, v5  }
0x25: {  	v1 =	vld [tilespmem:s31+$0x8040];
	v5 =	vadd.s32 v0, v7;
	[tilespmem:s30+$0x9060] =	vst v3;
	s30 =	smov.u32 s31  }
0x26: {  	v6 =	vadd.s32 v0, v6;
	v3 =	vld [tilespmem:s30+$0x8050];
	[tilespmem:s30+$0x9070] =	vst v5  }
0x27: {  	s31 =	sshra.s32 s0, $0x2;
	s0 =	sadd.s32 $0x200, s0;
	[tilespmem:s30+$0x9000] =	vst v6;
	v6 =	vadd.s32 v0, v8;
	v5 =	vld [tilespmem:s30+$0x8060]  }
0x28: {  	v7 =	vld [tilespmem:s31+$0x8070];
	[tilespmem:s30+$0x9010] =	vst v6;
	v4 =	vadd.s32 v0, v4  }
0x29: {  	v6 =	vld [tilespmem:s31+$0x8000];
	[tilespmem:s30+$0x9020] =	vst v4;
	v2 =	vadd.s32 v0, v2  }
0x2a: {  	v4 =	vld [tilespmem:s31+$0x8010];
	[tilespmem:s30+$0x9030] =	vst v2;
	v1 =	vadd.s32 v0, v1  }
0x2b: {  	v2 =	vld [tilespmem:s31+$0x8020];
	[tilespmem:s30+$0x9040] =	vst v1;
	v51 =	vadd.s32 v0, v3  }
0x2c: {  	v52 =	vld [tilespmem:s31+$0x8030];
	[tilespmem:s30+$0x9050] =	vst v51;
	v53 =	vadd.s32 v0, v5  }
0x2d: {  	v54 =	vld [tilespmem:s31+$0x8040];
	[tilespmem:s30+$0x9060] =	vst v53;
	v55 =	vadd.s32 v0, v7  }
0x2e: {  	v56 =	vld [tilespmem:s31+$0x8050];
	v6 =	vadd.s32 v0, v6;
	[tilespmem:s31+$0x9070] =	vst v55  }
0x2f: {  	v58 =	vld [tilespmem:s31+$0x8060];
	[tilespmem:s31+$0x9000] =	vst v6;
	v57 =	vadd.s32 v0, v4  }
0x30: {  	[tilespmem:s31+$0x9010] =	vst v57;
	v59 =	vadd.s32 v0, v2  }
0x31: {  	[tilespmem:s31+$0x9020] =	vst v59;
	v60 =	vadd.s32 v0, v52  }
0x32: {  	[tilespmem:s31+$0x9030] =	vst v60;
	v61 =	vadd.s32 v0, v54  }
0x33: {  	s0 =	sadd.s32 s9, s29;
	[tilespmem:s31+$0x9040] =	vst v61;
	v62 =	vadd.s32 v0, v56  }
0x34: {  	s0 =	sshll.u32 s0, $0x4;
	v63 =	vadd.s32 v0, v58;
	[tilespmem:s31+$0x9050] =	vst v62  }
0x35: {  	s0 =	sadd.s32 s4, s0;
	[tilespmem:s31+$0x9060] =	vst v63  }
0x36: {  	[spmem:s16], [sflag:s15] =	dma.local [hbm:s0], $0x2800  }
0x37: {  	_ =	swait.ge [sflag:s13], $0x2800  }
0x38: {  	[sflag:s13] =	ssyncset.done $0x0  }
0x39: {  	[sflag:s13] =	ssyncadd.s32 $0xFFFFD800  }
0x3a: {  	s30 =	simm.s32 $0x0;
	[bflag:$0x0] =	sbarrier.arrive $0xFFFF  }
0x3b: {  	[tilespmem:s30], [sflag:$0x1] =	stream.indirect.gather [hbm4b:s4+s17], $0x80, s18, s17, $0xb8;
	[tilespmem:$0x1F000] =	vst v63  }
0x3c: {  	s31 =	simm.s32 $0x9080  }
0x3d: {  	[tilespmem:s19], [sflag:$0x2] =	stream.indirect.gather [hbm4b:s4+s17], $0x80, s31, s17, $0xb8;
	[tilespmem:$0x1F000] =	vst v63  }
0x3e: {  	_ =	swait.ge [sflag:s20], $0x4000  }
0x3f: {  	[sflag:s20] =	ssyncset.done $0x0  }
0x40: {  	s1 =	simm.s32 $0xA000;
	[sflag:s20] =	ssyncadd.s32 $0xFFFFC000  }
0x41: {  	[spmem:s2] =	stream.indirect.scatter.add.f32 [tilespmem:s3], [sflag:$0x3], $0x80, s1, s17, $0xb8;
	[tilespmem:$0x1F000] =	vst v63  }
0x42: {  	_ =	swait.ge [sflag:s13], $0x4000  }
0x43: {  	[sflag:s13] =	ssyncset.done $0x0  }
0x44: {  	s30 =	simm.s32 $0x9100;
	[sflag:s13] =	ssyncadd.s32 $0xFFFFC000  }
0x45: {  	[tilespmem:s3], [sflag:$0x1] =	stream.indirect.gather [hbm4b:s4+s17], $0x80, s30, s17, $0xb8;
	[tilespmem:$0x1F000] =	vst v63  }
0x46: {  	_ =	swait.ge [sflag:s21], $0x4000  }
0x47: {  	[sflag:s21] =	ssyncset.done $0x0  }
0x48: {  	s31 =	simm.s32 $0xA080;
	[sflag:s21] =	ssyncadd.s32 $0xFFFFC000  }
0x49: {  	[spmem:s2] =	stream.indirect.scatter.add.f32 [tilespmem:s19], [sflag:$0x3], $0x80, s31, s17, $0xb8;
	[tilespmem:$0x1F000] =	vst v63  }
0x4a: {  	_ =	swait.ge [sflag:s13], $0x4000  }
0x4b: {  	s29 =	simm.s32 $0x100;
	s0 =	simm.s32 $0x800;
	[sflag:s13] =	ssyncset.done $0x0  }
.LBB2_5:
0x4c: {  	s30 =	sadd.s32 $0x9080, s29  }
0x4d: {  	[sflag:s13] =	ssyncadd.s32 $0xFFFFC000;
	s31 =	smov.u32 s0;
	s1 =	sadd.s32 $0x400, s0  }
0x4e: {  	[tilespmem:s19], [sflag:$0x2] =	stream.indirect.gather [hbm4b:s4+s17], $0x80, s30, s17, $0xb8;
	[tilespmem:$0x1F000] =	vst v63  }
0x4f: {  	p0 =	sne.s32 s0, $0x3800;
	_ =	swait.ge [sflag:s20], $0x4000  }
0x50: {  	[sflag:s20] =	ssyncset.done $0x0  }
0x51: {  	s0 =	sadd.s32 $0xA000, s29;
	[sflag:s20] =	ssyncadd.s32 $0xFFFFC000  }
0x52: {  	[spmem:s2] =	stream.indirect.scatter.add.f32 [tilespmem:s3], [sflag:$0x3], $0x80, s0, s17, $0xb8;
	[tilespmem:$0x1F000] =	vst v63  }
0x53: {  	_ =	swait.ge [sflag:s13], $0x4000  }
0x54: {  	[sflag:s13] =	ssyncset.done $0x0  }
0x55: {  	s0 =	sadd.s32 $0x9100, s29;
	[sflag:s13] =	ssyncadd.s32 $0xFFFFC000  }
0x56: {  	[tilespmem:s3], [sflag:$0x1] =	stream.indirect.gather [hbm4b:s4+s17], $0x80, s0, s17, $0xb8;
	[tilespmem:$0x1F000] =	vst v63  }
0x57: {  	_ =	swait.ge [sflag:s21], $0x4000  }
.Ltmp1:
0x58: {  	[sflag:s21] =	ssyncset.done $0x0;
	(pc) =	sbr.rel @p0 .LBB2_5-.Ltmp1, $4  }
0x59: {  	s0 =	sadd.s32 $0xA080, s29;
	[sflag:s21] =	ssyncadd.s32 $0xFFFFC000  }
0x5a: {  	[spmem:s2] =	stream.indirect.scatter.add.f32 [tilespmem:s19], [sflag:$0x3], $0x80, s0, s17, $0xb8;
	[tilespmem:$0x1F000] =	vst v63  }
0x5b: {  	_ =	swait.ge [sflag:s13], $0x4000  }
0x5c: {  	s29 =	sshra.s32 s31, $0x2;
	s0 =	smov.u32 s1;
	[sflag:s13] =	ssyncset.done $0x0  }
0x5d: {  	s0 =	sadd.s32 $0x9080, s29;
	[sflag:s13] =	ssyncadd.s32 $0xFFFFC000  }
0x5e: {  	[tilespmem:s19], [sflag:$0x2] =	stream.indirect.gather [hbm4b:s4+s17], $0x80, s0, s17, $0xb8;
	[tilespmem:$0x1F000] =	vst v63  }
0x5f: {  	_ =	swait.ge [sflag:s20], $0x4000  }
0x60: {  	[sflag:s20] =	ssyncset.done $0x0  }
0x61: {  	s31 =	sadd.s32 $0xA000, s29;
	[sflag:s20] =	ssyncadd.s32 $0xFFFFC000  }
0x62: {  	[spmem:s2] =	stream.indirect.scatter.add.f32 [tilespmem:s3], [sflag:$0x3], $0x80, s31, s17, $0xb8;
	[tilespmem:$0x1F000] =	vst v63  }
0x63: {  	_ =	swait.ge [sflag:s13], $0x4000  }
0x64: {  	[sflag:s13] =	ssyncset.done $0x0  }
0x65: {  	s1 =	sadd.s32 $0x9100, s29;
	[sflag:s13] =	ssyncadd.s32 $0xFFFFC000  }
0x66: {  	[tilespmem:s3], [sflag:$0x1] =	stream.indirect.gather [hbm4b:s4+s17], $0x80, s1, s17, $0xb8;
	[tilespmem:$0x1F000] =	vst v63  }
0x67: {  	_ =	swait.ge [sflag:s21], $0x4000  }
0x68: {  	[sflag:s21] =	ssyncset.done $0x0  }
0x69: {  	s30 =	sadd.s32 $0xA080, s29;
	[sflag:s21] =	ssyncadd.s32 $0xFFFFC000  }
0x6a: {  	[spmem:s2] =	stream.indirect.scatter.add.f32 [tilespmem:s19], [sflag:$0x3], $0x80, s30, s17, $0xb8;
	[tilespmem:$0x1F000] =	vst v63  }
0x6b: {  	_ =	swait.ge [sflag:s13], $0x4000  }
0x6c: {  	[sflag:s13] =	ssyncset.done $0x0  }
0x6d: {  	[sflag:s13] =	ssyncadd.s32 $0xFFFFC000  }
0x6e: {  	[tilespmem:s19], [sflag:$0x2] =	stream.indirect.gather [hbm4b:s4+s17], $0x80, s22, s17, $0xb8;
	[tilespmem:$0x1F000] =	vst v63  }
0x6f: {  	_ =	swait.ge [sflag:s20], $0x4000  }
0x70: {  	[sflag:s20] =	ssyncset.done $0x0  }
0x71: {  	[sflag:s20] =	ssyncadd.s32 $0xFFFFC000  }
0x72: {  	[spmem:s2] =	stream.indirect.scatter.add.f32 [tilespmem:s3], [sflag:$0x3], $0x80, s23, s17, $0xb8;
	[tilespmem:$0x1F000] =	vst v63  }
0x73: {  	_ =	swait.ge [sflag:s13], $0x4000  }
0x74: {  	[sflag:s13] =	ssyncset.done $0x0  }
0x75: {  	[sflag:s13] =	ssyncadd.s32 $0xFFFFC000  }
0x76: {  	_ =	swait.ge [sflag:s21], $0x4000  }
0x77: {  	[sflag:s21] =	ssyncset.done $0x0  }
0x78: {  	s31 =	smul.u32 $0x140000, s28;
	[sflag:s21] =	ssyncadd.s32 $0xFFFFC000  }
0x79: {  	[spmem:s2] =	stream.indirect.scatter.add.f32 [tilespmem:s19], [sflag:$0x3], $0x80, s24, s17, $0xb8;
	[tilespmem:$0x1F000] =	vst v63  }
0x7a: {  	_ =	swait.ge [sflag:s13], $0x4000  }
0x7b: {  	s0 =	sadd.s32 s10, s31;
	[sflag:s13] =	ssyncset.done $0x0  }
0x7c: {  	s26 =	sadd.s32 $0x1, s26;
	s0 =	sshrl.u32 s0, $0x3;
	[sflag:s13] =	ssyncadd.s32 $0xFFFFC000  }
0x7d: {  	p0 =	sne.s32 s26, $0x4;
	s0 =	sadd.s32 s5, s0;
	[bflag:$0x0] =	sbarrier.arrive $0xFFFF  }
0x7e: {  	[hbm:s0], [sflag:s15] =	dma.local [spmem:s16], $0x2800  }
.Ltmp2:
0x7f: {  	_ =	swait.ge [sflag:s13], $0x2800;
	(pc) =	sbr.rel @p0 .LBB2_2-.Ltmp2, $3  }
0x80: {  	[sflag:s13] =	ssyncset.done $0x0  }
0x81: {  	[sflag:s13] =	ssyncadd.s32 $0xFFFFD800  }
0x82: {  	[bflag:$0x0] =	sbarrier.arrive $0xFFFF;
	_ =	sdelay $0x1  }
0x83: {  	s25 =	sadd.s32 $0x1, s25  }
0x84: {  	p0 =	sne.s32 s25, s11  }
.Ltmp3:
0x85: {  	_ = 	snop;
	(pc) =	sbr.rel @p0 .LBB2_1-.Ltmp3, $1  }
0x86: {  	_ =	sdelay $0x3  }
0x87: {  	_ =	sfence.sel $0x180000  }
0x88: {  	[bflag:$0x0] =	sbarrier.arrive $0xFFFF  }
0x89: {  	_ =	strace $0x9000004A  }
0x8a: {  	s0 =	stileid.u32;
	[bflag:$0x2] =	sbarrier.arrive $0xFFFF  }
0x8b: {  	p0 =	sne.s32 s0, $0x0;
	s0 =	rddreg [dreg:$0x2]  }
0x8c: {  	s0 =	sadd.s32 @!p0 $0x100000, s0  }
0x8d: {  	[sflag:s0] =	ssyncadd.tile.s32 @!p0 $0x1;
	_ =	shalt  }
.Lfunc_end2:
_tile_overlayer_lowered:
.L_overlay_start_2:
0x8e: {  	(tag) =	ssettag $0x2  }
0x8f: {  	s0 =	rddreg [dreg:$0x0];
	s2 =	stileid.u32  }
0x90: {  	s1 =	rddreg [dreg:$0x1];
	p0 =	sne.s32 s2, $0x0  }
0x91: {  	s3 =	rddreg [dreg:$0x2];
	[bflag:$0x3] =	sbarrier.arrive $0xFFFF;
	s2 =	simm.s32 @!p0 $0x1C03  }
0x92: {  	[timem:s3], [sflag:s2] =	dma.local @!p0 [hbm:s0], s1  }
0x93: {  	s0 =	simm.s32 @!p0 $0x3  }
0x94: {  	_ =	swait.ge @!p0 [sflag:s0], s1  }
0x95: {  	s1 =	ssub.s32 @!p0 $0x0, s1;
	[sflag:s0] =	ssyncset.done @!p0 $0x0  }
0x96: {  	[sflag:s0] =	ssyncadd.s32 @!p0 s1  }
0x97: {  	[bflag:$0x3] =	sbarrier.arrive $0xFFFF  }
0x98: {  	_ =	shalt  }

// kernel: kernel.23.cloned.1.call-start
scs
__scs_entry_jumppad:
0x0: {  	(pc) =	sbr.rel $0x88, $3  }
0x1: {  	(tag) =	ssettag $0x0;
	lr =	simm.s32 $0x1  }
0x2: {  	[smem:$0x3F9A] =	sst lr;
	_ =	strace $0xD0000000  }
0x3: {  	_ = 	snop  }
0x4: {  	_ = 	snop  }
0x5: {  	_ = 	snop  }
0x6: {  	_ = 	snop  }
0x7: {  	_ = 	snop  }
__scs_overlays_trampoline_lowered:
0x8: {  	[smem:$0x3FA9] =	sst s0  }
0x9: {  	[smem:$0x3FAA] =	sst s1  }
0xa: {  	[smem:$0x3FAB] =	sst s2  }
0xb: {  	[smem:$0x3FAC] =	sst s3  }
0xc: {  	[smem:$0x3FAD] =	sst s4  }
0xd: {  	[smem:$0x3FAE] =	sst s5  }
0xe: {  	[smem:$0x3FAF] =	sst s6  }
0xf: {  	[smem:$0x3FB0] =	sst s7  }
0x10: {  	[smem:$0x3FB1] =	sst s8  }
0x11: {  	[smem:$0x3FB2] =	sst s9;
	s0 =	simm.s32 @!p0 $0x0  }
0x12: {  	s1 =	sld [smem:$0x3F98];
	s0 =	simm.s32 @p0 $0x1  }
0x13: {  	[smem:$0x3FB3] =	sst s0;
	s0 =	simm.s32 @!p1 $0x0  }
0x14: {  	s2 =	sld [smem:$0x3F97];
	s0 =	simm.s32 @p1 $0x1  }
0x15: {  	[smem:$0x3FB4] =	sst s0;
	s0 =	simm.s32 @!p2 $0x0  }
0x16: {  	s3 =	sld [smem:$0x3FDB];
	s0 =	simm.s32 @p2 $0x1  }
0x17: {  	s4 =	simm.s32 $0x1BF5;
	[smem:$0x3FB6] =	sst s0  }
0x18: {  	s0 =	sld [smem:$0x3F99];
	_ =	swait.ge [sflag:s4], $0x0  }
0x19: {  	s7 =	sld [smem:$0x3F9A]  }
0x1a: {  	s8 =	sadd.s32 $0xFFFFE003, lr  }
0x1b: {  	s9 =	sadd.s32 $0xFFFFFEF7, lr;
	s5 =	simm.s32 $0xFFFFFFFF;
	p2 =	slt.u32 s8, $0xFFFFF086  }
0x1c: {  	p1 =	slt.u32 s9, $0xF7A;
	s5 =	simm.s32 @!p2 $0x0  }
0x1d: {  	s5 =	simm.s32 @p1 $0x1;
	p0 =	seq.s32 s7, s2  }
0x1e: {  	s7 =	smul.u32 @!p0 $0xF7A, s2;
	p2 =	seq.s32 @!p0 s5, $0x0  }
0x1f: {  	s9 =	smul.u32 $0xF7A, s1;
	s8 =	simm.s32 @!p0 $0x1BF5;
	p2 =	por !p2, p0  }
0x20: {  	[sflag:s8] =	ssyncset.s32 @!p0 $0xFFFFF086;
	s6 =	sadd.s32 @!p0 s3, s7;
	s7 =	simm.s32 @!p0 $0x108  }
0x21: {  	s3 =	sadd.s32 s3, s9;
	s6 =	sadd.s32 @!p0 $0x88, s6;
	s7 =	simm.s32 @p2 $0x1082  }
0x22: {  	[simem:s7], [sflag:s8] =	dma.local @!p0 [hbm:s6], $0xF7A  }
0x23: {  	s9 =	sor.u32 $0xD0000000, s2;
	s6 =	simm.s32 $0x108;
	_ =	swait.ge @!p0 [sflag:s8], $0x0  }
0x24: {  	s3 =	sadd.s32 $0x88, s3;
	s6 =	simm.s32 @!p1 $0x1082;
	[sflag:s4] =	ssyncset.s32 $0xFFFFF086  }
0x25: {  	[simem:s6], [sflag:s4] =	dma.local [hbm:s3], $0xF7A  }
0x26: {  	[smem:$0x3F9A] =	sst s1;
	(tag) =	ssettag s2;
	_ =	strace s9  }
0x27: {  	s1 =	sld [smem:$0x3FAA]  }
0x28: {  	s2 =	sld [smem:$0x3FAB]  }
0x29: {  	s4 =	sld [smem:$0x3FAD]  }
0x2a: {  	p0 =	seq.s32 s5, $0x0;
	s5 =	sld [smem:$0x3FAE]  }
0x2b: {  	s6 =	sld [smem:$0x3FAF]  }
0x2c: {  	s7 =	sld [smem:$0x3FB0]  }
0x2d: {  	s3 =	simm.s32 $0x108;
	s8 =	sld [smem:$0x3FB1]  }
0x2e: {  	s3 =	simm.s32 @!p0 $0x1082;
	s9 =	sld [smem:$0x3FB2]  }
0x2f: {  	lr =	sadd.s32 s0, s3;
	s0 =	sld [smem:$0x3FA9]  }
0x30: {  	s3 =	sld [smem:$0x3FAC]  }
0x31: {  	[smem:$0x3FB5] =	sst s10  }
0x32: {  	s10 =	sld [smem:$0x3FB3];
	_ =	sdelay $0x3  }
0x33: {  	p0 =	seq.s32 s10, $0x1;
	s10 =	sld [smem:$0x3FB5];
	_ =	sdelay $0x3  }
0x34: {  	[smem:$0x3FB5] =	sst s10  }
0x35: {  	s10 =	sld [smem:$0x3FB4];
	_ =	sdelay $0x3  }
0x36: {  	p1 =	seq.s32 s10, $0x1;
	s10 =	sld [smem:$0x3FB5];
	_ =	sdelay $0x3  }
0x37: {  	[smem:$0x3FB5] =	sst s10  }
0x38: {  	s10 =	sld [smem:$0x3FB6]  }
0x39: {  	_ = 	snop;
	(pc) =	sbr.ind lr, $3  }
0x3a: {  	_ = 	snop  }
0x3b: {  	_ = 	snop  }
0x3c: {  	p2 =	seq.s32 s10, $0x1;
	s10 =	sld [smem:$0x3FB5]  }
0x3d: {  	_ =	shalt  }
0x3e: {  	_ =	shalt  }
0x3f: {  	_ =	shalt  }
0x40: {  	_ =	shalt  }
0x41: {  	_ =	shalt  }
0x42: {  	_ =	shalt  }
0x43: {  	_ =	shalt  }
0x44: {  	_ =	shalt  }
0x45: {  	_ =	shalt  }
0x46: {  	_ =	shalt  }
0x47: {  	_ =	shalt  }
0x48: {  	_ =	shalt  }
0x49: {  	_ =	shalt  }
0x4a: {  	_ =	shalt  }
0x4b: {  	_ =	shalt  }
0x4c: {  	_ =	shalt  }
0x4d: {  	_ =	shalt  }
0x4e: {  	_ =	shalt  }
0x4f: {  	_ =	shalt  }
0x50: {  	_ =	shalt  }
0x51: {  	_ =	shalt  }
0x52: {  	_ =	shalt  }
0x53: {  	_ =	shalt  }
0x54: {  	_ =	shalt  }
0x55: {  	_ =	shalt  }
0x56: {  	_ =	shalt  }
0x57: {  	_ =	shalt  }
0x58: {  	_ =	shalt  }
0x59: {  	_ =	shalt  }
0x5a: {  	_ =	shalt  }
0x5b: {  	_ =	shalt  }
0x5c: {  	_ =	shalt  }
0x5d: {  	_ =	shalt  }
0x5e: {  	_ =	shalt  }
0x5f: {  	_ =	shalt  }
0x60: {  	_ =	shalt  }
0x61: {  	_ =	shalt  }
0x62: {  	_ =	shalt  }
0x63: {  	_ =	shalt  }
0x64: {  	_ =	shalt  }
0x65: {  	_ =	shalt  }
0x66: {  	_ =	shalt  }
0x67: {  	_ =	shalt  }
0x68: {  	_ =	shalt  }
0x69: {  	_ =	shalt  }
0x6a: {  	_ =	shalt  }
0x6b: {  	_ =	shalt  }
0x6c: {  	_ =	shalt  }
0x6d: {  	_ =	shalt  }
0x6e: {  	_ =	shalt  }
0x6f: {  	_ =	shalt  }
0x70: {  	_ =	shalt  }
0x71: {  	_ =	shalt  }
0x72: {  	_ =	shalt  }
0x73: {  	_ =	shalt  }
0x74: {  	_ =	shalt  }
0x75: {  	_ =	shalt  }
0x76: {  	_ =	shalt  }
0x77: {  	_ =	shalt  }
0x78: {  	_ =	shalt  }
0x79: {  	_ =	shalt  }
0x7a: {  	_ =	shalt  }
0x7b: {  	_ =	shalt  }
0x7c: {  	_ =	shalt  }
0x7d: {  	_ =	shalt  }
0x7e: {  	_ =	shalt  }
0x7f: {  	_ =	shalt  }
0x80: {  	_ =	shalt  }
0x81: {  	_ =	shalt  }
0x82: {  	_ =	shalt  }
0x83: {  	_ =	shalt  }
0x84: {  	_ =	shalt  }
0x85: {  	_ =	shalt  }
0x86: {  	_ =	shalt  }
0x87: {  	_ =	shalt  }
.Lfunc_end0:
.L_simem_size_0:
called_computation.2_lowered:
.L_overlay_start_0:
0x88: {  	s2 =	sld [smem:$0x3FD9]  }
0x89: {  	s3 =	sld [smem:$0x3FFE];
	_ =	sdelay $0x1  }
0x8a: {  	s1 =	srdreg.scid  }
0x8b: {  	s0 =	sand.u32 $0x1, s1  }
0x8c: {  	s16 =	sshll.u32 s0, $0xA;
	s2 =	sadd.s32 s3, s2  }
0x8d: {  	s2 =	sadd.s32 s2, s16  }
0x8e: {  	[smem:$0x3FC1] =	sst s2  }
0x8f: {  	_ = 	snop  }
0x90: {  	(tm) =	ssettm $0x1  }
0x91: {  	s17 =	sld [smem:$0x3FFB];
	_ =	sdelay $0x3  }
0x92: {  	_ =	strace s17  }
0x93: {  	s2 =	sld [smem:$0x3FFC];
	_ =	sdelay $0x3  }
0x94: {  	_ =	strace s2  }
0x95: {  	s2 =	sld [smem:$0x3FFD];
	_ =	sdelay $0x3  }
0x96: {  	_ =	strace s2  }
0x97: {  	_ =	strace $0x8FFFFFFF  }
0x98: {  	s18 =	sld [smem:$0x3FDB];
	_ =	sdelay $0x1  }
0x99: {  	s19 =	simm.s32 $_scs_section_size  }
0x9a: {  	s4 =	simm.s32 $_size__tile_overlayer_lowered;
	s5 =	simm.s32 $_tile_overlayer_lowered  }
0x9b: {  	s22 =	simm.s32 $0x1BFF;
	s21 =	sshll.u32 s5, $0x1;
	s2 =	sadd.s32 s19, s18  }
0x9c: {  	s6 =	simm.s32 $0x0;
	s20 =	sshll.u32 s4, $0x1;
	s4 =	sadd.s32 s21, s2  }
0x9d: {  	[timem:s6], [sflag:s22] =	dma.local [hbm:s4], s20  }
0x9e: {  	_ =	swait.ge [sflag:s22], s20  }
0x9f: {  	s3 =	ssub.s32 $0x0, s20;
	[sflag:s22] =	ssyncset.done $0x0  }
0xa0: {  	[sflag:s22] =	ssyncadd.s32 s3;
	_ =	sdelay $0x1  }
0xa1: {  	s23 =	simm.s32 $0x1B8B  }
0xa2: {  	_ =	swait.ge [sflag:s23], $0x1  }
0xa3: {  	[sflag:s23] =	ssyncset.done $0x0  }
0xa4: {  	s25 =	simm.s32 $0x1B8E;
	s24 =	sld [smem:$0x3FFE];
	[sflag:s23] =	ssyncadd.s32 $0xFFFFFFFF  }
0xa5: {  	s26 =	simm.s32 $execute0_lowered;
	[smem:$0x3FD2] =	sst s25  }
0xa6: {  	s4 =	sshll.u32 s26, $0x1;
	_ =	strace $0x8000004C;
	[dreg:$0x1] =	wrdreg $0xFFFFFFFF  }
0xa7: {  	s28 =	simm.s32 $_size_execute0_lowered;
	s2 =	sadd.s32 s2, s4;
	[dreg:$0x0] =	wrdreg $0x0  }
0xa8: {  	s4 =	sshll.u32 s28, $0x1;
	[dreg:$0x2] =	wrdreg s2  }
0xa9: {  	[dreg:$0x3] =	wrdreg s4  }
0xaa: {  	[dreg:$0x4] =	wrdreg $0xC0  }
0xab: {  	_ =	task [dreg:s6], $0x5FFFF  }
0xac: {  	[dreg:$0x1] =	wrdreg $0xFFFFFFFF  }
0xad: {  	[dreg:$0x0] =	wrdreg $0x60  }
0xae: {  	[dreg:$0x2] =	wrdreg s24  }
0xaf: {  	[dreg:$0x3] =	wrdreg $0xB0000  }
0xb0: {  	[dreg:$0x4] =	wrdreg $0x9  }
0xb1: {  	_ =	task.clear_ibuf [dreg:s6], $0x5FFFF;
	_ =	strace $0x9000004C  }
0xb2: {  	s29 =	simm.s32 $0x9;
	_ =	strace $0x8000004E  }
0xb3: {  	_ =	swait.ge [sflag:s29], $0x1  }
0xb4: {  	[sflag:s29] =	ssyncadd.s32 $0xFFFFFFFF  }
0xb5: {  	_ =	strace $0x9000004E  }
0xb6: {  	_ =	sfence  }
0xb7: {  	s30 =	sld [smem:$0x0];
	_ =	sdelay $0x2  }
0xb8: {  	s31 =	sshll.u32 s1, $0xD;
	s1 =	sshrl.u32 s1, $0x2  }
0xb9: {  	s3 =	sand.u32 $0x4000, s31;
	s1 =	sadd.s32 s1, s30  }
0xba: {  	s0 =	sor.u32 s3, s0;
	s1 =	sshll.u32 s1, $0x11  }
0xbb: {  	s0 =	sor.u32 s1, s0  }
0xbc: {  	s0 =	sadd.s32 $0x8F2B, s0  }
0xbd: {  	[sflag:s0] =	ssyncadd.remote.s32 $0x1  }
0xbe: {  	_ =	sfence.sel $0xFFFF  }
0xbf: {  	[dreg:$0x0] =	wrdreg $0xFFFFFFFF;
	(pc) =	sbr.abs _section_cstart, $3  }
0xc0: {  	[dreg:$0x1] =	wrdreg $0xFFFFFFFF  }
0xc1: {  	_ =	task.clear_ibuf [dreg:s6], $0x2FFFF;
	_ =	strace $0x9FFFFFFF  }
0xc2: {  	(tm) =	ssettm $0x7FFFFFFF  }
0xc3: {  	_ =	shalt  }
tec
execute0_lowered:
.L_overlay_start_1:
0x0: {  	(tag) =	ssettag $0x1  }
0x1: {  	s0 =	rddreg [dreg:$0x0]  }
0x2: {  	s2 =	rddreg [dreg:$0x1];
	s3 =	simm.s32 $0x0  }
0x3: {  	s1 =	stileid.u32;
	s4 =	srdreg.scid;
	s12 =	simm.s32 $0x8000  }
0x4: {  	s13 =	simm.s32 $0x3;
	s14 =	simm.s32 $0xA000;
	s17 =	simm.s32 $0x80  }
0x5: {  	s18 =	simm.s32 $0x9000;
	s19 =	simm.s32 $0x4000;
	s20 =	simm.s32 $0x1  }
0x6: {  	s21 =	simm.s32 $0x2;
	s22 =	simm.s32 $0x9F80;
	s23 =	simm.s32 $0xAF00  }
0x7: {  	s24 =	simm.s32 $0xAF80;
	s25 =	simm.s32 $0x0;
	[smem:$0x7FF] =	sst s3  }
0x8: {  	s5 =	sshll.u32 s1, $0x9;
	s8 =	sand.u32 $0x1, s4;
	s4 =	sadd.s32 $0x1D3400, s0  }
0x9: {  	s9 =	smul.u32 $0x50000, s1;
	s31 =	sshll.u32 s1, $0x6;
	_ =	strace $0x8000004D  }
0xa: {  	s7 =	sadd.s32 s5, s0;
	s6 =	ssub.s32 $0x2, s8;
	s5 =	sadd.s32 $0x313400, s0  }
0xb: {  	s8 =	sshll.u32 s8, $0x2;
	s15 =	sor.u32 $0x1C03, s31;
	s30 =	sshrl.u32 s6, $0x1  }
0xc: {  	s10 =	sshrl.u32 s9, $0x2;
	s9 =	smul.u32 $0x280, s1;
	s0 =	ssub.s32 s6, s30  }
0xd: {  	s6 =	sadd.s32 $0x3C00, s7;
	s7 =	sadd.s32 $0x5C00, s7;
	s16 =	sadd.s32 s10, s2  }
0xe: {  	s10 =	smul.u32 $0x14000, s1;
	s11 =	smax.u32 s0, $0x1;
	s16 =	sshrl.u32 s16, $0x3  }
.LBB2_1:
0xf: {  	[tilespmem:s12], [sflag:$0x3] =	stream.linear.gather [hbm4b:s6+s3], $0x1000, $0x38;
	[tilespmem:$0x1F000] =	vst v63  }
0x10: {  	_ =	swait.ge [sflag:s13], $0x1000  }
0x11: {  	[sflag:s13] =	ssyncset.done $0x0  }
0x12: {  	[sflag:s13] =	ssyncadd.s32 $0xFFFFF000  }
0x13: {  	[tilespmem:s14], [sflag:$0x3] =	stream.linear.gather [hbm4b:s7+s3], $0x1000, $0x38;
	[tilespmem:$0x1F000] =	vst v63  }
0x14: {  	_ =	swait.ge [sflag:s13], $0x1000  }
0x15: {  	[sflag:s13] =	ssyncset.done $0x0  }
0x16: {  	s26 =	simm.s32 $0x0;
	[sflag:s13] =	ssyncadd.s32 $0xFFFFF000  }
.LBB2_2:
0x17: {  	s30 =	simm.s32 $0x0  }
0x18: {  	v3 =	vld [tilespmem:s30+$0x8070]  }
0x19: {  	s28 =	sadd.s32 s8, s26;
	v5 =	vld [tilespmem:s30+$0x8000]  }
0x1a: {  	v6 =	vld [tilespmem:s30+$0x8010];
	s29 =	smul.u32 $0x2800, s28  }
0x1b: {  	v4 =	vld [tilespmem:s30+$0x8020]  }
0x1c: {  	v2 =	vld [tilespmem:s30+$0x8030];
	v0 =	vmov s29  }
0x1d: {  	v1 =	vld [tilespmem:s30+$0x8040];
	v7 =	vadd.s32 v0, v3  }
0x1e: {  	v3 =	vld [tilespmem:s30+$0x8050];
	v5 =	vadd.s32 v0, v5;
	[tilespmem:s30+$0x9070] =	vst v7  }
0x1f: {  	s31 =	simm.s32 $0x80;
	s0 =	simm.s32 $0x400;
	v6 =	vadd.s32 v0, v6;
	[tilespmem:s30+$0x9000] =	vst v5;
	v5 =	vld [tilespmem:s30+$0x8060]  }
.LBB2_3:
0x20: {  	p0 =	sne.s32 s0, $0x3E00;
	v7 =	vld [tilespmem:s31+$0x8070];
	[tilespmem:s30+$0x9010] =	vst v6;
	v4 =	vadd.s32 v0, v4  }
0x21: {  	v6 =	vld [tilespmem:s31+$0x8000];
	[tilespmem:s30+$0x9020] =	vst v4;
	v2 =	vadd.s32 v0, v2  }
0x22: {  	v8 =	vld [tilespmem:s31+$0x8010];
	[tilespmem:s30+$0x9030] =	vst v2;
	v1 =	vadd.s32 v0, v1  }
.Ltmp0:
0x23: {  	v4 =	vld [tilespmem:s31+$0x8020];
	[tilespmem:s30+$0x9040] =	vst v1;
	v1 =	vadd.s32 v0, v3;
	(pc) =	sbr.rel @p0 .LBB2_3-.Ltmp0, $4  }
0x24: {  	v2 =	vld [tilespmem:s31+$0x8030];
	[tilespmem:s30+$0x9050] =	vst v1;
	v3 =	vadd.s32 v0, v5  }
0x25: {  	v1 =	vld [tilespmem:s31+$0x8040];
	v5 =	vadd.s32 v0, v7;
	[tilespmem:s30+$0x9060] =	vst v3;
	s30 =	smov.u32 s31  }
0x26: {  	v6 =	vadd.s32 v0, v6;
	v3 =	vld [tilespmem:s30+$0x8050];
	[tilespmem:s30+$0x9070] =	vst v5  }
0x27: {  	s31 =	sshra.s32 s0, $0x2;
	s0 =	sadd.s32 $0x200, s0;
	[tilespmem:s30+$0x9000] =	vst v6;
	v6 =	vadd.s32 v0, v8;
	v5 =	vld [tilespmem:s30+$0x8060]  }
0x28: {  	v7 =	vld [tilespmem:s31+$0x8070];
	[tilespmem:s30+$0x9010] =	vst v6;
	v4 =	vadd.s32 v0, v4  }
0x29: {  	v6 =	vld [tilespmem:s31+$0x8000];
	[tilespmem:s30+$0x9020] =	vst v4;
	v2 =	vadd.s32 v0, v2  }
0x2a: {  	v4 =	vld [tilespmem:s31+$0x8010];
	[tilespmem:s30+$0x9030] =	vst v2;
	v1 =	vadd.s32 v0, v1  }
0x2b: {  	v2 =	vld [tilespmem:s31+$0x8020];
	[tilespmem:s30+$0x9040] =	vst v1;
	v51 =	vadd.s32 v0, v3  }
0x2c: {  	v52 =	vld [tilespmem:s31+$0x8030];
	[tilespmem:s30+$0x9050] =	vst v51;
	v53 =	vadd.s32 v0, v5  }
0x2d: {  	v54 =	vld [tilespmem:s31+$0x8040];
	[tilespmem:s30+$0x9060] =	vst v53;
	v55 =	vadd.s32 v0, v7  }
0x2e: {  	v56 =	vld [tilespmem:s31+$0x8050];
	v6 =	vadd.s32 v0, v6;
	[tilespmem:s31+$0x9070] =	vst v55  }
0x2f: {  	v58 =	vld [tilespmem:s31+$0x8060];
	[tilespmem:s31+$0x9000] =	vst v6;
	v57 =	vadd.s32 v0, v4  }
0x30: {  	[tilespmem:s31+$0x9010] =	vst v57;
	v59 =	vadd.s32 v0, v2  }
0x31: {  	[tilespmem:s31+$0x9020] =	vst v59;
	v60 =	vadd.s32 v0, v52  }
0x32: {  	[tilespmem:s31+$0x9030] =	vst v60;
	v61 =	vadd.s32 v0, v54  }
0x33: {  	s0 =	sadd.s32 s9, s29;
	[tilespmem:s31+$0x9040] =	vst v61;
	v62 =	vadd.s32 v0, v56  }
0x34: {  	s0 =	sshll.u32 s0, $0x4;
	v63 =	vadd.s32 v0, v58;
	[tilespmem:s31+$0x9050] =	vst v62  }
0x35: {  	s0 =	sadd.s32 s4, s0;
	[tilespmem:s31+$0x9060] =	vst v63  }
0x36: {  	[spmem:s16], [sflag:s15] =	dma.local [hbm:s0], $0x2800  }
0x37: {  	_ =	swait.ge [sflag:s13], $0x2800  }
0x38: {  	[sflag:s13] =	ssyncset.done $0x0  }
0x39: {  	[sflag:s13] =	ssyncadd.s32 $0xFFFFD800  }
0x3a: {  	s30 =	simm.s32 $0x0;
	[bflag:$0x0] =	sbarrier.arrive $0xFFFF  }
0x3b: {  	[tilespmem:s30], [sflag:$0x1] =	stream.indirect.gather [hbm4b:s4+s17], $0x80, s18, s17, $0xb8;
	[tilespmem:$0x1F000] =	vst v63  }
0x3c: {  	s31 =	simm.s32 $0x9080  }
0x3d: {  	[tilespmem:s19], [sflag:$0x2] =	stream.indirect.gather [hbm4b:s4+s17], $0x80, s31, s17, $0xb8;
	[tilespmem:$0x1F000] =	vst v63  }
0x3e: {  	_ =	swait.ge [sflag:s20], $0x4000  }
0x3f: {  	[sflag:s20] =	ssyncset.done $0x0  }
0x40: {  	s1 =	simm.s32 $0xA000;
	[sflag:s20] =	ssyncadd.s32 $0xFFFFC000  }
0x41: {  	[spmem:s2] =	stream.indirect.scatter.add.f32 [tilespmem:s3], [sflag:$0x3], $0x80, s1, s17, $0xb8;
	[tilespmem:$0x1F000] =	vst v63  }
0x42: {  	_ =	swait.ge [sflag:s13], $0x4000  }
0x43: {  	[sflag:s13] =	ssyncset.done $0x0  }
0x44: {  	s30 =	simm.s32 $0x9100;
	[sflag:s13] =	ssyncadd.s32 $0xFFFFC000  }
0x45: {  	[tilespmem:s3], [sflag:$0x1] =	stream.indirect.gather [hbm4b:s4+s17], $0x80, s30, s17, $0xb8;
	[tilespmem:$0x1F000] =	vst v63  }
0x46: {  	_ =	swait.ge [sflag:s21], $0x4000  }
0x47: {  	[sflag:s21] =	ssyncset.done $0x0  }
0x48: {  	s31 =	simm.s32 $0xA080;
	[sflag:s21] =	ssyncadd.s32 $0xFFFFC000  }
0x49: {  	[spmem:s2] =	stream.indirect.scatter.add.f32 [tilespmem:s19], [sflag:$0x3], $0x80, s31, s17, $0xb8;
	[tilespmem:$0x1F000] =	vst v63  }
0x4a: {  	_ =	swait.ge [sflag:s13], $0x4000  }
0x4b: {  	s29 =	simm.s32 $0x100;
	s0 =	simm.s32 $0x800;
	[sflag:s13] =	ssyncset.done $0x0  }
.LBB2_5:
0x4c: {  	s30 =	sadd.s32 $0x9080, s29  }
0x4d: {  	[sflag:s13] =	ssyncadd.s32 $0xFFFFC000;
	s31 =	smov.u32 s0;
	s1 =	sadd.s32 $0x400, s0  }
0x4e: {  	[tilespmem:s19], [sflag:$0x2] =	stream.indirect.gather [hbm4b:s4+s17], $0x80, s30, s17, $0xb8;
	[tilespmem:$0x1F000] =	vst v63  }
0x4f: {  	p0 =	sne.s32 s0, $0x3800;
	_ =	swait.ge [sflag:s20], $0x4000  }
0x50: {  	[sflag:s20] =	ssyncset.done $0x0  }
0x51: {  	s0 =	sadd.s32 $0xA000, s29;
	[sflag:s20] =	ssyncadd.s32 $0xFFFFC000  }
0x52: {  	[spmem:s2] =	stream.indirect.scatter.add.f32 [tilespmem:s3], [sflag:$0x3], $0x80, s0, s17, $0xb8;
	[tilespmem:$0x1F000] =	vst v63  }
0x53: {  	_ =	swait.ge [sflag:s13], $0x4000  }
0x54: {  	[sflag:s13] =	ssyncset.done $0x0  }
0x55: {  	s0 =	sadd.s32 $0x9100, s29;
	[sflag:s13] =	ssyncadd.s32 $0xFFFFC000  }
0x56: {  	[tilespmem:s3], [sflag:$0x1] =	stream.indirect.gather [hbm4b:s4+s17], $0x80, s0, s17, $0xb8;
	[tilespmem:$0x1F000] =	vst v63  }
0x57: {  	_ =	swait.ge [sflag:s21], $0x4000  }
.Ltmp1:
0x58: {  	[sflag:s21] =	ssyncset.done $0x0;
	(pc) =	sbr.rel @p0 .LBB2_5-.Ltmp1, $4  }
0x59: {  	s0 =	sadd.s32 $0xA080, s29;
	[sflag:s21] =	ssyncadd.s32 $0xFFFFC000  }
0x5a: {  	[spmem:s2] =	stream.indirect.scatter.add.f32 [tilespmem:s19], [sflag:$0x3], $0x80, s0, s17, $0xb8;
	[tilespmem:$0x1F000] =	vst v63  }
0x5b: {  	_ =	swait.ge [sflag:s13], $0x4000  }
0x5c: {  	s29 =	sshra.s32 s31, $0x2;
	s0 =	smov.u32 s1;
	[sflag:s13] =	ssyncset.done $0x0  }
0x5d: {  	s0 =	sadd.s32 $0x9080, s29;
	[sflag:s13] =	ssyncadd.s32 $0xFFFFC000  }
0x5e: {  	[tilespmem:s19], [sflag:$0x2] =	stream.indirect.gather [hbm4b:s4+s17], $0x80, s0, s17, $0xb8;
	[tilespmem:$0x1F000] =	vst v63  }
0x5f: {  	_ =	swait.ge [sflag:s20], $0x4000  }
0x60: {  	[sflag:s20] =	ssyncset.done $0x0  }
0x61: {  	s31 =	sadd.s32 $0xA000, s29;
	[sflag:s20] =	ssyncadd.s32 $0xFFFFC000  }
0x62: {  	[spmem:s2] =	stream.indirect.scatter.add.f32 [tilespmem:s3], [sflag:$0x3], $0x80, s31, s17, $0xb8;
	[tilespmem:$0x1F000] =	vst v63  }
0x63: {  	_ =	swait.ge [sflag:s13], $0x4000  }
0x64: {  	[sflag:s13] =	ssyncset.done $0x0  }
0x65: {  	s1 =	sadd.s32 $0x9100, s29;
	[sflag:s13] =	ssyncadd.s32 $0xFFFFC000  }
0x66: {  	[tilespmem:s3], [sflag:$0x1] =	stream.indirect.gather [hbm4b:s4+s17], $0x80, s1, s17, $0xb8;
	[tilespmem:$0x1F000] =	vst v63  }
0x67: {  	_ =	swait.ge [sflag:s21], $0x4000  }
0x68: {  	[sflag:s21] =	ssyncset.done $0x0  }
0x69: {  	s30 =	sadd.s32 $0xA080, s29;
	[sflag:s21] =	ssyncadd.s32 $0xFFFFC000  }
0x6a: {  	[spmem:s2] =	stream.indirect.scatter.add.f32 [tilespmem:s19], [sflag:$0x3], $0x80, s30, s17, $0xb8;
	[tilespmem:$0x1F000] =	vst v63  }
0x6b: {  	_ =	swait.ge [sflag:s13], $0x4000  }
0x6c: {  	[sflag:s13] =	ssyncset.done $0x0  }
0x6d: {  	[sflag:s13] =	ssyncadd.s32 $0xFFFFC000  }
0x6e: {  	[tilespmem:s19], [sflag:$0x2] =	stream.indirect.gather [hbm4b:s4+s17], $0x80, s22, s17, $0xb8;
	[tilespmem:$0x1F000] =	vst v63  }
0x6f: {  	_ =	swait.ge [sflag:s20], $0x4000  }
0x70: {  	[sflag:s20] =	ssyncset.done $0x0  }
0x71: {  	[sflag:s20] =	ssyncadd.s32 $0xFFFFC000  }
0x72: {  	[spmem:s2] =	stream.indirect.scatter.add.f32 [tilespmem:s3], [sflag:$0x3], $0x80, s23, s17, $0xb8;
	[tilespmem:$0x1F000] =	vst v63  }
0x73: {  	_ =	swait.ge [sflag:s13], $0x4000  }
0x74: {  	[sflag:s13] =	ssyncset.done $0x0  }
0x75: {  	[sflag:s13] =	ssyncadd.s32 $0xFFFFC000  }
0x76: {  	_ =	swait.ge [sflag:s21], $0x4000  }
0x77: {  	[sflag:s21] =	ssyncset.done $0x0  }
0x78: {  	s31 =	smul.u32 $0x140000, s28;
	[sflag:s21] =	ssyncadd.s32 $0xFFFFC000  }
0x79: {  	[spmem:s2] =	stream.indirect.scatter.add.f32 [tilespmem:s19], [sflag:$0x3], $0x80, s24, s17, $0xb8;
	[tilespmem:$0x1F000] =	vst v63  }
0x7a: {  	_ =	swait.ge [sflag:s13], $0x4000  }
0x7b: {  	s0 =	sadd.s32 s10, s31;
	[sflag:s13] =	ssyncset.done $0x0  }
0x7c: {  	s26 =	sadd.s32 $0x1, s26;
	s0 =	sshrl.u32 s0, $0x3;
	[sflag:s13] =	ssyncadd.s32 $0xFFFFC000  }
0x7d: {  	p0 =	sne.s32 s26, $0x4;
	s0 =	sadd.s32 s5, s0;
	[bflag:$0x0] =	sbarrier.arrive $0xFFFF  }
0x7e: {  	[hbm:s0], [sflag:s15] =	dma.local [spmem:s16], $0x2800  }
.Ltmp2:
0x7f: {  	_ =	swait.ge [sflag:s13], $0x2800;
	(pc) =	sbr.rel @p0 .LBB2_2-.Ltmp2, $3  }
0x80: {  	[sflag:s13] =	ssyncset.done $0x0  }
0x81: {  	[sflag:s13] =	ssyncadd.s32 $0xFFFFD800  }
0x82: {  	[bflag:$0x0] =	sbarrier.arrive $0xFFFF;
	_ =	sdelay $0x1  }
0x83: {  	s25 =	sadd.s32 $0x1, s25  }
0x84: {  	p0 =	sne.s32 s25, s11  }
.Ltmp3:
0x85: {  	_ = 	snop;
	(pc) =	sbr.rel @p0 .LBB2_1-.Ltmp3, $1  }
0x86: {  	_ =	sdelay $0x3  }
0x87: {  	_ =	sfence.sel $0x180000  }
0x88: {  	[bflag:$0x0] =	sbarrier.arrive $0xFFFF  }
0x89: {  	_ =	strace $0x9000004D  }
0x8a: {  	s0 =	stileid.u32;
	[bflag:$0x2] =	sbarrier.arrive $0xFFFF  }
0x8b: {  	p0 =	sne.s32 s0, $0x0;
	s0 =	rddreg [dreg:$0x2]  }
0x8c: {  	s0 =	sadd.s32 @!p0 $0x100000, s0  }
0x8d: {  	[sflag:s0] =	ssyncadd.tile.s32 @!p0 $0x1;
	_ =	shalt  }
.Lfunc_end2:
_tile_overlayer_lowered:
.L_overlay_start_2:
0x8e: {  	(tag) =	ssettag $0x2  }
0x8f: {  	s0 =	rddreg [dreg:$0x0];
	s2 =	stileid.u32  }
0x90: {  	s1 =	rddreg [dreg:$0x1];
	p0 =	sne.s32 s2, $0x0  }
0x91: {  	s3 =	rddreg [dreg:$0x2];
	[bflag:$0x3] =	sbarrier.arrive $0xFFFF;
	s2 =	simm.s32 @!p0 $0x1C03  }
0x92: {  	[timem:s3], [sflag:s2] =	dma.local @!p0 [hbm:s0], s1  }
0x93: {  	s0 =	simm.s32 @!p0 $0x3  }
0x94: {  	_ =	swait.ge @!p0 [sflag:s0], s1  }
0x95: {  	s1 =	ssub.s32 @!p0 $0x0, s1;
	[sflag:s0] =	ssyncset.done @!p0 $0x0  }
0x96: {  	[sflag:s0] =	ssyncadd.s32 @!p0 s1  }
0x97: {  	[bflag:$0x3] =	sbarrier.arrive $0xFFFF  }
0x98: {  	_ =	shalt  }

// kernel: kernel.26.cloned.1.call-start
scs
__scs_entry_jumppad:
0x0: {  	(pc) =	sbr.rel $0x88, $3  }
0x1: {  	(tag) =	ssettag $0x0;
	lr =	simm.s32 $0x1  }
0x2: {  	[smem:$0x3F9A] =	sst lr;
	_ =	strace $0xD0000000  }
0x3: {  	_ = 	snop  }
0x4: {  	_ = 	snop  }
0x5: {  	_ = 	snop  }
0x6: {  	_ = 	snop  }
0x7: {  	_ = 	snop  }
__scs_overlays_trampoline_lowered:
0x8: {  	[smem:$0x3FA9] =	sst s0  }
0x9: {  	[smem:$0x3FAA] =	sst s1  }
0xa: {  	[smem:$0x3FAB] =	sst s2  }
0xb: {  	[smem:$0x3FAC] =	sst s3  }
0xc: {  	[smem:$0x3FAD] =	sst s4  }
0xd: {  	[smem:$0x3FAE] =	sst s5  }
0xe: {  	[smem:$0x3FAF] =	sst s6  }
0xf: {  	[smem:$0x3FB0] =	sst s7  }
0x10: {  	[smem:$0x3FB1] =	sst s8  }
0x11: {  	[smem:$0x3FB2] =	sst s9;
	s0 =	simm.s32 @!p0 $0x0  }
0x12: {  	s1 =	sld [smem:$0x3F98];
	s0 =	simm.s32 @p0 $0x1  }
0x13: {  	[smem:$0x3FB3] =	sst s0;
	s0 =	simm.s32 @!p1 $0x0  }
0x14: {  	s2 =	sld [smem:$0x3F97];
	s0 =	simm.s32 @p1 $0x1  }
0x15: {  	[smem:$0x3FB4] =	sst s0;
	s0 =	simm.s32 @!p2 $0x0  }
0x16: {  	s3 =	sld [smem:$0x3FDB];
	s0 =	simm.s32 @p2 $0x1  }
0x17: {  	s4 =	simm.s32 $0x1BF5;
	[smem:$0x3FB6] =	sst s0  }
0x18: {  	s0 =	sld [smem:$0x3F99];
	_ =	swait.ge [sflag:s4], $0x0  }
0x19: {  	s7 =	sld [smem:$0x3F9A]  }
0x1a: {  	s8 =	sadd.s32 $0xFFFFE003, lr  }
0x1b: {  	s9 =	sadd.s32 $0xFFFFFEF7, lr;
	s5 =	simm.s32 $0xFFFFFFFF;
	p2 =	slt.u32 s8, $0xFFFFF086  }
0x1c: {  	p1 =	slt.u32 s9, $0xF7A;
	s5 =	simm.s32 @!p2 $0x0  }
0x1d: {  	s5 =	simm.s32 @p1 $0x1;
	p0 =	seq.s32 s7, s2  }
0x1e: {  	s7 =	smul.u32 @!p0 $0xF7A, s2;
	p2 =	seq.s32 @!p0 s5, $0x0  }
0x1f: {  	s9 =	smul.u32 $0xF7A, s1;
	s8 =	simm.s32 @!p0 $0x1BF5;
	p2 =	por !p2, p0  }
0x20: {  	[sflag:s8] =	ssyncset.s32 @!p0 $0xFFFFF086;
	s6 =	sadd.s32 @!p0 s3, s7;
	s7 =	simm.s32 @!p0 $0x108  }
0x21: {  	s3 =	sadd.s32 s3, s9;
	s6 =	sadd.s32 @!p0 $0x88, s6;
	s7 =	simm.s32 @p2 $0x1082  }
0x22: {  	[simem:s7], [sflag:s8] =	dma.local @!p0 [hbm:s6], $0xF7A  }
0x23: {  	s9 =	sor.u32 $0xD0000000, s2;
	s6 =	simm.s32 $0x108;
	_ =	swait.ge @!p0 [sflag:s8], $0x0  }
0x24: {  	s3 =	sadd.s32 $0x88, s3;
	s6 =	simm.s32 @!p1 $0x1082;
	[sflag:s4] =	ssyncset.s32 $0xFFFFF086  }
0x25: {  	[simem:s6], [sflag:s4] =	dma.local [hbm:s3], $0xF7A  }
0x26: {  	[smem:$0x3F9A] =	sst s1;
	(tag) =	ssettag s2;
	_ =	strace s9  }
0x27: {  	s1 =	sld [smem:$0x3FAA]  }
0x28: {  	s2 =	sld [smem:$0x3FAB]  }
0x29: {  	s4 =	sld [smem:$0x3FAD]  }
0x2a: {  	p0 =	seq.s32 s5, $0x0;
	s5 =	sld [smem:$0x3FAE]  }
0x2b: {  	s6 =	sld [smem:$0x3FAF]  }
0x2c: {  	s7 =	sld [smem:$0x3FB0]  }
0x2d: {  	s3 =	simm.s32 $0x108;
	s8 =	sld [smem:$0x3FB1]  }
0x2e: {  	s3 =	simm.s32 @!p0 $0x1082;
	s9 =	sld [smem:$0x3FB2]  }
0x2f: {  	lr =	sadd.s32 s0, s3;
	s0 =	sld [smem:$0x3FA9]  }
0x30: {  	s3 =	sld [smem:$0x3FAC]  }
0x31: {  	[smem:$0x3FB5] =	sst s10  }
0x32: {  	s10 =	sld [smem:$0x3FB3];
	_ =	sdelay $0x3  }
0x33: {  	p0 =	seq.s32 s10, $0x1;
	s10 =	sld [smem:$0x3FB5];
	_ =	sdelay $0x3  }
0x34: {  	[smem:$0x3FB5] =	sst s10  }
0x35: {  	s10 =	sld [smem:$0x3FB4];
	_ =	sdelay $0x3  }
0x36: {  	p1 =	seq.s32 s10, $0x1;
	s10 =	sld [smem:$0x3FB5];
	_ =	sdelay $0x3  }
0x37: {  	[smem:$0x3FB5] =	sst s10  }
0x38: {  	s10 =	sld [smem:$0x3FB6]  }
0x39: {  	_ = 	snop;
	(pc) =	sbr.ind lr, $3  }
0x3a: {  	_ = 	snop  }
0x3b: {  	_ = 	snop  }
0x3c: {  	p2 =	seq.s32 s10, $0x1;
	s10 =	sld [smem:$0x3FB5]  }
0x3d: {  	_ =	shalt  }
0x3e: {  	_ =	shalt  }
0x3f: {  	_ =	shalt  }
0x40: {  	_ =	shalt  }
0x41: {  	_ =	shalt  }
0x42: {  	_ =	shalt  }
0x43: {  	_ =	shalt  }
0x44: {  	_ =	shalt  }
0x45: {  	_ =	shalt  }
0x46: {  	_ =	shalt  }
0x47: {  	_ =	shalt  }
0x48: {  	_ =	shalt  }
0x49: {  	_ =	shalt  }
0x4a: {  	_ =	shalt  }
0x4b: {  	_ =	shalt  }
0x4c: {  	_ =	shalt  }
0x4d: {  	_ =	shalt  }
0x4e: {  	_ =	shalt  }
0x4f: {  	_ =	shalt  }
0x50: {  	_ =	shalt  }
0x51: {  	_ =	shalt  }
0x52: {  	_ =	shalt  }
0x53: {  	_ =	shalt  }
0x54: {  	_ =	shalt  }
0x55: {  	_ =	shalt  }
0x56: {  	_ =	shalt  }
0x57: {  	_ =	shalt  }
0x58: {  	_ =	shalt  }
0x59: {  	_ =	shalt  }
0x5a: {  	_ =	shalt  }
0x5b: {  	_ =	shalt  }
0x5c: {  	_ =	shalt  }
0x5d: {  	_ =	shalt  }
0x5e: {  	_ =	shalt  }
0x5f: {  	_ =	shalt  }
0x60: {  	_ =	shalt  }
0x61: {  	_ =	shalt  }
0x62: {  	_ =	shalt  }
0x63: {  	_ =	shalt  }
0x64: {  	_ =	shalt  }
0x65: {  	_ =	shalt  }
0x66: {  	_ =	shalt  }
0x67: {  	_ =	shalt  }
0x68: {  	_ =	shalt  }
0x69: {  	_ =	shalt  }
0x6a: {  	_ =	shalt  }
0x6b: {  	_ =	shalt  }
0x6c: {  	_ =	shalt  }
0x6d: {  	_ =	shalt  }
0x6e: {  	_ =	shalt  }
0x6f: {  	_ =	shalt  }
0x70: {  	_ =	shalt  }
0x71: {  	_ =	shalt  }
0x72: {  	_ =	shalt  }
0x73: {  	_ =	shalt  }
0x74: {  	_ =	shalt  }
0x75: {  	_ =	shalt  }
0x76: {  	_ =	shalt  }
0x77: {  	_ =	shalt  }
0x78: {  	_ =	shalt  }
0x79: {  	_ =	shalt  }
0x7a: {  	_ =	shalt  }
0x7b: {  	_ =	shalt  }
0x7c: {  	_ =	shalt  }
0x7d: {  	_ =	shalt  }
0x7e: {  	_ =	shalt  }
0x7f: {  	_ =	shalt  }
0x80: {  	_ =	shalt  }
0x81: {  	_ =	shalt  }
0x82: {  	_ =	shalt  }
0x83: {  	_ =	shalt  }
0x84: {  	_ =	shalt  }
0x85: {  	_ =	shalt  }
0x86: {  	_ =	shalt  }
0x87: {  	_ =	shalt  }
.Lfunc_end0:
.L_simem_size_0:
called_computation.3_lowered:
.L_overlay_start_0:
0x88: {  	s2 =	sld [smem:$0x3FD9]  }
0x89: {  	s3 =	sld [smem:$0x3FFE];
	_ =	sdelay $0x1  }
0x8a: {  	s1 =	srdreg.scid  }
0x8b: {  	s0 =	sand.u32 $0x1, s1  }
0x8c: {  	s16 =	sshll.u32 s0, $0xA;
	s2 =	sadd.s32 s3, s2  }
0x8d: {  	s2 =	sadd.s32 s2, s16  }
0x8e: {  	[smem:$0x3FC1] =	sst s2  }
0x8f: {  	_ = 	snop  }
0x90: {  	(tm) =	ssettm $0x1  }
0x91: {  	s17 =	sld [smem:$0x3FFB];
	_ =	sdelay $0x3  }
0x92: {  	_ =	strace s17  }
0x93: {  	s2 =	sld [smem:$0x3FFC];
	_ =	sdelay $0x3  }
0x94: {  	_ =	strace s2  }
0x95: {  	s2 =	sld [smem:$0x3FFD];
	_ =	sdelay $0x3  }
0x96: {  	_ =	strace s2  }
0x97: {  	_ =	strace $0x8FFFFFFF  }
0x98: {  	s18 =	sld [smem:$0x3FDB];
	_ =	sdelay $0x1  }
0x99: {  	s19 =	simm.s32 $_scs_section_size  }
0x9a: {  	s4 =	simm.s32 $_size__tile_overlayer_lowered;
	s5 =	simm.s32 $_tile_overlayer_lowered  }
0x9b: {  	s22 =	simm.s32 $0x1BFF;
	s21 =	sshll.u32 s5, $0x1;
	s2 =	sadd.s32 s19, s18  }
0x9c: {  	s6 =	simm.s32 $0x0;
	s20 =	sshll.u32 s4, $0x1;
	s4 =	sadd.s32 s21, s2  }
0x9d: {  	[timem:s6], [sflag:s22] =	dma.local [hbm:s4], s20  }
0x9e: {  	_ =	swait.ge [sflag:s22], s20  }
0x9f: {  	s3 =	ssub.s32 $0x0, s20;
	[sflag:s22] =	ssyncset.done $0x0  }
0xa0: {  	[sflag:s22] =	ssyncadd.s32 s3;
	_ =	sdelay $0x1  }
0xa1: {  	s23 =	simm.s32 $0x1B8B  }
0xa2: {  	_ =	swait.ge [sflag:s23], $0x1  }
0xa3: {  	[sflag:s23] =	ssyncset.done $0x0  }
0xa4: {  	s25 =	simm.s32 $0x1B8E;
	s24 =	sld [smem:$0x3FFE];
	[sflag:s23] =	ssyncadd.s32 $0xFFFFFFFF  }
0xa5: {  	s26 =	simm.s32 $execute0_lowered;
	[smem:$0x3FD2] =	sst s25  }
0xa6: {  	s4 =	sshll.u32 s26, $0x1;
	_ =	strace $0x8000004F;
	[dreg:$0x1] =	wrdreg $0xFFFFFFFF  }
0xa7: {  	s28 =	simm.s32 $_size_execute0_lowered;
	s2 =	sadd.s32 s2, s4;
	[dreg:$0x0] =	wrdreg $0x0  }
0xa8: {  	s4 =	sshll.u32 s28, $0x1;
	[dreg:$0x2] =	wrdreg s2  }
0xa9: {  	[dreg:$0x3] =	wrdreg s4  }
0xaa: {  	[dreg:$0x4] =	wrdreg $0xC0  }
0xab: {  	_ =	task [dreg:s6], $0x5FFFF  }
0xac: {  	[dreg:$0x1] =	wrdreg $0xFFFFFFFF  }
0xad: {  	[dreg:$0x0] =	wrdreg $0x60  }
0xae: {  	[dreg:$0x2] =	wrdreg s24  }
0xaf: {  	[dreg:$0x3] =	wrdreg $0xB0000  }
0xb0: {  	[dreg:$0x4] =	wrdreg $0x9  }
0xb1: {  	_ =	task.clear_ibuf [dreg:s6], $0x5FFFF;
	_ =	strace $0x9000004F  }
0xb2: {  	s29 =	simm.s32 $0x9;
	_ =	strace $0x80000051  }
0xb3: {  	_ =	swait.ge [sflag:s29], $0x1  }
0xb4: {  	[sflag:s29] =	ssyncadd.s32 $0xFFFFFFFF  }
0xb5: {  	_ =	strace $0x90000051  }
0xb6: {  	_ =	sfence  }
0xb7: {  	s30 =	sld [smem:$0x0];
	_ =	sdelay $0x2  }
0xb8: {  	s31 =	sshll.u32 s1, $0xD;
	s1 =	sshrl.u32 s1, $0x2  }
0xb9: {  	s3 =	sand.u32 $0x4000, s31;
	s1 =	sadd.s32 s1, s30  }
0xba: {  	s0 =	sor.u32 s3, s0;
	s1 =	sshll.u32 s1, $0x11  }
0xbb: {  	s0 =	sor.u32 s1, s0  }
0xbc: {  	s0 =	sadd.s32 $0x8F2B, s0  }
0xbd: {  	[sflag:s0] =	ssyncadd.remote.s32 $0x1  }
0xbe: {  	_ =	sfence.sel $0xFFFF  }
0xbf: {  	[dreg:$0x0] =	wrdreg $0xFFFFFFFF;
	(pc) =	sbr.abs _section_cstart, $3  }
0xc0: {  	[dreg:$0x1] =	wrdreg $0xFFFFFFFF  }
0xc1: {  	_ =	task.clear_ibuf [dreg:s6], $0x2FFFF;
	_ =	strace $0x9FFFFFFF  }
0xc2: {  	(tm) =	ssettm $0x7FFFFFFF  }
0xc3: {  	_ =	shalt  }
tec
execute0_lowered:
.L_overlay_start_1:
0x0: {  	(tag) =	ssettag $0x1  }
0x1: {  	s0 =	rddreg [dreg:$0x0]  }
0x2: {  	s2 =	rddreg [dreg:$0x1];
	s3 =	simm.s32 $0x0  }
0x3: {  	s1 =	stileid.u32;
	s4 =	srdreg.scid;
	s12 =	simm.s32 $0x8000  }
0x4: {  	s13 =	simm.s32 $0x3;
	s14 =	simm.s32 $0xA000;
	s17 =	simm.s32 $0x80  }
0x5: {  	s18 =	simm.s32 $0x9000;
	s19 =	simm.s32 $0x4000;
	s20 =	simm.s32 $0x1  }
0x6: {  	s21 =	simm.s32 $0x2;
	s22 =	simm.s32 $0x9F80;
	s23 =	simm.s32 $0xAF00  }
0x7: {  	s24 =	simm.s32 $0xAF80;
	s25 =	simm.s32 $0x0;
	[smem:$0x7FF] =	sst s3  }
0x8: {  	s5 =	sshll.u32 s1, $0x9;
	s8 =	sand.u32 $0x1, s4;
	s4 =	sadd.s32 $0x30BC00, s0  }
0x9: {  	s9 =	smul.u32 $0x50000, s1;
	s31 =	sshll.u32 s1, $0x6;
	_ =	strace $0x80000050  }
0xa: {  	s7 =	sadd.s32 s5, s0;
	s6 =	ssub.s32 $0x2, s8;
	s5 =	sadd.s32 $0x44BC00, s0  }
0xb: {  	s8 =	sshll.u32 s8, $0x2;
	s15 =	sor.u32 $0x1C03, s31;
	s30 =	sshrl.u32 s6, $0x1  }
0xc: {  	s10 =	sshrl.u32 s9, $0x2;
	s9 =	smul.u32 $0x280, s1;
	s0 =	ssub.s32 s6, s30  }
0xd: {  	s6 =	sadd.s32 $0x3C00, s7;
	s7 =	sadd.s32 $0x5C00, s7;
	s16 =	sadd.s32 s10, s2  }
0xe: {  	s10 =	smul.u32 $0x14000, s1;
	s11 =	smax.u32 s0, $0x1;
	s16 =	sshrl.u32 s16, $0x3  }
.LBB2_1:
0xf: {  	[tilespmem:s12], [sflag:$0x3] =	stream.linear.gather [hbm4b:s6+s3], $0x1000, $0x38;
	[tilespmem:$0x1F000] =	vst v63  }
0x10: {  	_ =	swait.ge [sflag:s13], $0x1000  }
0x11: {  	[sflag:s13] =	ssyncset.done $0x0  }
0x12: {  	[sflag:s13] =	ssyncadd.s32 $0xFFFFF000  }
0x13: {  	[tilespmem:s14], [sflag:$0x3] =	stream.linear.gather [hbm4b:s7+s3], $0x1000, $0x38;
	[tilespmem:$0x1F000] =	vst v63  }
0x14: {  	_ =	swait.ge [sflag:s13], $0x1000  }
0x15: {  	[sflag:s13] =	ssyncset.done $0x0  }
0x16: {  	s26 =	simm.s32 $0x0;
	[sflag:s13] =	ssyncadd.s32 $0xFFFFF000  }
.LBB2_2:
0x17: {  	s30 =	simm.s32 $0x0  }
0x18: {  	v3 =	vld [tilespmem:s30+$0x8070]  }
0x19: {  	s28 =	sadd.s32 s8, s26;
	v5 =	vld [tilespmem:s30+$0x8000]  }
0x1a: {  	v6 =	vld [tilespmem:s30+$0x8010];
	s29 =	smul.u32 $0x2800, s28  }
0x1b: {  	v4 =	vld [tilespmem:s30+$0x8020]  }
0x1c: {  	v2 =	vld [tilespmem:s30+$0x8030];
	v0 =	vmov s29  }
0x1d: {  	v1 =	vld [tilespmem:s30+$0x8040];
	v7 =	vadd.s32 v0, v3  }
0x1e: {  	v3 =	vld [tilespmem:s30+$0x8050];
	v5 =	vadd.s32 v0, v5;
	[tilespmem:s30+$0x9070] =	vst v7  }
0x1f: {  	s31 =	simm.s32 $0x80;
	s0 =	simm.s32 $0x400;
	v6 =	vadd.s32 v0, v6;
	[tilespmem:s30+$0x9000] =	vst v5;
	v5 =	vld [tilespmem:s30+$0x8060]  }
.LBB2_3:
0x20: {  	p0 =	sne.s32 s0, $0x3E00;
	v7 =	vld [tilespmem:s31+$0x8070];
	[tilespmem:s30+$0x9010] =	vst v6;
	v4 =	vadd.s32 v0, v4  }
0x21: {  	v6 =	vld [tilespmem:s31+$0x8000];
	[tilespmem:s30+$0x9020] =	vst v4;
	v2 =	vadd.s32 v0, v2  }
0x22: {  	v8 =	vld [tilespmem:s31+$0x8010];
	[tilespmem:s30+$0x9030] =	vst v2;
	v1 =	vadd.s32 v0, v1  }
.Ltmp0:
0x23: {  	v4 =	vld [tilespmem:s31+$0x8020];
	[tilespmem:s30+$0x9040] =	vst v1;
	v1 =	vadd.s32 v0, v3;
	(pc) =	sbr.rel @p0 .LBB2_3-.Ltmp0, $4  }
0x24: {  	v2 =	vld [tilespmem:s31+$0x8030];
	[tilespmem:s30+$0x9050] =	vst v1;
	v3 =	vadd.s32 v0, v5  }
0x25: {  	v1 =	vld [tilespmem:s31+$0x8040];
	v5 =	vadd.s32 v0, v7;
	[tilespmem:s30+$0x9060] =	vst v3;
	s30 =	smov.u32 s31  }
0x26: {  	v6 =	vadd.s32 v0, v6;
	v3 =	vld [tilespmem:s30+$0x8050];
	[tilespmem:s30+$0x9070] =	vst v5  }
0x27: {  	s31 =	sshra.s32 s0, $0x2;
	s0 =	sadd.s32 $0x200, s0;
	[tilespmem:s30+$0x9000] =	vst v6;
	v6 =	vadd.s32 v0, v8;
	v5 =	vld [tilespmem:s30+$0x8060]  }
0x28: {  	v7 =	vld [tilespmem:s31+$0x8070];
	[tilespmem:s30+$0x9010] =	vst v6;
	v4 =	vadd.s32 v0, v4  }
0x29: {  	v6 =	vld [tilespmem:s31+$0x8000];
	[tilespmem:s30+$0x9020] =	vst v4;
	v2 =	vadd.s32 v0, v2  }
0x2a: {  	v4 =	vld [tilespmem:s31+$0x8010];
	[tilespmem:s30+$0x9030] =	vst v2;
	v1 =	vadd.s32 v0, v1  }
0x2b: {  	v2 =	vld [tilespmem:s31+$0x8020];
	[tilespmem:s30+$0x9040] =	vst v1;
	v51 =	vadd.s32 v0, v3  }
0x2c: {  	v52 =	vld [tilespmem:s31+$0x8030];
	[tilespmem:s30+$0x9050] =	vst v51;
	v53 =	vadd.s32 v0, v5  }
0x2d: {  	v54 =	vld [tilespmem:s31+$0x8040];
	[tilespmem:s30+$0x9060] =	vst v53;
	v55 =	vadd.s32 v0, v7  }
0x2e: {  	v56 =	vld [tilespmem:s31+$0x8050];
	v6 =	vadd.s32 v0, v6;
	[tilespmem:s31+$0x9070] =	vst v55  }
0x2f: {  	v58 =	vld [tilespmem:s31+$0x8060];
	[tilespmem:s31+$0x9000] =	vst v6;
	v57 =	vadd.s32 v0, v4  }
0x30: {  	[tilespmem:s31+$0x9010] =	vst v57;
	v59 =	vadd.s32 v0, v2  }
0x31: {  	[tilespmem:s31+$0x9020] =	vst v59;
	v60 =	vadd.s32 v0, v52  }
0x32: {  	[tilespmem:s31+$0x9030] =	vst v60;
	v61 =	vadd.s32 v0, v54  }
0x33: {  	s0 =	sadd.s32 s9, s29;
	[tilespmem:s31+$0x9040] =	vst v61;
	v62 =	vadd.s32 v0, v56  }
0x34: {  	s0 =	sshll.u32 s0, $0x4;
	v63 =	vadd.s32 v0, v58;
	[tilespmem:s31+$0x9050] =	vst v62  }
0x35: {  	s0 =	sadd.s32 s4, s0;
	[tilespmem:s31+$0x9060] =	vst v63  }
0x36: {  	[spmem:s16], [sflag:s15] =	dma.local [hbm:s0], $0x2800  }
0x37: {  	_ =	swait.ge [sflag:s13], $0x2800  }
0x38: {  	[sflag:s13] =	ssyncset.done $0x0  }
0x39: {  	[sflag:s13] =	ssyncadd.s32 $0xFFFFD800  }
0x3a: {  	s30 =	simm.s32 $0x0;
	[bflag:$0x0] =	sbarrier.arrive $0xFFFF  }
0x3b: {  	[tilespmem:s30], [sflag:$0x1] =	stream.indirect.gather [hbm4b:s4+s17], $0x80, s18, s17, $0xb8;
	[tilespmem:$0x1F000] =	vst v63  }
0x3c: {  	s31 =	simm.s32 $0x9080  }
0x3d: {  	[tilespmem:s19], [sflag:$0x2] =	stream.indirect.gather [hbm4b:s4+s17], $0x80, s31, s17, $0xb8;
	[tilespmem:$0x1F000] =	vst v63  }
0x3e: {  	_ =	swait.ge [sflag:s20], $0x4000  }
0x3f: {  	[sflag:s20] =	ssyncset.done $0x0  }
0x40: {  	s1 =	simm.s32 $0xA000;
	[sflag:s20] =	ssyncadd.s32 $0xFFFFC000  }
0x41: {  	[spmem:s2] =	stream.indirect.scatter.add.f32 [tilespmem:s3], [sflag:$0x3], $0x80, s1, s17, $0xb8;
	[tilespmem:$0x1F000] =	vst v63  }
0x42: {  	_ =	swait.ge [sflag:s13], $0x4000  }
0x43: {  	[sflag:s13] =	ssyncset.done $0x0  }
0x44: {  	s30 =	simm.s32 $0x9100;
	[sflag:s13] =	ssyncadd.s32 $0xFFFFC000  }
0x45: {  	[tilespmem:s3], [sflag:$0x1] =	stream.indirect.gather [hbm4b:s4+s17], $0x80, s30, s17, $0xb8;
	[tilespmem:$0x1F000] =	vst v63  }
0x46: {  	_ =	swait.ge [sflag:s21], $0x4000  }
0x47: {  	[sflag:s21] =	ssyncset.done $0x0  }
0x48: {  	s31 =	simm.s32 $0xA080;
	[sflag:s21] =	ssyncadd.s32 $0xFFFFC000  }
0x49: {  	[spmem:s2] =	stream.indirect.scatter.add.f32 [tilespmem:s19], [sflag:$0x3], $0x80, s31, s17, $0xb8;
	[tilespmem:$0x1F000] =	vst v63  }
0x4a: {  	_ =	swait.ge [sflag:s13], $0x4000  }
0x4b: {  	s29 =	simm.s32 $0x100;
	s0 =	simm.s32 $0x800;
	[sflag:s13] =	ssyncset.done $0x0  }
.LBB2_5:
0x4c: {  	s30 =	sadd.s32 $0x9080, s29  }
0x4d: {  	[sflag:s13] =	ssyncadd.s32 $0xFFFFC000;
	s31 =	smov.u32 s0;
	s1 =	sadd.s32 $0x400, s0  }
0x4e: {  	[tilespmem:s19], [sflag:$0x2] =	stream.indirect.gather [hbm4b:s4+s17], $0x80, s30, s17, $0xb8;
	[tilespmem:$0x1F000] =	vst v63  }
0x4f: {  	p0 =	sne.s32 s0, $0x3800;
	_ =	swait.ge [sflag:s20], $0x4000  }
0x50: {  	[sflag:s20] =	ssyncset.done $0x0  }
0x51: {  	s0 =	sadd.s32 $0xA000, s29;
	[sflag:s20] =	ssyncadd.s32 $0xFFFFC000  }
0x52: {  	[spmem:s2] =	stream.indirect.scatter.add.f32 [tilespmem:s3], [sflag:$0x3], $0x80, s0, s17, $0xb8;
	[tilespmem:$0x1F000] =	vst v63  }
0x53: {  	_ =	swait.ge [sflag:s13], $0x4000  }
0x54: {  	[sflag:s13] =	ssyncset.done $0x0  }
0x55: {  	s0 =	sadd.s32 $0x9100, s29;
	[sflag:s13] =	ssyncadd.s32 $0xFFFFC000  }
0x56: {  	[tilespmem:s3], [sflag:$0x1] =	stream.indirect.gather [hbm4b:s4+s17], $0x80, s0, s17, $0xb8;
	[tilespmem:$0x1F000] =	vst v63  }
0x57: {  	_ =	swait.ge [sflag:s21], $0x4000  }
.Ltmp1:
0x58: {  	[sflag:s21] =	ssyncset.done $0x0;
	(pc) =	sbr.rel @p0 .LBB2_5-.Ltmp1, $4  }
0x59: {  	s0 =	sadd.s32 $0xA080, s29;
	[sflag:s21] =	ssyncadd.s32 $0xFFFFC000  }
0x5a: {  	[spmem:s2] =	stream.indirect.scatter.add.f32 [tilespmem:s19], [sflag:$0x3], $0x80, s0, s17, $0xb8;
	[tilespmem:$0x1F000] =	vst v63  }
0x5b: {  	_ =	swait.ge [sflag:s13], $0x4000  }
0x5c: {  	s29 =	sshra.s32 s31, $0x2;
	s0 =	smov.u32 s1;
	[sflag:s13] =	ssyncset.done $0x0  }
0x5d: {  	s0 =	sadd.s32 $0x9080, s29;
	[sflag:s13] =	ssyncadd.s32 $0xFFFFC000  }
0x5e: {  	[tilespmem:s19], [sflag:$0x2] =	stream.indirect.gather [hbm4b:s4+s17], $0x80, s0, s17, $0xb8;
	[tilespmem:$0x1F000] =	vst v63  }
0x5f: {  	_ =	swait.ge [sflag:s20], $0x4000  }
0x60: {  	[sflag:s20] =	ssyncset.done $0x0  }
0x61: {  	s31 =	sadd.s32 $0xA000, s29;
	[sflag:s20] =	ssyncadd.s32 $0xFFFFC000  }
0x62: {  	[spmem:s2] =	stream.indirect.scatter.add.f32 [tilespmem:s3], [sflag:$0x3], $0x80, s31, s17, $0xb8;
	[tilespmem:$0x1F000] =	vst v63  }
0x63: {  	_ =	swait.ge [sflag:s13], $0x4000  }
0x64: {  	[sflag:s13] =	ssyncset.done $0x0  }
0x65: {  	s1 =	sadd.s32 $0x9100, s29;
	[sflag:s13] =	ssyncadd.s32 $0xFFFFC000  }
0x66: {  	[tilespmem:s3], [sflag:$0x1] =	stream.indirect.gather [hbm4b:s4+s17], $0x80, s1, s17, $0xb8;
	[tilespmem:$0x1F000] =	vst v63  }
0x67: {  	_ =	swait.ge [sflag:s21], $0x4000  }
0x68: {  	[sflag:s21] =	ssyncset.done $0x0  }
0x69: {  	s30 =	sadd.s32 $0xA080, s29;
	[sflag:s21] =	ssyncadd.s32 $0xFFFFC000  }
0x6a: {  	[spmem:s2] =	stream.indirect.scatter.add.f32 [tilespmem:s19], [sflag:$0x3], $0x80, s30, s17, $0xb8;
	[tilespmem:$0x1F000] =	vst v63  }
0x6b: {  	_ =	swait.ge [sflag:s13], $0x4000  }
0x6c: {  	[sflag:s13] =	ssyncset.done $0x0  }
0x6d: {  	[sflag:s13] =	ssyncadd.s32 $0xFFFFC000  }
0x6e: {  	[tilespmem:s19], [sflag:$0x2] =	stream.indirect.gather [hbm4b:s4+s17], $0x80, s22, s17, $0xb8;
	[tilespmem:$0x1F000] =	vst v63  }
0x6f: {  	_ =	swait.ge [sflag:s20], $0x4000  }
0x70: {  	[sflag:s20] =	ssyncset.done $0x0  }
0x71: {  	[sflag:s20] =	ssyncadd.s32 $0xFFFFC000  }
0x72: {  	[spmem:s2] =	stream.indirect.scatter.add.f32 [tilespmem:s3], [sflag:$0x3], $0x80, s23, s17, $0xb8;
	[tilespmem:$0x1F000] =	vst v63  }
0x73: {  	_ =	swait.ge [sflag:s13], $0x4000  }
0x74: {  	[sflag:s13] =	ssyncset.done $0x0  }
0x75: {  	[sflag:s13] =	ssyncadd.s32 $0xFFFFC000  }
0x76: {  	_ =	swait.ge [sflag:s21], $0x4000  }
0x77: {  	[sflag:s21] =	ssyncset.done $0x0  }
0x78: {  	s31 =	smul.u32 $0x140000, s28;
	[sflag:s21] =	ssyncadd.s32 $0xFFFFC000  }
0x79: {  	[spmem:s2] =	stream.indirect.scatter.add.f32 [tilespmem:s19], [sflag:$0x3], $0x80, s24, s17, $0xb8;
	[tilespmem:$0x1F000] =	vst v63  }
0x7a: {  	_ =	swait.ge [sflag:s13], $0x4000  }
0x7b: {  	s0 =	sadd.s32 s10, s31;
	[sflag:s13] =	ssyncset.done $0x0  }
0x7c: {  	s26 =	sadd.s32 $0x1, s26;
	s0 =	sshrl.u32 s0, $0x3;
	[sflag:s13] =	ssyncadd.s32 $0xFFFFC000  }
0x7d: {  	p0 =	sne.s32 s26, $0x4;
	s0 =	sadd.s32 s5, s0;
	[bflag:$0x0] =	sbarrier.arrive $0xFFFF  }
0x7e: {  	[hbm:s0], [sflag:s15] =	dma.local [spmem:s16], $0x2800  }
.Ltmp2:
0x7f: {  	_ =	swait.ge [sflag:s13], $0x2800;
	(pc) =	sbr.rel @p0 .LBB2_2-.Ltmp2, $3  }
0x80: {  	[sflag:s13] =	ssyncset.done $0x0  }
0x81: {  	[sflag:s13] =	ssyncadd.s32 $0xFFFFD800  }
0x82: {  	[bflag:$0x0] =	sbarrier.arrive $0xFFFF;
	_ =	sdelay $0x1  }
0x83: {  	s25 =	sadd.s32 $0x1, s25  }
0x84: {  	p0 =	sne.s32 s25, s11  }
.Ltmp3:
0x85: {  	_ = 	snop;
	(pc) =	sbr.rel @p0 .LBB2_1-.Ltmp3, $1  }
0x86: {  	_ =	sdelay $0x3  }
0x87: {  	_ =	sfence.sel $0x180000  }
0x88: {  	[bflag:$0x0] =	sbarrier.arrive $0xFFFF  }
0x89: {  	_ =	strace $0x90000050  }
0x8a: {  	s0 =	stileid.u32;
	[bflag:$0x2] =	sbarrier.arrive $0xFFFF  }
0x8b: {  	p0 =	sne.s32 s0, $0x0;
	s0 =	rddreg [dreg:$0x2]  }
0x8c: {  	s0 =	sadd.s32 @!p0 $0x100000, s0  }
0x8d: {  	[sflag:s0] =	ssyncadd.tile.s32 @!p0 $0x1;
	_ =	shalt  }
.Lfunc_end2:
_tile_overlayer_lowered:
.L_overlay_start_2:
0x8e: {  	(tag) =	ssettag $0x2  }
0x8f: {  	s0 =	rddreg [dreg:$0x0];
	s2 =	stileid.u32  }
0x90: {  	s1 =	rddreg [dreg:$0x1];
	p0 =	sne.s32 s2, $0x0  }
0x91: {  	s3 =	rddreg [dreg:$0x2];
	[bflag:$0x3] =	sbarrier.arrive $0xFFFF;
	s2 =	simm.s32 @!p0 $0x1C03  }
0x92: {  	[timem:s3], [sflag:s2] =	dma.local @!p0 [hbm:s0], s1  }
0x93: {  	s0 =	simm.s32 @!p0 $0x3  }
0x94: {  	_ =	swait.ge @!p0 [sflag:s0], s1  }
0x95: {  	s1 =	ssub.s32 @!p0 $0x0, s1;
	[sflag:s0] =	ssyncset.done @!p0 $0x0  }
0x96: {  	[sflag:s0] =	ssyncadd.s32 @!p0 s1  }
0x97: {  	[bflag:$0x3] =	sbarrier.arrive $0xFFFF  }
0x98: {  	_ =	shalt  }

// kernel: kernel.29.cloned.1.call-start
scs
__scs_entry_jumppad:
0x0: {  	(pc) =	sbr.rel $0x88, $3  }
0x1: {  	(tag) =	ssettag $0x0;
	lr =	simm.s32 $0x1  }
0x2: {  	[smem:$0x3F9A] =	sst lr;
	_ =	strace $0xD0000000  }
0x3: {  	_ = 	snop  }
0x4: {  	_ = 	snop  }
0x5: {  	_ = 	snop  }
0x6: {  	_ = 	snop  }
0x7: {  	_ = 	snop  }
__scs_overlays_trampoline_lowered:
0x8: {  	[smem:$0x3FA9] =	sst s0  }
0x9: {  	[smem:$0x3FAA] =	sst s1  }
0xa: {  	[smem:$0x3FAB] =	sst s2  }
0xb: {  	[smem:$0x3FAC] =	sst s3  }
0xc: {  	[smem:$0x3FAD] =	sst s4  }
0xd: {  	[smem:$0x3FAE] =	sst s5  }
0xe: {  	[smem:$0x3FAF] =	sst s6  }
0xf: {  	[smem:$0x3FB0] =	sst s7  }
0x10: {  	[smem:$0x3FB1] =	sst s8  }
0x11: {  	[smem:$0x3FB2] =	sst s9;
	s0 =	simm.s32 @!p0 $0x0  }
0x12: {  	s1 =	sld [smem:$0x3F98];
	s0 =	simm.s32 @p0 $0x1  }
0x13: {  	[smem:$0x3FB3] =	sst s0;
	s0 =	simm.s32 @!p1 $0x0  }
0x14: {  	s2 =	sld [smem:$0x3F97];
	s0 =	simm.s32 @p1 $0x1  }
0x15: {  	[smem:$0x3FB4] =	sst s0;
	s0 =	simm.s32 @!p2 $0x0  }
0x16: {  	s3 =	sld [smem:$0x3FDB];
	s0 =	simm.s32 @p2 $0x1  }
0x17: {  	s4 =	simm.s32 $0x1BF5;
	[smem:$0x3FB6] =	sst s0  }
0x18: {  	s0 =	sld [smem:$0x3F99];
	_ =	swait.ge [sflag:s4], $0x0  }
0x19: {  	s7 =	sld [smem:$0x3F9A]  }
0x1a: {  	s8 =	sadd.s32 $0xFFFFE003, lr  }
0x1b: {  	s9 =	sadd.s32 $0xFFFFFEF7, lr;
	s5 =	simm.s32 $0xFFFFFFFF;
	p2 =	slt.u32 s8, $0xFFFFF086  }
0x1c: {  	p1 =	slt.u32 s9, $0xF7A;
	s5 =	simm.s32 @!p2 $0x0  }
0x1d: {  	s5 =	simm.s32 @p1 $0x1;
	p0 =	seq.s32 s7, s2  }
0x1e: {  	s7 =	smul.u32 @!p0 $0xF7A, s2;
	p2 =	seq.s32 @!p0 s5, $0x0  }
0x1f: {  	s9 =	smul.u32 $0xF7A, s1;
	s8 =	simm.s32 @!p0 $0x1BF5;
	p2 =	por !p2, p0  }
0x20: {  	[sflag:s8] =	ssyncset.s32 @!p0 $0xFFFFF086;
	s6 =	sadd.s32 @!p0 s3, s7;
	s7 =	simm.s32 @!p0 $0x108  }
0x21: {  	s3 =	sadd.s32 s3, s9;
	s6 =	sadd.s32 @!p0 $0x88, s6;
	s7 =	simm.s32 @p2 $0x1082  }
0x22: {  	[simem:s7], [sflag:s8] =	dma.local @!p0 [hbm:s6], $0xF7A  }
0x23: {  	s9 =	sor.u32 $0xD0000000, s2;
	s6 =	simm.s32 $0x108;
	_ =	swait.ge @!p0 [sflag:s8], $0x0  }
0x24: {  	s3 =	sadd.s32 $0x88, s3;
	s6 =	simm.s32 @!p1 $0x1082;
	[sflag:s4] =	ssyncset.s32 $0xFFFFF086  }
0x25: {  	[simem:s6], [sflag:s4] =	dma.local [hbm:s3], $0xF7A  }
0x26: {  	[smem:$0x3F9A] =	sst s1;
	(tag) =	ssettag s2;
	_ =	strace s9  }
0x27: {  	s1 =	sld [smem:$0x3FAA]  }
0x28: {  	s2 =	sld [smem:$0x3FAB]  }
0x29: {  	s4 =	sld [smem:$0x3FAD]  }
0x2a: {  	p0 =	seq.s32 s5, $0x0;
	s5 =	sld [smem:$0x3FAE]  }
0x2b: {  	s6 =	sld [smem:$0x3FAF]  }
0x2c: {  	s7 =	sld [smem:$0x3FB0]  }
0x2d: {  	s3 =	simm.s32 $0x108;
	s8 =	sld [smem:$0x3FB1]  }
0x2e: {  	s3 =	simm.s32 @!p0 $0x1082;
	s9 =	sld [smem:$0x3FB2]  }
0x2f: {  	lr =	sadd.s32 s0, s3;
	s0 =	sld [smem:$0x3FA9]  }
0x30: {  	s3 =	sld [smem:$0x3FAC]  }
0x31: {  	[smem:$0x3FB5] =	sst s10  }
0x32: {  	s10 =	sld [smem:$0x3FB3];
	_ =	sdelay $0x3  }
0x33: {  	p0 =	seq.s32 s10, $0x1;
	s10 =	sld [smem:$0x3FB5];
	_ =	sdelay $0x3  }
0x34: {  	[smem:$0x3FB5] =	sst s10  }
0x35: {  	s10 =	sld [smem:$0x3FB4];
	_ =	sdelay $0x3  }
0x36: {  	p1 =	seq.s32 s10, $0x1;
	s10 =	sld [smem:$0x3FB5];
	_ =	sdelay $0x3  }
0x37: {  	[smem:$0x3FB5] =	sst s10  }
0x38: {  	s10 =	sld [smem:$0x3FB6]  }
0x39: {  	_ = 	snop;
	(pc) =	sbr.ind lr, $3  }
0x3a: {  	_ = 	snop  }
0x3b: {  	_ = 	snop  }
0x3c: {  	p2 =	seq.s32 s10, $0x1;
	s10 =	sld [smem:$0x3FB5]  }
0x3d: {  	_ =	shalt  }
0x3e: {  	_ =	shalt  }
0x3f: {  	_ =	shalt  }
0x40: {  	_ =	shalt  }
0x41: {  	_ =	shalt  }
0x42: {  	_ =	shalt  }
0x43: {  	_ =	shalt  }
0x44: {  	_ =	shalt  }
0x45: {  	_ =	shalt  }
0x46: {  	_ =	shalt  }
0x47: {  	_ =	shalt  }
0x48: {  	_ =	shalt  }
0x49: {  	_ =	shalt  }
0x4a: {  	_ =	shalt  }
0x4b: {  	_ =	shalt  }
0x4c: {  	_ =	shalt  }
0x4d: {  	_ =	shalt  }
0x4e: {  	_ =	shalt  }
0x4f: {  	_ =	shalt  }
0x50: {  	_ =	shalt  }
0x51: {  	_ =	shalt  }
0x52: {  	_ =	shalt  }
0x53: {  	_ =	shalt  }
0x54: {  	_ =	shalt  }
0x55: {  	_ =	shalt  }
0x56: {  	_ =	shalt  }
0x57: {  	_ =	shalt  }
0x58: {  	_ =	shalt  }
0x59: {  	_ =	shalt  }
0x5a: {  	_ =	shalt  }
0x5b: {  	_ =	shalt  }
0x5c: {  	_ =	shalt  }
0x5d: {  	_ =	shalt  }
0x5e: {  	_ =	shalt  }
0x5f: {  	_ =	shalt  }
0x60: {  	_ =	shalt  }
0x61: {  	_ =	shalt  }
0x62: {  	_ =	shalt  }
0x63: {  	_ =	shalt  }
0x64: {  	_ =	shalt  }
0x65: {  	_ =	shalt  }
0x66: {  	_ =	shalt  }
0x67: {  	_ =	shalt  }
0x68: {  	_ =	shalt  }
0x69: {  	_ =	shalt  }
0x6a: {  	_ =	shalt  }
0x6b: {  	_ =	shalt  }
0x6c: {  	_ =	shalt  }
0x6d: {  	_ =	shalt  }
0x6e: {  	_ =	shalt  }
0x6f: {  	_ =	shalt  }
0x70: {  	_ =	shalt  }
0x71: {  	_ =	shalt  }
0x72: {  	_ =	shalt  }
0x73: {  	_ =	shalt  }
0x74: {  	_ =	shalt  }
0x75: {  	_ =	shalt  }
0x76: {  	_ =	shalt  }
0x77: {  	_ =	shalt  }
0x78: {  	_ =	shalt  }
0x79: {  	_ =	shalt  }
0x7a: {  	_ =	shalt  }
0x7b: {  	_ =	shalt  }
0x7c: {  	_ =	shalt  }
0x7d: {  	_ =	shalt  }
0x7e: {  	_ =	shalt  }
0x7f: {  	_ =	shalt  }
0x80: {  	_ =	shalt  }
0x81: {  	_ =	shalt  }
0x82: {  	_ =	shalt  }
0x83: {  	_ =	shalt  }
0x84: {  	_ =	shalt  }
0x85: {  	_ =	shalt  }
0x86: {  	_ =	shalt  }
0x87: {  	_ =	shalt  }
.Lfunc_end0:
.L_simem_size_0:
called_computation.4_lowered:
.L_overlay_start_0:
0x88: {  	s2 =	sld [smem:$0x3FD9]  }
0x89: {  	s3 =	sld [smem:$0x3FFE];
	_ =	sdelay $0x1  }
0x8a: {  	s1 =	srdreg.scid  }
0x8b: {  	s0 =	sand.u32 $0x1, s1  }
0x8c: {  	s16 =	sshll.u32 s0, $0xA;
	s2 =	sadd.s32 s3, s2  }
0x8d: {  	s2 =	sadd.s32 s2, s16  }
0x8e: {  	[smem:$0x3FC1] =	sst s2  }
0x8f: {  	_ = 	snop  }
0x90: {  	(tm) =	ssettm $0x1  }
0x91: {  	s17 =	sld [smem:$0x3FFB];
	_ =	sdelay $0x3  }
0x92: {  	_ =	strace s17  }
0x93: {  	s2 =	sld [smem:$0x3FFC];
	_ =	sdelay $0x3  }
0x94: {  	_ =	strace s2  }
0x95: {  	s2 =	sld [smem:$0x3FFD];
	_ =	sdelay $0x3  }
0x96: {  	_ =	strace s2  }
0x97: {  	_ =	strace $0x8FFFFFFF  }
0x98: {  	s18 =	sld [smem:$0x3FDB];
	_ =	sdelay $0x1  }
0x99: {  	s19 =	simm.s32 $_scs_section_size  }
0x9a: {  	s4 =	simm.s32 $_size__tile_overlayer_lowered;
	s5 =	simm.s32 $_tile_overlayer_lowered  }
0x9b: {  	s22 =	simm.s32 $0x1BFF;
	s21 =	sshll.u32 s5, $0x1;
	s2 =	sadd.s32 s19, s18  }
0x9c: {  	s6 =	simm.s32 $0x0;
	s20 =	sshll.u32 s4, $0x1;
	s4 =	sadd.s32 s21, s2  }
0x9d: {  	[timem:s6], [sflag:s22] =	dma.local [hbm:s4], s20  }
0x9e: {  	_ =	swait.ge [sflag:s22], s20  }
0x9f: {  	s3 =	ssub.s32 $0x0, s20;
	[sflag:s22] =	ssyncset.done $0x0  }
0xa0: {  	[sflag:s22] =	ssyncadd.s32 s3;
	_ =	sdelay $0x1  }
0xa1: {  	s23 =	simm.s32 $0x1B8B  }
0xa2: {  	_ =	swait.ge [sflag:s23], $0x1  }
0xa3: {  	[sflag:s23] =	ssyncset.done $0x0  }
0xa4: {  	s25 =	simm.s32 $0x1B8E;
	s24 =	sld [smem:$0x3FFE];
	[sflag:s23] =	ssyncadd.s32 $0xFFFFFFFF  }
0xa5: {  	s26 =	simm.s32 $execute0_lowered;
	[smem:$0x3FD2] =	sst s25  }
0xa6: {  	s4 =	sshll.u32 s26, $0x1;
	_ =	strace $0x80000052;
	[dreg:$0x1] =	wrdreg $0xFFFFFFFF  }
0xa7: {  	s28 =	simm.s32 $_size_execute0_lowered;
	s2 =	sadd.s32 s2, s4;
	[dreg:$0x0] =	wrdreg $0x0  }
0xa8: {  	s4 =	sshll.u32 s28, $0x1;
	[dreg:$0x2] =	wrdreg s2  }
0xa9: {  	[dreg:$0x3] =	wrdreg s4  }
0xaa: {  	[dreg:$0x4] =	wrdreg $0xC0  }
0xab: {  	_ =	task [dreg:s6], $0x5FFFF  }
0xac: {  	[dreg:$0x1] =	wrdreg $0xFFFFFFFF  }
0xad: {  	[dreg:$0x0] =	wrdreg $0x60  }
0xae: {  	[dreg:$0x2] =	wrdreg s24  }
0xaf: {  	[dreg:$0x3] =	wrdreg $0xB0000  }
0xb0: {  	[dreg:$0x4] =	wrdreg $0x9  }
0xb1: {  	_ =	task.clear_ibuf [dreg:s6], $0x5FFFF;
	_ =	strace $0x90000052  }
0xb2: {  	s29 =	simm.s32 $0x9;
	_ =	strace $0x80000054  }
0xb3: {  	_ =	swait.ge [sflag:s29], $0x1  }
0xb4: {  	[sflag:s29] =	ssyncadd.s32 $0xFFFFFFFF  }
0xb5: {  	_ =	strace $0x90000054  }
0xb6: {  	_ =	sfence  }
0xb7: {  	s30 =	sld [smem:$0x0];
	_ =	sdelay $0x2  }
0xb8: {  	s31 =	sshll.u32 s1, $0xD;
	s1 =	sshrl.u32 s1, $0x2  }
0xb9: {  	s3 =	sand.u32 $0x4000, s31;
	s1 =	sadd.s32 s1, s30  }
0xba: {  	s0 =	sor.u32 s3, s0;
	s1 =	sshll.u32 s1, $0x11  }
0xbb: {  	s0 =	sor.u32 s1, s0  }
0xbc: {  	s0 =	sadd.s32 $0x8F2B, s0  }
0xbd: {  	[sflag:s0] =	ssyncadd.remote.s32 $0x1  }
0xbe: {  	_ =	sfence.sel $0xFFFF  }
0xbf: {  	[dreg:$0x0] =	wrdreg $0xFFFFFFFF;
	(pc) =	sbr.abs _section_cstart, $3  }
0xc0: {  	[dreg:$0x1] =	wrdreg $0xFFFFFFFF  }
0xc1: {  	_ =	task.clear_ibuf [dreg:s6], $0x2FFFF;
	_ =	strace $0x9FFFFFFF  }
0xc2: {  	(tm) =	ssettm $0x7FFFFFFF  }
0xc3: {  	_ =	shalt  }
tec
execute0_lowered:
.L_overlay_start_1:
0x0: {  	(tag) =	ssettag $0x1  }
0x1: {  	s0 =	rddreg [dreg:$0x0]  }
0x2: {  	s2 =	rddreg [dreg:$0x1];
	s3 =	simm.s32 $0x0  }
0x3: {  	s1 =	stileid.u32;
	s4 =	srdreg.scid;
	s12 =	simm.s32 $0x8000  }
0x4: {  	s13 =	simm.s32 $0x3;
	s14 =	simm.s32 $0xA000;
	s17 =	simm.s32 $0x80  }
0x5: {  	s18 =	simm.s32 $0x9000;
	s19 =	simm.s32 $0x4000;
	s20 =	simm.s32 $0x1  }
0x6: {  	s21 =	simm.s32 $0x2;
	s22 =	simm.s32 $0x9F80;
	s23 =	simm.s32 $0xAF00  }
0x7: {  	s24 =	simm.s32 $0xAF80;
	s25 =	simm.s32 $0x0;
	[smem:$0x7FF] =	sst s3  }
0x8: {  	s5 =	sshll.u32 s1, $0x9;
	s8 =	sand.u32 $0x1, s4;
	s4 =	sadd.s32 $0x1D3400, s0  }
0x9: {  	s9 =	smul.u32 $0x50000, s1;
	s31 =	sshll.u32 s1, $0x6;
	_ =	strace $0x80000053  }
0xa: {  	s7 =	sadd.s32 s5, s0;
	s6 =	ssub.s32 $0x2, s8;
	s5 =	sadd.s32 $0x313400, s0  }
0xb: {  	s8 =	sshll.u32 s8, $0x2;
	s15 =	sor.u32 $0x1C03, s31;
	s30 =	sshrl.u32 s6, $0x1  }
0xc: {  	s10 =	sshrl.u32 s9, $0x2;
	s9 =	smul.u32 $0x280, s1;
	s0 =	ssub.s32 s6, s30  }
0xd: {  	s6 =	sadd.s32 $0x3C00, s7;
	s7 =	sadd.s32 $0x5C00, s7;
	s16 =	sadd.s32 s10, s2  }
0xe: {  	s10 =	smul.u32 $0x14000, s1;
	s11 =	smax.u32 s0, $0x1;
	s16 =	sshrl.u32 s16, $0x3  }
.LBB2_1:
0xf: {  	[tilespmem:s12], [sflag:$0x3] =	stream.linear.gather [hbm4b:s6+s3], $0x1000, $0x38;
	[tilespmem:$0x1F000] =	vst v63  }
0x10: {  	_ =	swait.ge [sflag:s13], $0x1000  }
0x11: {  	[sflag:s13] =	ssyncset.done $0x0  }
0x12: {  	[sflag:s13] =	ssyncadd.s32 $0xFFFFF000  }
0x13: {  	[tilespmem:s14], [sflag:$0x3] =	stream.linear.gather [hbm4b:s7+s3], $0x1000, $0x38;
	[tilespmem:$0x1F000] =	vst v63  }
0x14: {  	_ =	swait.ge [sflag:s13], $0x1000  }
0x15: {  	[sflag:s13] =	ssyncset.done $0x0  }
0x16: {  	s26 =	simm.s32 $0x0;
	[sflag:s13] =	ssyncadd.s32 $0xFFFFF000  }
.LBB2_2:
0x17: {  	s30 =	simm.s32 $0x0  }
0x18: {  	v3 =	vld [tilespmem:s30+$0x8070]  }
0x19: {  	s28 =	sadd.s32 s8, s26;
	v5 =	vld [tilespmem:s30+$0x8000]  }
0x1a: {  	v6 =	vld [tilespmem:s30+$0x8010];
	s29 =	smul.u32 $0x2800, s28  }
0x1b: {  	v4 =	vld [tilespmem:s30+$0x8020]  }
0x1c: {  	v2 =	vld [tilespmem:s30+$0x8030];
	v0 =	vmov s29  }
0x1d: {  	v1 =	vld [tilespmem:s30+$0x8040];
	v7 =	vadd.s32 v0, v3  }
0x1e: {  	v3 =	vld [tilespmem:s30+$0x8050];
	v5 =	vadd.s32 v0, v5;
	[tilespmem:s30+$0x9070] =	vst v7  }
0x1f: {  	s31 =	simm.s32 $0x80;
	s0 =	simm.s32 $0x400;
	v6 =	vadd.s32 v0, v6;
	[tilespmem:s30+$0x9000] =	vst v5;
	v5 =	vld [tilespmem:s30+$0x8060]  }
.LBB2_3:
0x20: {  	p0 =	sne.s32 s0, $0x3E00;
	v7 =	vld [tilespmem:s31+$0x8070];
	[tilespmem:s30+$0x9010] =	vst v6;
	v4 =	vadd.s32 v0, v4  }
0x21: {  	v6 =	vld [tilespmem:s31+$0x8000];
	[tilespmem:s30+$0x9020] =	vst v4;
	v2 =	vadd.s32 v0, v2  }
0x22: {  	v8 =	vld [tilespmem:s31+$0x8010];
	[tilespmem:s30+$0x9030] =	vst v2;
	v1 =	vadd.s32 v0, v1  }
.Ltmp0:
0x23: {  	v4 =	vld [tilespmem:s31+$0x8020];
	[tilespmem:s30+$0x9040] =	vst v1;
	v1 =	vadd.s32 v0, v3;
	(pc) =	sbr.rel @p0 .LBB2_3-.Ltmp0, $4  }
0x24: {  	v2 =	vld [tilespmem:s31+$0x8030];
	[tilespmem:s30+$0x9050] =	vst v1;
	v3 =	vadd.s32 v0, v5  }
0x25: {  	v1 =	vld [tilespmem:s31+$0x8040];
	v5 =	vadd.s32 v0, v7;
	[tilespmem:s30+$0x9060] =	vst v3;
	s30 =	smov.u32 s31  }
0x26: {  	v6 =	vadd.s32 v0, v6;
	v3 =	vld [tilespmem:s30+$0x8050];
	[tilespmem:s30+$0x9070] =	vst v5  }
0x27: {  	s31 =	sshra.s32 s0, $0x2;
	s0 =	sadd.s32 $0x200, s0;
	[tilespmem:s30+$0x9000] =	vst v6;
	v6 =	vadd.s32 v0, v8;
	v5 =	vld [tilespmem:s30+$0x8060]  }
0x28: {  	v7 =	vld [tilespmem:s31+$0x8070];
	[tilespmem:s30+$0x9010] =	vst v6;
	v4 =	vadd.s32 v0, v4  }
0x29: {  	v6 =	vld [tilespmem:s31+$0x8000];
	[tilespmem:s30+$0x9020] =	vst v4;
	v2 =	vadd.s32 v0, v2  }
0x2a: {  	v4 =	vld [tilespmem:s31+$0x8010];
	[tilespmem:s30+$0x9030] =	vst v2;
	v1 =	vadd.s32 v0, v1  }
0x2b: {  	v2 =	vld [tilespmem:s31+$0x8020];
	[tilespmem:s30+$0x9040] =	vst v1;
	v51 =	vadd.s32 v0, v3  }
0x2c: {  	v52 =	vld [tilespmem:s31+$0x8030];
	[tilespmem:s30+$0x9050] =	vst v51;
	v53 =	vadd.s32 v0, v5  }
0x2d: {  	v54 =	vld [tilespmem:s31+$0x8040];
	[tilespmem:s30+$0x9060] =	vst v53;
	v55 =	vadd.s32 v0, v7  }
0x2e: {  	v56 =	vld [tilespmem:s31+$0x8050];
	v6 =	vadd.s32 v0, v6;
	[tilespmem:s31+$0x9070] =	vst v55  }
0x2f: {  	v58 =	vld [tilespmem:s31+$0x8060];
	[tilespmem:s31+$0x9000] =	vst v6;
	v57 =	vadd.s32 v0, v4  }
0x30: {  	[tilespmem:s31+$0x9010] =	vst v57;
	v59 =	vadd.s32 v0, v2  }
0x31: {  	[tilespmem:s31+$0x9020] =	vst v59;
	v60 =	vadd.s32 v0, v52  }
0x32: {  	[tilespmem:s31+$0x9030] =	vst v60;
	v61 =	vadd.s32 v0, v54  }
0x33: {  	s0 =	sadd.s32 s9, s29;
	[tilespmem:s31+$0x9040] =	vst v61;
	v62 =	vadd.s32 v0, v56  }
0x34: {  	s0 =	sshll.u32 s0, $0x4;
	v63 =	vadd.s32 v0, v58;
	[tilespmem:s31+$0x9050] =	vst v62  }
0x35: {  	s0 =	sadd.s32 s4, s0;
	[tilespmem:s31+$0x9060] =	vst v63  }
0x36: {  	[spmem:s16], [sflag:s15] =	dma.local [hbm:s0], $0x2800  }
0x37: {  	_ =	swait.ge [sflag:s13], $0x2800  }
0x38: {  	[sflag:s13] =	ssyncset.done $0x0  }
0x39: {  	[sflag:s13] =	ssyncadd.s32 $0xFFFFD800  }
0x3a: {  	s30 =	simm.s32 $0x0;
	[bflag:$0x0] =	sbarrier.arrive $0xFFFF  }
0x3b: {  	[tilespmem:s30], [sflag:$0x1] =	stream.indirect.gather [hbm4b:s4+s17], $0x80, s18, s17, $0xb8;
	[tilespmem:$0x1F000] =	vst v63  }
0x3c: {  	s31 =	simm.s32 $0x9080  }
0x3d: {  	[tilespmem:s19], [sflag:$0x2] =	stream.indirect.gather [hbm4b:s4+s17], $0x80, s31, s17, $0xb8;
	[tilespmem:$0x1F000] =	vst v63  }
0x3e: {  	_ =	swait.ge [sflag:s20], $0x4000  }
0x3f: {  	[sflag:s20] =	ssyncset.done $0x0  }
0x40: {  	s1 =	simm.s32 $0xA000;
	[sflag:s20] =	ssyncadd.s32 $0xFFFFC000  }
0x41: {  	[spmem:s2] =	stream.indirect.scatter.add.f32 [tilespmem:s3], [sflag:$0x3], $0x80, s1, s17, $0xb8;
	[tilespmem:$0x1F000] =	vst v63  }
0x42: {  	_ =	swait.ge [sflag:s13], $0x4000  }
0x43: {  	[sflag:s13] =	ssyncset.done $0x0  }
0x44: {  	s30 =	simm.s32 $0x9100;
	[sflag:s13] =	ssyncadd.s32 $0xFFFFC000  }
0x45: {  	[tilespmem:s3], [sflag:$0x1] =	stream.indirect.gather [hbm4b:s4+s17], $0x80, s30, s17, $0xb8;
	[tilespmem:$0x1F000] =	vst v63  }
0x46: {  	_ =	swait.ge [sflag:s21], $0x4000  }
0x47: {  	[sflag:s21] =	ssyncset.done $0x0  }
0x48: {  	s31 =	simm.s32 $0xA080;
	[sflag:s21] =	ssyncadd.s32 $0xFFFFC000  }
0x49: {  	[spmem:s2] =	stream.indirect.scatter.add.f32 [tilespmem:s19], [sflag:$0x3], $0x80, s31, s17, $0xb8;
	[tilespmem:$0x1F000] =	vst v63  }
0x4a: {  	_ =	swait.ge [sflag:s13], $0x4000  }
0x4b: {  	s29 =	simm.s32 $0x100;
	s0 =	simm.s32 $0x800;
	[sflag:s13] =	ssyncset.done $0x0  }
.LBB2_5:
0x4c: {  	s30 =	sadd.s32 $0x9080, s29  }
0x4d: {  	[sflag:s13] =	ssyncadd.s32 $0xFFFFC000;
	s31 =	smov.u32 s0;
	s1 =	sadd.s32 $0x400, s0  }
0x4e: {  	[tilespmem:s19], [sflag:$0x2] =	stream.indirect.gather [hbm4b:s4+s17], $0x80, s30, s17, $0xb8;
	[tilespmem:$0x1F000] =	vst v63  }
0x4f: {  	p0 =	sne.s32 s0, $0x3800;
	_ =	swait.ge [sflag:s20], $0x4000  }
0x50: {  	[sflag:s20] =	ssyncset.done $0x0  }
0x51: {  	s0 =	sadd.s32 $0xA000, s29;
	[sflag:s20] =	ssyncadd.s32 $0xFFFFC000  }
0x52: {  	[spmem:s2] =	stream.indirect.scatter.add.f32 [tilespmem:s3], [sflag:$0x3], $0x80, s0, s17, $0xb8;
	[tilespmem:$0x1F000] =	vst v63  }
0x53: {  	_ =	swait.ge [sflag:s13], $0x4000  }
0x54: {  	[sflag:s13] =	ssyncset.done $0x0  }
0x55: {  	s0 =	sadd.s32 $0x9100, s29;
	[sflag:s13] =	ssyncadd.s32 $0xFFFFC000  }
0x56: {  	[tilespmem:s3], [sflag:$0x1] =	stream.indirect.gather [hbm4b:s4+s17], $0x80, s0, s17, $0xb8;
	[tilespmem:$0x1F000] =	vst v63  }
0x57: {  	_ =	swait.ge [sflag:s21], $0x4000  }
.Ltmp1:
0x58: {  	[sflag:s21] =	ssyncset.done $0x0;
	(pc) =	sbr.rel @p0 .LBB2_5-.Ltmp1, $4  }
0x59: {  	s0 =	sadd.s32 $0xA080, s29;
	[sflag:s21] =	ssyncadd.s32 $0xFFFFC000  }
0x5a: {  	[spmem:s2] =	stream.indirect.scatter.add.f32 [tilespmem:s19], [sflag:$0x3], $0x80, s0, s17, $0xb8;
	[tilespmem:$0x1F000] =	vst v63  }
0x5b: {  	_ =	swait.ge [sflag:s13], $0x4000  }
0x5c: {  	s29 =	sshra.s32 s31, $0x2;
	s0 =	smov.u32 s1;
	[sflag:s13] =	ssyncset.done $0x0  }
0x5d: {  	s0 =	sadd.s32 $0x9080, s29;
	[sflag:s13] =	ssyncadd.s32 $0xFFFFC000  }
0x5e: {  	[tilespmem:s19], [sflag:$0x2] =	stream.indirect.gather [hbm4b:s4+s17], $0x80, s0, s17, $0xb8;
	[tilespmem:$0x1F000] =	vst v63  }
0x5f: {  	_ =	swait.ge [sflag:s20], $0x4000  }
0x60: {  	[sflag:s20] =	ssyncset.done $0x0  }
0x61: {  	s31 =	sadd.s32 $0xA000, s29;
	[sflag:s20] =	ssyncadd.s32 $0xFFFFC000  }
0x62: {  	[spmem:s2] =	stream.indirect.scatter.add.f32 [tilespmem:s3], [sflag:$0x3], $0x80, s31, s17, $0xb8;
	[tilespmem:$0x1F000] =	vst v63  }
0x63: {  	_ =	swait.ge [sflag:s13], $0x4000  }
0x64: {  	[sflag:s13] =	ssyncset.done $0x0  }
0x65: {  	s1 =	sadd.s32 $0x9100, s29;
	[sflag:s13] =	ssyncadd.s32 $0xFFFFC000  }
0x66: {  	[tilespmem:s3], [sflag:$0x1] =	stream.indirect.gather [hbm4b:s4+s17], $0x80, s1, s17, $0xb8;
	[tilespmem:$0x1F000] =	vst v63  }
0x67: {  	_ =	swait.ge [sflag:s21], $0x4000  }
0x68: {  	[sflag:s21] =	ssyncset.done $0x0  }
0x69: {  	s30 =	sadd.s32 $0xA080, s29;
	[sflag:s21] =	ssyncadd.s32 $0xFFFFC000  }
0x6a: {  	[spmem:s2] =	stream.indirect.scatter.add.f32 [tilespmem:s19], [sflag:$0x3], $0x80, s30, s17, $0xb8;
	[tilespmem:$0x1F000] =	vst v63  }
0x6b: {  	_ =	swait.ge [sflag:s13], $0x4000  }
0x6c: {  	[sflag:s13] =	ssyncset.done $0x0  }
0x6d: {  	[sflag:s13] =	ssyncadd.s32 $0xFFFFC000  }
0x6e: {  	[tilespmem:s19], [sflag:$0x2] =	stream.indirect.gather [hbm4b:s4+s17], $0x80, s22, s17, $0xb8;
	[tilespmem:$0x1F000] =	vst v63  }
0x6f: {  	_ =	swait.ge [sflag:s20], $0x4000  }
0x70: {  	[sflag:s20] =	ssyncset.done $0x0  }
0x71: {  	[sflag:s20] =	ssyncadd.s32 $0xFFFFC000  }
0x72: {  	[spmem:s2] =	stream.indirect.scatter.add.f32 [tilespmem:s3], [sflag:$0x3], $0x80, s23, s17, $0xb8;
	[tilespmem:$0x1F000] =	vst v63  }
0x73: {  	_ =	swait.ge [sflag:s13], $0x4000  }
0x74: {  	[sflag:s13] =	ssyncset.done $0x0  }
0x75: {  	[sflag:s13] =	ssyncadd.s32 $0xFFFFC000  }
0x76: {  	_ =	swait.ge [sflag:s21], $0x4000  }
0x77: {  	[sflag:s21] =	ssyncset.done $0x0  }
0x78: {  	s31 =	smul.u32 $0x140000, s28;
	[sflag:s21] =	ssyncadd.s32 $0xFFFFC000  }
0x79: {  	[spmem:s2] =	stream.indirect.scatter.add.f32 [tilespmem:s19], [sflag:$0x3], $0x80, s24, s17, $0xb8;
	[tilespmem:$0x1F000] =	vst v63  }
0x7a: {  	_ =	swait.ge [sflag:s13], $0x4000  }
0x7b: {  	s0 =	sadd.s32 s10, s31;
	[sflag:s13] =	ssyncset.done $0x0  }
0x7c: {  	s26 =	sadd.s32 $0x1, s26;
	s0 =	sshrl.u32 s0, $0x3;
	[sflag:s13] =	ssyncadd.s32 $0xFFFFC000  }
0x7d: {  	p0 =	sne.s32 s26, $0x4;
	s0 =	sadd.s32 s5, s0;
	[bflag:$0x0] =	sbarrier.arrive $0xFFFF  }
0x7e: {  	[hbm:s0], [sflag:s15] =	dma.local [spmem:s16], $0x2800  }
.Ltmp2:
0x7f: {  	_ =	swait.ge [sflag:s13], $0x2800;
	(pc) =	sbr.rel @p0 .LBB2_2-.Ltmp2, $3  }
0x80: {  	[sflag:s13] =	ssyncset.done $0x0  }
0x81: {  	[sflag:s13] =	ssyncadd.s32 $0xFFFFD800  }
0x82: {  	[bflag:$0x0] =	sbarrier.arrive $0xFFFF;
	_ =	sdelay $0x1  }
0x83: {  	s25 =	sadd.s32 $0x1, s25  }
0x84: {  	p0 =	sne.s32 s25, s11  }
.Ltmp3:
0x85: {  	_ = 	snop;
	(pc) =	sbr.rel @p0 .LBB2_1-.Ltmp3, $1  }
0x86: {  	_ =	sdelay $0x3  }
0x87: {  	_ =	sfence.sel $0x180000  }
0x88: {  	[bflag:$0x0] =	sbarrier.arrive $0xFFFF  }
0x89: {  	_ =	strace $0x90000053  }
0x8a: {  	s0 =	stileid.u32;
	[bflag:$0x2] =	sbarrier.arrive $0xFFFF  }
0x8b: {  	p0 =	sne.s32 s0, $0x0;
	s0 =	rddreg [dreg:$0x2]  }
0x8c: {  	s0 =	sadd.s32 @!p0 $0x100000, s0  }
0x8d: {  	[sflag:s0] =	ssyncadd.tile.s32 @!p0 $0x1;
	_ =	shalt  }
.Lfunc_end2:
_tile_overlayer_lowered:
.L_overlay_start_2:
0x8e: {  	(tag) =	ssettag $0x2  }
0x8f: {  	s0 =	rddreg [dreg:$0x0];
	s2 =	stileid.u32  }
0x90: {  	s1 =	rddreg [dreg:$0x1];
	p0 =	sne.s32 s2, $0x0  }
0x91: {  	s3 =	rddreg [dreg:$0x2];
	[bflag:$0x3] =	sbarrier.arrive $0xFFFF;
	s2 =	simm.s32 @!p0 $0x1C03  }
0x92: {  	[timem:s3], [sflag:s2] =	dma.local @!p0 [hbm:s0], s1  }
0x93: {  	s0 =	simm.s32 @!p0 $0x3  }
0x94: {  	_ =	swait.ge @!p0 [sflag:s0], s1  }
0x95: {  	s1 =	ssub.s32 @!p0 $0x0, s1;
	[sflag:s0] =	ssyncset.done @!p0 $0x0  }
0x96: {  	[sflag:s0] =	ssyncadd.s32 @!p0 s1  }
0x97: {  	[bflag:$0x3] =	sbarrier.arrive $0xFFFF  }
0x98: {  	_ =	shalt  }

</sc_bundles>
